<compile_context>
chip_gen: v7x
topology: tpu7x:2x2x1
jax: 0.10.2.dev20260603
libtpu: 0.0.44.dev20260713+nightly
codegen_flags: <defaults>
</compile_context>

<pallas_src>
import jax
import jax.numpy as jnp
from jax import lax
from jax.experimental import pallas as pl
from jax.experimental.pallas import tpu as pltpu
from jax.experimental.pallas import tpu_sc as plsc

N_NODES = 10000
N_EDGES = 320000
D_FEAT = 128

NC = 2
NS = 16
L = 16

K = 128
NCH = N_EDGES // K
CPT = NCH // (NC * NS)
G = 6
NG = CPT // G
_CPR = 1000


def _copy_dst_to_cbuf(pbuf, cbuf, j):
    for k in range(K // L):
        cbuf[pl.ds(k * L, L)] = pbuf[1, pl.ds(j * K + k * L, L)]


def _sc_body(x, eidx, part, pbufa, pbufb, rows0, rows1, cbuf, ebuf, acc_sh,
             isema, isemb, sem0, sem1, esem):
    c = lax.axis_index("c")
    s = lax.axis_index("s")
    wid = c * NS + s
    c0 = wid * CPT

    rows = (rows0, rows1)
    sems = (sem0, sem1)
    pbufs = (pbufa, pbufb)
    isems = (isema, isemb)

    def idx_prefetch(g, b):
        off = (c0 + g * G) * K
        pltpu.async_copy(eidx.at[:, pl.ds(off, G * K)], pbufs[b], isems[b])

    def issue_gather(pb, j, rb):
        pltpu.async_copy(x.at[pb.at[0, pl.ds(j * K, K)]], rows[rb], sems[rb])

    def wait_gather(rb):
        pltpu.make_async_copy(x.at[pl.ds(0, K)], rows[rb], sems[rb]).wait()

    def wait_idx(b):
        pltpu.make_async_copy(eidx.at[:, pl.ds(0, G * K)], pbufs[b],
                              isems[b]).wait()

    idx_prefetch(0, 0)
    idx_prefetch(1, 1)
    nextra = NCH - NC * NS * CPT

    @pl.when(wid < nextra)
    def _extra_prefetch():
        off = (NC * NS * CPT + wid) * K
        pltpu.async_copy(eidx.at[:, pl.ds(off, K)], ebuf, esem)

    zv = jnp.zeros((L,), jnp.float32)

    @pl.loop(0, K)
    def _zero(r):
        for j in range(D_FEAT // L):
            rows1[r, pl.ds(j * L, L)] = zv

    wait_idx(0)
    issue_gather(pbufa, 0, 0)

    row0 = s * (N_NODES // NS)
    nfull = (N_NODES // NS) // K

    @pl.loop(0, nfull)
    def _zcopy(i):
        pltpu.sync_copy(rows1, acc_sh.at[pl.ds(row0 + i * K, K)])

    rem = N_NODES // NS - nfull * K
    pltpu.sync_copy(rows1.at[pl.ds(0, rem)],
                    acc_sh.at[pl.ds(row0 + nfull * K, rem)])

    plsc.subcore_barrier()

    def process_group(b, g, has_next, last=False):
        pb = pbufs[b]
        qb = pbufs[1 - b]
        for j in range(G):
            if j + 1 < G:
                issue_gather(pb, j + 1, (j + 1) % 2)
            elif has_next:
                wait_idx(1 - b)
                issue_gather(qb, 0, 0)
            elif last:
                @pl.when(wid < nextra)
                def _eg():
                    pltpu.make_async_copy(eidx.at[:, pl.ds(0, K)], ebuf,
                                          esem).wait()
                    issue_gather(ebuf, 0, 0)
            _copy_dst_to_cbuf(pb, cbuf, j)
            wait_gather(j % 2)
            if j == G - 1 and has_next:
                @pl.when(g + 2 < NG)
                def _pf():
                    idx_prefetch(g + 2, b)
            pltpu.sync_copy(rows[j % 2], acc_sh.at[cbuf], add=True)

    @pl.loop(0, NG // 2)
    def _pairs(p):
        process_group(0, 2 * p, True)
        process_group(1, 2 * p + 1, True)

    process_group(0, NG - 1, False, last=True)

    @pl.when(wid < nextra)
    def _extra():
        _copy_dst_to_cbuf(ebuf, cbuf, 0)
        wait_gather(0)
        pltpu.sync_copy(rows0, acc_sh.at[cbuf], add=True)

    plsc.subcore_barrier()

    @pl.when(s < N_NODES // _CPR)
    def _writeout():
        r0 = s * _CPR
        pltpu.sync_copy(acc_sh.at[pl.ds(r0, _CPR)],
                        part.at[c, pl.ds(r0, _CPR)])


def _combine_body(se_ref, x_ref, p_ref, o_ref):
    dt = se_ref[1] - se_ref[0]
    o_ref[...] = x_ref[...] + dt * (p_ref[0] + p_ref[1])


_BLK = 5000


def kernel(x, edge_index, start, end):
    part = pl.kernel(
        _sc_body,
        out_type=jax.ShapeDtypeStruct((NC, N_NODES, D_FEAT), jnp.float32),
        mesh=plsc.VectorSubcoreMesh(
            core_axis_name="c", subcore_axis_name="s",
            num_cores=NC, num_subcores=NS),
        scratch_types=[
            pltpu.VMEM((2, G * K), jnp.int32),
            pltpu.VMEM((2, G * K), jnp.int32),
            pltpu.VMEM((K, D_FEAT), jnp.float32),
            pltpu.VMEM((K, D_FEAT), jnp.float32),
            pltpu.VMEM((K,), jnp.int32),
            pltpu.VMEM((2, K), jnp.int32),
            pltpu.VMEM_SHARED((N_NODES, D_FEAT), jnp.float32),
            pltpu.SemaphoreType.DMA,
            pltpu.SemaphoreType.DMA,
            pltpu.SemaphoreType.DMA,
            pltpu.SemaphoreType.DMA,
            pltpu.SemaphoreType.DMA,
        ],
    )(x, edge_index)

    se = jnp.stack([start, end]).astype(jnp.float32)
    out = pl.pallas_call(
        _combine_body,
        out_shape=jax.ShapeDtypeStruct((N_NODES, D_FEAT), jnp.float32),
        grid=(N_NODES // _BLK,),
        in_specs=[
            pl.BlockSpec(memory_space=pltpu.SMEM),
            pl.BlockSpec((_BLK, D_FEAT), lambda i: (i, 0)),
            pl.BlockSpec((NC, _BLK, D_FEAT), lambda i: (0, i, 0)),
        ],
        out_specs=pl.BlockSpec((_BLK, D_FEAT), lambda i: (i, 0)),
    )(se, x, part)
    return out

# --- scband reference (transcript-rebuilt; emitter-appended) ---
"""Pipeline reference for scband-odeblock-70849780514974 (READ-ONLY COPY).

The authoritative reference and input builder live on the scoring server;
editing this copy changes nothing except your own understanding.
"""

import jax, jax.numpy as jnp
import numpy as np

N_NODES = 10000
N_EDGES = 320000
D_FEAT = 128


def setup_inputs(seed: int = 0) -> dict:
    key = jax.random.key(seed)
    k1, k2 = jax.random.split(key)
    x = jax.random.normal(k1, (N_NODES, D_FEAT), dtype=jnp.float32)
    edge_index = jax.random.randint(k2, (2, N_EDGES), 0, N_NODES, dtype=jnp.int64 if jax.config.jax_enable_x64 else jnp.int32).astype(jnp.int32)
    start = jnp.zeros((), dtype=jnp.float32)
    end = jnp.ones((), dtype=jnp.float32)
    return {"x": x, "edge_index": edge_index, "start": start, "end": end}


def _lgconv(h, src, dst, num_nodes):
    # LGConv with normalize=False: out[i] = sum_{j in N(i)} h[j]
    # adj_t message passing == scatter-add of gathered source features onto dst
    msgs = jnp.take(h, src, axis=0)
    return jax.ops.segment_sum(msgs, dst, num_segments=num_nodes)


def reference(x, edge_index, start, end):
    # ODEBlock.forward: t = stack([start, end]); out = odeint(odefunc, x, t, method='euler'); return out[1]
    # Fixed-grid Euler solver over grid t=[start, end] performs a single Euler step:
    #   y1 = y0 + (t1 - t0) * f(t0, y0)
    # where f(t, y) = LGConv(y, adj_t) (time-independent).
    src = edge_index[0]
    dst = edge_index[1]
    n = x.shape[0]
    dydt = _lgconv(x, src, dst, n)
    out = x + (end - start) * dydt
    return out

if __name__ == "__main__":
    import jax
    _d = setup_inputs()
    print(jax.jit(kernel)(*tuple(_d.values())))

</pallas_src>

<mosaic_0001>
#map = affine_map<(d0, d1) -> (0, 0)>
#map1 = affine_map<(d0, d1) -> (0, 0, 0)>
module attributes {stable_mosaic.version = 14 : i64} {
  func.func @_sc_body(%arg0: i32, %arg1: i32, %arg2: memref<10000x128xf32, #tpu.memory_space<hbm>>, %arg3: memref<2x320000xi32, #tpu.memory_space<hbm>>, %arg4: memref<2x10000x128xf32, #tpu.memory_space<hbm>>, %arg5: memref<2x768xi32, #tpu.memory_space<vmem>>, %arg6: memref<2x768xi32, #tpu.memory_space<vmem>>, %arg7: memref<128x128xf32, #tpu.memory_space<vmem>>, %arg8: memref<128x128xf32, #tpu.memory_space<vmem>>, %arg9: memref<128xi32, #tpu.memory_space<vmem>>, %arg10: memref<2x128xi32, #tpu.memory_space<vmem>>, %arg11: memref<10000x128xf32, #tpu.memory_space<vmem_shared>>, %arg12: memref<!tpu.dma_semaphore, #tpu.memory_space<semaphore_mem>>, %arg13: memref<!tpu.dma_semaphore, #tpu.memory_space<semaphore_mem>>, %arg14: memref<!tpu.dma_semaphore, #tpu.memory_space<semaphore_mem>>, %arg15: memref<!tpu.dma_semaphore, #tpu.memory_space<semaphore_mem>>, %arg16: memref<!tpu.dma_semaphore, #tpu.memory_space<semaphore_mem>>) attributes {dimension_semantics = [#tpu.dimension_semantics<core_parallel>, #tpu.dimension_semantics<subcore_parallel>], iteration_bounds = array<i64: 2, 16>, scalar_prefetch = 0 : i64, scratch_operands = 12 : i64, tpu.core_type = #tpu.core_type<sc_vector_subcore>, window_params = [{transform_indices = #map}, {transform_indices = #map}, {transform_indices = #map1}]} {
    %mul3A = arith.constant 16 : i32
    %mul3A_0 = arith.muli %arg0, %mul3A : i32
    %add3A = arith.addi %mul3A_0, %arg1 : i32
    %mul3A_1 = arith.constant 78 : i32
    %mul3A_2 = arith.muli %add3A, %mul3A_1 : i32
    %add3A_3 = arith.constant 0 : i32
    %add3A_4 = arith.addi %mul3A_2, %add3A_3 : i32
    %mul3A_5 = arith.constant 128 : i32
    %mul3A_6 = arith.muli %add3A_4, %mul3A_5 : i32
    %dma_start3A = arith.constant 0 : i32
    %dma_start3A_7 = tpu.memref_slice %arg3[%dma_start3A, %mul3A_6] : memref<2x320000xi32, #tpu.memory_space<hbm>> -> memref<2x768xi32, #tpu.memory_space<hbm>>
    %dma_start3A_8 = arith.constant 0 : i32
    %dma_start3A_9 = tpu.memref_slice %arg3[%dma_start3A_8, %mul3A_6] : memref<2x320000xi32, #tpu.memory_space<hbm>> -> memref<2x768xi32, #tpu.memory_space<hbm>>
    tpu.enqueue_dma source(%dma_start3A_9 : memref<2x768xi32, #tpu.memory_space<hbm>>) target(%arg5 : memref<2x768xi32, #tpu.memory_space<vmem>>) target_semaphore(%arg12 : memref<!tpu.dma_semaphore, #tpu.memory_space<semaphore_mem>>)
    %add3A_10 = arith.constant 6 : i32
    %add3A_11 = arith.addi %mul3A_2, %add3A_10 : i32
    %mul3A_12 = arith.constant 128 : i32
    %mul3A_13 = arith.muli %add3A_11, %mul3A_12 : i32
    %dma_start3A_14 = arith.constant 0 : i32
    %dma_start3A_15 = tpu.memref_slice %arg3[%dma_start3A_14, %mul3A_13] : memref<2x320000xi32, #tpu.memory_space<hbm>> -> memref<2x768xi32, #tpu.memory_space<hbm>>
    %dma_start3A_16 = arith.constant 0 : i32
    %dma_start3A_17 = tpu.memref_slice %arg3[%dma_start3A_16, %mul3A_13] : memref<2x320000xi32, #tpu.memory_space<hbm>> -> memref<2x768xi32, #tpu.memory_space<hbm>>
    tpu.enqueue_dma source(%dma_start3A_17 : memref<2x768xi32, #tpu.memory_space<hbm>>) target(%arg6 : memref<2x768xi32, #tpu.memory_space<vmem>>) target_semaphore(%arg13 : memref<!tpu.dma_semaphore, #tpu.memory_space<semaphore_mem>>)
    %lt3A = arith.constant 4 : i32
    %lt3A_18 = arith.cmpi slt, %add3A, %lt3A : i32
    %convert_element_type3A = arith.extui %lt3A_18 : i1 to i32
    %cond3A = arith.constant 0 : i32
    %cond3A_19 = arith.cmpi ne, %convert_element_type3A, %cond3A : i32
    scf.if %cond3A_19 {
      %add3A_568 = arith.constant 2496 : i32
      %add3A_569 = arith.addi %add3A_568, %add3A : i32
      %mul3A_570 = arith.constant 128 : i32
      %mul3A_571 = arith.muli %add3A_569, %mul3A_570 : i32
      %dma_start3A_572 = arith.constant 0 : i32
      %dma_start3A_573 = tpu.memref_slice %arg3[%dma_start3A_572, %mul3A_571] : memref<2x320000xi32, #tpu.memory_space<hbm>> -> memref<2x128xi32, #tpu.memory_space<hbm>>
      %dma_start3A_574 = arith.constant 0 : i32
      %dma_start3A_575 = tpu.memref_slice %arg3[%dma_start3A_574, %mul3A_571] : memref<2x320000xi32, #tpu.memory_space<hbm>> -> memref<2x128xi32, #tpu.memory_space<hbm>>
      tpu.enqueue_dma source(%dma_start3A_575 : memref<2x128xi32, #tpu.memory_space<hbm>>) target(%arg10 : memref<2x128xi32, #tpu.memory_space<vmem>>) target_semaphore(%arg16 : memref<!tpu.dma_semaphore, #tpu.memory_space<semaphore_mem>>)
    } else {
    }
    %broadcast_in_dim3A = arith.constant 0.000000e+00 : f32
    %broadcast_in_dim3A_20 = vector.broadcast %broadcast_in_dim3A : f32 to vector<16xf32>
    %scan3A = arith.constant 0 : i32
    %scan3A_21 = arith.constant 128 : i32
    %scan3A_22 = arith.addi %scan3A, %scan3A_21 : i32
    %scan3A_23 = arith.constant 1 : i32
    scf.for %scan3A_568 = %scan3A to %scan3A_22 step %scan3A_23  : i32 {
      %mul3A_569 = arith.constant 1 : i32
      %mul3A_570 = arith.muli %scan3A_568, %mul3A_569 : i32
      %add3A_571 = arith.constant 0 : i32
      %add3A_572 = arith.addi %add3A_571, %mul3A_570 : i32
      %swap3A_573 = arith.index_cast %add3A_572 : i32 to index
      %swap3A_574 = arith.constant 0 : index
      %swap3A_575 = tpu.vector_load %arg8[%swap3A_573, %swap3A_574] {strides = array<i32>} : memref<128x128xf32, #tpu.memory_space<vmem>>, vector<1x16xf32>,
      %swap3A_576 = vector.shape_cast %swap3A_575 : vector<1x16xf32> to vector<16xf32>
      %swap3A_577 = vector.shape_cast %broadcast_in_dim3A_20 : vector<16xf32> to vector<1x16xf32>
      tpu.vector_store %arg8[%swap3A_573, %swap3A_574], %swap3A_577 {strides = array<i32>} : memref<128x128xf32, #tpu.memory_space<vmem>>, vector<1x16xf32>,
      %swap3A_578 = arith.index_cast %add3A_572 : i32 to index
      %swap3A_579 = arith.constant 16 : index
      %swap3A_580 = tpu.vector_load %arg8[%swap3A_578, %swap3A_579] {strides = array<i32>} : memref<128x128xf32, #tpu.memory_space<vmem>>, vector<1x16xf32>,
      %swap3A_581 = vector.shape_cast %swap3A_580 : vector<1x16xf32> to vector<16xf32>
      %swap3A_582 = vector.shape_cast %broadcast_in_dim3A_20 : vector<16xf32> to vector<1x16xf32>
      tpu.vector_store %arg8[%swap3A_578, %swap3A_579], %swap3A_582 {strides = array<i32>} : memref<128x128xf32, #tpu.memory_space<vmem>>, vector<1x16xf32>,
      %swap3A_583 = arith.index_cast %add3A_572 : i32 to index
      %swap3A_584 = arith.constant 32 : index
      %swap3A_585 = tpu.vector_load %arg8[%swap3A_583, %swap3A_584] {strides = array<i32>} : memref<128x128xf32, #tpu.memory_space<vmem>>, vector<1x16xf32>,
      %swap3A_586 = vector.shape_cast %swap3A_585 : vector<1x16xf32> to vector<16xf32>
      %swap3A_587 = vector.shape_cast %broadcast_in_dim3A_20 : vector<16xf32> to vector<1x16xf32>
      tpu.vector_store %arg8[%swap3A_583, %swap3A_584], %swap3A_587 {strides = array<i32>} : memref<128x128xf32, #tpu.memory_space<vmem>>, vector<1x16xf32>,
      %swap3A_588 = arith.index_cast %add3A_572 : i32 to index
      %swap3A_589 = arith.constant 48 : index
      %swap3A_590 = tpu.vector_load %arg8[%swap3A_588, %swap3A_589] {strides = array<i32>} : memref<128x128xf32, #tpu.memory_space<vmem>>, vector<1x16xf32>,
      %swap3A_591 = vector.shape_cast %swap3A_590 : vector<1x16xf32> to vector<16xf32>
      %swap3A_592 = vector.shape_cast %broadcast_in_dim3A_20 : vector<16xf32> to vector<1x16xf32>
      tpu.vector_store %arg8[%swap3A_588, %swap3A_589], %swap3A_592 {strides = array<i32>} : memref<128x128xf32, #tpu.memory_space<vmem>>, vector<1x16xf32>,
      %swap3A_593 = arith.index_cast %add3A_572 : i32 to index
      %swap3A_594 = arith.constant 64 : index
      %swap3A_595 = tpu.vector_load %arg8[%swap3A_593, %swap3A_594] {strides = array<i32>} : memref<128x128xf32, #tpu.memory_space<vmem>>, vector<1x16xf32>,
      %swap3A_596 = vector.shape_cast %swap3A_595 : vector<1x16xf32> to vector<16xf32>
      %swap3A_597 = vector.shape_cast %broadcast_in_dim3A_20 : vector<16xf32> to vector<1x16xf32>
      tpu.vector_store %arg8[%swap3A_593, %swap3A_594], %swap3A_597 {strides = array<i32>} : memref<128x128xf32, #tpu.memory_space<vmem>>, vector<1x16xf32>,
      %swap3A_598 = arith.index_cast %add3A_572 : i32 to index
      %swap3A_599 = arith.constant 80 : index
      %swap3A_600 = tpu.vector_load %arg8[%swap3A_598, %swap3A_599] {strides = array<i32>} : memref<128x128xf32, #tpu.memory_space<vmem>>, vector<1x16xf32>,
      %swap3A_601 = vector.shape_cast %swap3A_600 : vector<1x16xf32> to vector<16xf32>
      %swap3A_602 = vector.shape_cast %broadcast_in_dim3A_20 : vector<16xf32> to vector<1x16xf32>
      tpu.vector_store %arg8[%swap3A_598, %swap3A_599], %swap3A_602 {strides = array<i32>} : memref<128x128xf32, #tpu.memory_space<vmem>>, vector<1x16xf32>,
      %swap3A_603 = arith.index_cast %add3A_572 : i32 to index
      %swap3A_604 = arith.constant 96 : index
      %swap3A_605 = tpu.vector_load %arg8[%swap3A_603, %swap3A_604] {strides = array<i32>} : memref<128x128xf32, #tpu.memory_space<vmem>>, vector<1x16xf32>,
      %swap3A_606 = vector.shape_cast %swap3A_605 : vector<1x16xf32> to vector<16xf32>
      %swap3A_607 = vector.shape_cast %broadcast_in_dim3A_20 : vector<16xf32> to vector<1x16xf32>
      tpu.vector_store %arg8[%swap3A_603, %swap3A_604], %swap3A_607 {strides = array<i32>} : memref<128x128xf32, #tpu.memory_space<vmem>>, vector<1x16xf32>,
      %swap3A_608 = arith.index_cast %add3A_572 : i32 to index
      %swap3A_609 = arith.constant 112 : index
      %swap3A_610 = tpu.vector_load %arg8[%swap3A_608, %swap3A_609] {strides = array<i32>} : memref<128x128xf32, #tpu.memory_space<vmem>>, vector<1x16xf32>,
      %swap3A_611 = vector.shape_cast %swap3A_610 : vector<1x16xf32> to vector<16xf32>
      %swap3A_612 = vector.shape_cast %broadcast_in_dim3A_20 : vector<16xf32> to vector<1x16xf32>
      tpu.vector_store %arg8[%swap3A_608, %swap3A_609], %swap3A_612 {strides = array<i32>} : memref<128x128xf32, #tpu.memory_space<vmem>>, vector<1x16xf32>,
    }
    %scan3A_24 = arith.constant 128 : i32
    %dma_wait3A = arith.constant 0 : i32
    %dma_wait3A_25 = arith.constant 0 : i32
    %dma_wait3A_26 = tpu.memref_slice %arg3[%dma_wait3A, %dma_wait3A_25] : memref<2x320000xi32, #tpu.memory_space<hbm>> -> memref<2x768xi32, #tpu.memory_space<hbm>>
    %dma_wait3A_27 = arith.constant 0 : i32
    %dma_wait3A_28 = arith.constant 0 : i32
    %dma_wait3A_29 = tpu.memref_slice %arg3[%dma_wait3A_27, %dma_wait3A_28] : memref<2x320000xi32, #tpu.memory_space<hbm>> -> memref<2x768xi32, #tpu.memory_space<hbm>>
    tpu.wait_dma2 semaphore(%arg12 : memref<!tpu.dma_semaphore, #tpu.memory_space<semaphore_mem>>) src(%dma_wait3A_29 : memref<2x768xi32, #tpu.memory_space<hbm>>) dst(%arg5 : memref<2x768xi32, #tpu.memory_space<vmem>>)
    %dma_start3A_30 = arith.constant 0 : i32
    %dma_start3A_31 = arith.constant 0 : i32
    %dma_start3A_32 = tpu.memref_slice %arg5[%dma_start3A_30, %dma_start3A_31] : memref<2x768xi32, #tpu.memory_space<vmem>> -> memref<1x128xi32, #tpu.memory_space<vmem>>
    %dma_start3A_33 = tpu.memref_squeeze %dma_start3A_32 : memref<1x128xi32, #tpu.memory_space<vmem>> -> memref<128xi32, #tpu.memory_space<vmem>>
    %dma_start3A_34 = arith.constant 0 : i32
    %dma_start3A_35 = arith.constant 0 : i32
    %dma_start3A_36 = tpu.memref_slice %arg2[%dma_start3A_34, %dma_start3A_35] : memref<10000x128xf32, #tpu.memory_space<hbm>> -> memref<10000x128xf32, #tpu.memory_space<hbm>>
    tpu.enqueue_indirect_dma source(%dma_start3A_36 : memref<10000x128xf32, #tpu.memory_space<hbm>>) target(%arg7 : memref<128x128xf32, #tpu.memory_space<vmem>>) offsets(%dma_start3A_33 : memref<128xi32, #tpu.memory_space<vmem>>) semaphore(%arg14 : memref<!tpu.dma_semaphore, #tpu.memory_space<semaphore_mem>>)
    %mul3A_37 = arith.constant 625 : i32
    %mul3A_38 = arith.muli %arg1, %mul3A_37 : i32
    %scan3A_39 = arith.constant 0 : i32
    %scan3A_40 = arith.constant 4 : i32
    %scan3A_41 = arith.addi %scan3A_39, %scan3A_40 : i32
    %scan3A_42 = arith.constant 1 : i32
    scf.for %scan3A_568 = %scan3A_39 to %scan3A_41 step %scan3A_42  : i32 {
      %mul3A_569 = arith.constant 1 : i32
      %mul3A_570 = arith.muli %scan3A_568, %mul3A_569 : i32
      %add3A_571 = arith.constant 0 : i32
      %add3A_572 = arith.addi %add3A_571, %mul3A_570 : i32
      %mul3A_573 = arith.constant 128 : i32
      %mul3A_574 = arith.muli %add3A_572, %mul3A_573 : i32
      %add3A_575 = arith.addi %mul3A_38, %mul3A_574 : i32
      "tpu.region"() ({
        %run_scoped3A = tpu.sem_alloc : memref<!tpu.dma_semaphore, #tpu.memory_space<semaphore_mem>>
        %dma_start3A_576 = arith.constant 0 : i32
        %dma_start3A_577 = tpu.memref_slice %arg11[%add3A_575, %dma_start3A_576] : memref<10000x128xf32, #tpu.memory_space<vmem_shared>> -> memref<128x128xf32, #tpu.memory_space<vmem_shared>>
        %dma_start3A_578 = arith.constant 0 : i32
        %dma_start3A_579 = tpu.memref_slice %arg11[%add3A_575, %dma_start3A_578] : memref<10000x128xf32, #tpu.memory_space<vmem_shared>> -> memref<128x128xf32, #tpu.memory_space<vmem_shared>>
        tpu.enqueue_dma source(%arg8 : memref<128x128xf32, #tpu.memory_space<vmem>>) target(%dma_start3A_579 : memref<128x128xf32, #tpu.memory_space<vmem_shared>>) target_semaphore(%run_scoped3A : memref<!tpu.dma_semaphore, #tpu.memory_space<semaphore_mem>>)
        %dma_wait3A_580 = arith.constant 0 : i32
        %dma_wait3A_581 = tpu.memref_slice %arg11[%add3A_575, %dma_wait3A_580] : memref<10000x128xf32, #tpu.memory_space<vmem_shared>> -> memref<128x128xf32, #tpu.memory_space<vmem_shared>>
        %dma_wait3A_582 = arith.constant 0 : i32
        %dma_wait3A_583 = tpu.memref_slice %arg11[%add3A_575, %dma_wait3A_582] : memref<10000x128xf32, #tpu.memory_space<vmem_shared>> -> memref<128x128xf32, #tpu.memory_space<vmem_shared>>
        tpu.wait_dma2 semaphore(%run_scoped3A : memref<!tpu.dma_semaphore, #tpu.memory_space<semaphore_mem>>) src(%arg8 : memref<128x128xf32, #tpu.memory_space<vmem>>) dst(%dma_wait3A_583 : memref<128x128xf32, #tpu.memory_space<vmem_shared>>)
        tpu.yield
      }) : () -> ()
    }
    %scan3A_43 = arith.constant 4 : i32
    %add3A_44 = arith.constant 512 : i32
    %add3A_45 = arith.addi %mul3A_38, %add3A_44 : i32
    "tpu.region"() ({
      %run_scoped3A = tpu.sem_alloc : memref<!tpu.dma_semaphore, #tpu.memory_space<semaphore_mem>>
      %dma_start3A_568 = arith.constant 0 : i32
      %dma_start3A_569 = arith.constant 0 : i32
      %dma_start3A_570 = tpu.memref_slice %arg8[%dma_start3A_568, %dma_start3A_569] : memref<128x128xf32, #tpu.memory_space<vmem>> -> memref<113x128xf32, #tpu.memory_space<vmem>>
      %dma_start3A_571 = arith.constant 0 : i32
      %dma_start3A_572 = tpu.memref_slice %arg11[%add3A_45, %dma_start3A_571] : memref<10000x128xf32, #tpu.memory_space<vmem_shared>> -> memref<113x128xf32, #tpu.memory_space<vmem_shared>>
      %dma_start3A_573 = arith.constant 0 : i32
      %dma_start3A_574 = tpu.memref_slice %arg11[%add3A_45, %dma_start3A_573] : memref<10000x128xf32, #tpu.memory_space<vmem_shared>> -> memref<113x128xf32, #tpu.memory_space<vmem_shared>>
      %dma_start3A_575 = arith.constant 0 : i32
      %dma_start3A_576 = arith.constant 0 : i32
      %dma_start3A_577 = tpu.memref_slice %arg8[%dma_start3A_575, %dma_start3A_576] : memref<128x128xf32, #tpu.memory_space<vmem>> -> memref<113x128xf32, #tpu.memory_space<vmem>>
      tpu.enqueue_dma source(%dma_start3A_577 : memref<113x128xf32, #tpu.memory_space<vmem>>) target(%dma_start3A_574 : memref<113x128xf32, #tpu.memory_space<vmem_shared>>) target_semaphore(%run_scoped3A : memref<!tpu.dma_semaphore, #tpu.memory_space<semaphore_mem>>)
      %dma_wait3A_578 = arith.constant 0 : i32
      %dma_wait3A_579 = arith.constant 0 : i32
      %dma_wait3A_580 = tpu.memref_slice %arg8[%dma_wait3A_578, %dma_wait3A_579] : memref<128x128xf32, #tpu.memory_space<vmem>> -> memref<113x128xf32, #tpu.memory_space<vmem>>
      %dma_wait3A_581 = arith.constant 0 : i32
      %dma_wait3A_582 = tpu.memref_slice %arg11[%add3A_45, %dma_wait3A_581] : memref<10000x128xf32, #tpu.memory_space<vmem_shared>> -> memref<113x128xf32, #tpu.memory_space<vmem_shared>>
      %dma_wait3A_583 = arith.constant 0 : i32
      %dma_wait3A_584 = tpu.memref_slice %arg11[%add3A_45, %dma_wait3A_583] : memref<10000x128xf32, #tpu.memory_space<vmem_shared>> -> memref<113x128xf32, #tpu.memory_space<vmem_shared>>
      %dma_wait3A_585 = arith.constant 0 : i32
      %dma_wait3A_586 = arith.constant 0 : i32
      %dma_wait3A_587 = tpu.memref_slice %arg8[%dma_wait3A_585, %dma_wait3A_586] : memref<128x128xf32, #tpu.memory_space<vmem>> -> memref<113x128xf32, #tpu.memory_space<vmem>>
      tpu.wait_dma2 semaphore(%run_scoped3A : memref<!tpu.dma_semaphore, #tpu.memory_space<semaphore_mem>>) src(%dma_wait3A_587 : memref<113x128xf32, #tpu.memory_space<vmem>>) dst(%dma_wait3A_584 : memref<113x128xf32, #tpu.memory_space<vmem_shared>>)
      tpu.yield
    }) : () -> ()
    %barrier3A = arith.constant 0 : index
    tpu.barrier barrier_id(%barrier3A)
    %scan3A_46 = arith.constant 0 : i32
    %scan3A_47 = arith.constant 6 : i32
    %scan3A_48 = arith.addi %scan3A_46, %scan3A_47 : i32
    %scan3A_49 = arith.constant 1 : i32
    scf.for %scan3A_568 = %scan3A_46 to %scan3A_48 step %scan3A_49  : i32 {
      %mul3A_569 = arith.constant 1 : i32
      %mul3A_570 = arith.muli %scan3A_568, %mul3A_569 : i32
      %add3A_571 = arith.constant 0 : i32
      %add3A_572 = arith.addi %add3A_571, %mul3A_570 : i32
      %mul3A_573 = arith.constant 2 : i32
      %mul3A_574 = arith.muli %mul3A_573, %add3A_572 : i32
      %dma_start3A_575 = arith.constant 0 : i32
      %dma_start3A_576 = arith.constant 128 : i32
      %dma_start3A_577 = tpu.memref_slice %arg5[%dma_start3A_575, %dma_start3A_576] : memref<2x768xi32, #tpu.memory_space<vmem>> -> memref<1x128xi32, #tpu.memory_space<vmem>>
      %dma_start3A_578 = tpu.memref_squeeze %dma_start3A_577 : memref<1x128xi32, #tpu.memory_space<vmem>> -> memref<128xi32, #tpu.memory_space<vmem>>
      %dma_start3A_579 = arith.constant 0 : i32
      %dma_start3A_580 = arith.constant 0 : i32
      %dma_start3A_581 = tpu.memref_slice %arg2[%dma_start3A_579, %dma_start3A_580] : memref<10000x128xf32, #tpu.memory_space<hbm>> -> memref<10000x128xf32, #tpu.memory_space<hbm>>
      tpu.enqueue_indirect_dma source(%dma_start3A_581 : memref<10000x128xf32, #tpu.memory_space<hbm>>) target(%arg8 : memref<128x128xf32, #tpu.memory_space<vmem>>) offsets(%dma_start3A_578 : memref<128xi32, #tpu.memory_space<vmem>>) semaphore(%arg15 : memref<!tpu.dma_semaphore, #tpu.memory_space<semaphore_mem>>)
      %get3A_582 = arith.constant 1 : i32
      %get3A_583 = arith.index_cast %get3A_582 : i32 to index
      %get3A_584 = arith.constant 0 : index
      %get3A_585 = tpu.vector_load %arg5[%get3A_583, %get3A_584] {strides = array<i32>} : memref<2x768xi32, #tpu.memory_space<vmem>>, vector<1x16xi32>,
      %get3A_586 = vector.shape_cast %get3A_585 : vector<1x16xi32> to vector<16xi32>
      %swap3A_587 = arith.constant 0 : index
      %swap3A_588 = tpu.vector_load %arg9[%swap3A_587] {strides = array<i32>} : memref<128xi32, #tpu.memory_space<vmem>>, vector<16xi32>,
      %swap3A_589 = vector.shape_cast %swap3A_588 : vector<16xi32> to vector<16xi32>
      %swap3A_590 = vector.shape_cast %get3A_586 : vector<16xi32> to vector<16xi32>
      tpu.vector_store %arg9[%swap3A_587], %swap3A_590 {strides = array<i32>} : memref<128xi32, #tpu.memory_space<vmem>>, vector<16xi32>,
      %get3A_591 = arith.constant 1 : i32
      %get3A_592 = arith.index_cast %get3A_591 : i32 to index
      %get3A_593 = arith.constant 16 : index
      %get3A_594 = tpu.vector_load %arg5[%get3A_592, %get3A_593] {strides = array<i32>} : memref<2x768xi32, #tpu.memory_space<vmem>>, vector<1x16xi32>,
      %get3A_595 = vector.shape_cast %get3A_594 : vector<1x16xi32> to vector<16xi32>
      %swap3A_596 = arith.constant 16 : index
      %swap3A_597 = tpu.vector_load %arg9[%swap3A_596] {strides = array<i32>} : memref<128xi32, #tpu.memory_space<vmem>>, vector<16xi32>,
      %swap3A_598 = vector.shape_cast %swap3A_597 : vector<16xi32> to vector<16xi32>
      %swap3A_599 = vector.shape_cast %get3A_595 : vector<16xi32> to vector<16xi32>
      tpu.vector_store %arg9[%swap3A_596], %swap3A_599 {strides = array<i32>} : memref<128xi32, #tpu.memory_space<vmem>>, vector<16xi32>,
      %get3A_600 = arith.constant 1 : i32
      %get3A_601 = arith.index_cast %get3A_600 : i32 to index
      %get3A_602 = arith.constant 32 : index
      %get3A_603 = tpu.vector_load %arg5[%get3A_601, %get3A_602] {strides = array<i32>} : memref<2x768xi32, #tpu.memory_space<vmem>>, vector<1x16xi32>,
      %get3A_604 = vector.shape_cast %get3A_603 : vector<1x16xi32> to vector<16xi32>
      %swap3A_605 = arith.constant 32 : index
      %swap3A_606 = tpu.vector_load %arg9[%swap3A_605] {strides = array<i32>} : memref<128xi32, #tpu.memory_space<vmem>>, vector<16xi32>,
      %swap3A_607 = vector.shape_cast %swap3A_606 : vector<16xi32> to vector<16xi32>
      %swap3A_608 = vector.shape_cast %get3A_604 : vector<16xi32> to vector<16xi32>
      tpu.vector_store %arg9[%swap3A_605], %swap3A_608 {strides = array<i32>} : memref<128xi32, #tpu.memory_space<vmem>>, vector<16xi32>,
      %get3A_609 = arith.constant 1 : i32
      %get3A_610 = arith.index_cast %get3A_609 : i32 to index
      %get3A_611 = arith.constant 48 : index
      %get3A_612 = tpu.vector_load %arg5[%get3A_610, %get3A_611] {strides = array<i32>} : memref<2x768xi32, #tpu.memory_space<vmem>>, vector<1x16xi32>,
      %get3A_613 = vector.shape_cast %get3A_612 : vector<1x16xi32> to vector<16xi32>
      %swap3A_614 = arith.constant 48 : index
      %swap3A_615 = tpu.vector_load %arg9[%swap3A_614] {strides = array<i32>} : memref<128xi32, #tpu.memory_space<vmem>>, vector<16xi32>,
      %swap3A_616 = vector.shape_cast %swap3A_615 : vector<16xi32> to vector<16xi32>
      %swap3A_617 = vector.shape_cast %get3A_613 : vector<16xi32> to vector<16xi32>
      tpu.vector_store %arg9[%swap3A_614], %swap3A_617 {strides = array<i32>} : memref<128xi32, #tpu.memory_space<vmem>>, vector<16xi32>,
      %get3A_618 = arith.constant 1 : i32
      %get3A_619 = arith.index_cast %get3A_618 : i32 to index
      %get3A_620 = arith.constant 64 : index
      %get3A_621 = tpu.vector_load %arg5[%get3A_619, %get3A_620] {strides = array<i32>} : memref<2x768xi32, #tpu.memory_space<vmem>>, vector<1x16xi32>,
      %get3A_622 = vector.shape_cast %get3A_621 : vector<1x16xi32> to vector<16xi32>
      %swap3A_623 = arith.constant 64 : index
      %swap3A_624 = tpu.vector_load %arg9[%swap3A_623] {strides = array<i32>} : memref<128xi32, #tpu.memory_space<vmem>>, vector<16xi32>,
      %swap3A_625 = vector.shape_cast %swap3A_624 : vector<16xi32> to vector<16xi32>
      %swap3A_626 = vector.shape_cast %get3A_622 : vector<16xi32> to vector<16xi32>
      tpu.vector_store %arg9[%swap3A_623], %swap3A_626 {strides = array<i32>} : memref<128xi32, #tpu.memory_space<vmem>>, vector<16xi32>,
      %get3A_627 = arith.constant 1 : i32
      %get3A_628 = arith.index_cast %get3A_627 : i32 to index
      %get3A_629 = arith.constant 80 : index
      %get3A_630 = tpu.vector_load %arg5[%get3A_628, %get3A_629] {strides = array<i32>} : memref<2x768xi32, #tpu.memory_space<vmem>>, vector<1x16xi32>,
      %get3A_631 = vector.shape_cast %get3A_630 : vector<1x16xi32> to vector<16xi32>
      %swap3A_632 = arith.constant 80 : index
      %swap3A_633 = tpu.vector_load %arg9[%swap3A_632] {strides = array<i32>} : memref<128xi32, #tpu.memory_space<vmem>>, vector<16xi32>,
      %swap3A_634 = vector.shape_cast %swap3A_633 : vector<16xi32> to vector<16xi32>
      %swap3A_635 = vector.shape_cast %get3A_631 : vector<16xi32> to vector<16xi32>
      tpu.vector_store %arg9[%swap3A_632], %swap3A_635 {strides = array<i32>} : memref<128xi32, #tpu.memory_space<vmem>>, vector<16xi32>,
      %get3A_636 = arith.constant 1 : i32
      %get3A_637 = arith.index_cast %get3A_636 : i32 to index
      %get3A_638 = arith.constant 96 : index
      %get3A_639 = tpu.vector_load %arg5[%get3A_637, %get3A_638] {strides = array<i32>} : memref<2x768xi32, #tpu.memory_space<vmem>>, vector<1x16xi32>,
      %get3A_640 = vector.shape_cast %get3A_639 : vector<1x16xi32> to vector<16xi32>
      %swap3A_641 = arith.constant 96 : index
      %swap3A_642 = tpu.vector_load %arg9[%swap3A_641] {strides = array<i32>} : memref<128xi32, #tpu.memory_space<vmem>>, vector<16xi32>,
      %swap3A_643 = vector.shape_cast %swap3A_642 : vector<16xi32> to vector<16xi32>
      %swap3A_644 = vector.shape_cast %get3A_640 : vector<16xi32> to vector<16xi32>
      tpu.vector_store %arg9[%swap3A_641], %swap3A_644 {strides = array<i32>} : memref<128xi32, #tpu.memory_space<vmem>>, vector<16xi32>,
      %get3A_645 = arith.constant 1 : i32
      %get3A_646 = arith.index_cast %get3A_645 : i32 to index
      %get3A_647 = arith.constant 112 : index
      %get3A_648 = tpu.vector_load %arg5[%get3A_646, %get3A_647] {strides = array<i32>} : memref<2x768xi32, #tpu.memory_space<vmem>>, vector<1x16xi32>,
      %get3A_649 = vector.shape_cast %get3A_648 : vector<1x16xi32> to vector<16xi32>
      %swap3A_650 = arith.constant 112 : index
      %swap3A_651 = tpu.vector_load %arg9[%swap3A_650] {strides = array<i32>} : memref<128xi32, #tpu.memory_space<vmem>>, vector<16xi32>,
      %swap3A_652 = vector.shape_cast %swap3A_651 : vector<16xi32> to vector<16xi32>
      %swap3A_653 = vector.shape_cast %get3A_649 : vector<16xi32> to vector<16xi32>
      tpu.vector_store %arg9[%swap3A_650], %swap3A_653 {strides = array<i32>} : memref<128xi32, #tpu.memory_space<vmem>>, vector<16xi32>,
      %dma_wait3A_654 = arith.constant 0 : i32
      %dma_wait3A_655 = arith.constant 0 : i32
      %dma_wait3A_656 = tpu.memref_slice %arg2[%dma_wait3A_654, %dma_wait3A_655] : memref<10000x128xf32, #tpu.memory_space<hbm>> -> memref<128x128xf32, #tpu.memory_space<hbm>>
      %dma_wait3A_657 = arith.constant 0 : i32
      %dma_wait3A_658 = arith.constant 0 : i32
      %dma_wait3A_659 = tpu.memref_slice %arg2[%dma_wait3A_657, %dma_wait3A_658] : memref<10000x128xf32, #tpu.memory_space<hbm>> -> memref<128x128xf32, #tpu.memory_space<hbm>>
      tpu.wait_dma2 semaphore(%arg14 : memref<!tpu.dma_semaphore, #tpu.memory_space<semaphore_mem>>) src(%dma_wait3A_659 : memref<128x128xf32, #tpu.memory_space<hbm>>) dst(%arg7 : memref<128x128xf32, #tpu.memory_space<vmem>>)
      "tpu.region"() ({
        %run_scoped3A = tpu.sem_alloc : memref<!tpu.dma_semaphore, #tpu.memory_space<semaphore_mem>>
        %dma_start3A_1625 = arith.constant 0 : i32
        %dma_start3A_1626 = arith.constant 0 : i32
        %dma_start3A_1627 = tpu.memref_slice %arg11[%dma_start3A_1625, %dma_start3A_1626] : memref<10000x128xf32, #tpu.memory_space<vmem_shared>> -> memref<10000x128xf32, #tpu.memory_space<vmem_shared>>
        tpu.enqueue_indirect_dma source(%arg7 : memref<128x128xf32, #tpu.memory_space<vmem>>) target(%dma_start3A_1627 : memref<10000x128xf32, #tpu.memory_space<vmem_shared>>) offsets(%arg9 : memref<128xi32, #tpu.memory_space<vmem>>) semaphore(%run_scoped3A : memref<!tpu.dma_semaphore, #tpu.memory_space<semaphore_mem>>) {add = true}
        %dma_wait3A_1628 = arith.constant 0 : i32
        %dma_wait3A_1629 = arith.constant 0 : i32
        %dma_wait3A_1630 = tpu.memref_slice %arg11[%dma_wait3A_1628, %dma_wait3A_1629] : memref<10000x128xf32, #tpu.memory_space<vmem_shared>> -> memref<10000x128xf32, #tpu.memory_space<vmem_shared>>
        tpu.wait_indirect_dma semaphore(%run_scoped3A : memref<!tpu.dma_semaphore, #tpu.memory_space<semaphore_mem>>) src(%arg7 : memref<128x128xf32, #tpu.memory_space<vmem>>) dst(%dma_wait3A_1630 : memref<10000x128xf32, #tpu.memory_space<vmem_shared>>)
        tpu.yield
      }) : () -> ()
      %dma_start3A_660 = arith.constant 0 : i32
      %dma_start3A_661 = arith.constant 256 : i32
      %dma_start3A_662 = tpu.memref_slice %arg5[%dma_start3A_660, %dma_start3A_661] : memref<2x768xi32, #tpu.memory_space<vmem>> -> memref<1x128xi32, #tpu.memory_space<vmem>>
      %dma_start3A_663 = tpu.memref_squeeze %dma_start3A_662 : memref<1x128xi32, #tpu.memory_space<vmem>> -> memref<128xi32, #tpu.memory_space<vmem>>
      %dma_start3A_664 = arith.constant 0 : i32
      %dma_start3A_665 = arith.constant 0 : i32
      %dma_start3A_666 = tpu.memref_slice %arg2[%dma_start3A_664, %dma_start3A_665] : memref<10000x128xf32, #tpu.memory_space<hbm>> -> memref<10000x128xf32, #tpu.memory_space<hbm>>
      tpu.enqueue_indirect_dma source(%dma_start3A_666 : memref<10000x128xf32, #tpu.memory_space<hbm>>) target(%arg7 : memref<128x128xf32, #tpu.memory_space<vmem>>) offsets(%dma_start3A_663 : memref<128xi32, #tpu.memory_space<vmem>>) semaphore(%arg14 : memref<!tpu.dma_semaphore, #tpu.memory_space<semaphore_mem>>)
      %get3A_667 = arith.constant 1 : i32
      %get3A_668 = arith.index_cast %get3A_667 : i32 to index
      %get3A_669 = arith.constant 128 : index
      %get3A_670 = tpu.vector_load %arg5[%get3A_668, %get3A_669] {strides = array<i32>} : memref<2x768xi32, #tpu.memory_space<vmem>>, vector<1x16xi32>,
      %get3A_671 = vector.shape_cast %get3A_670 : vector<1x16xi32> to vector<16xi32>
      %swap3A_672 = arith.constant 0 : index
      %swap3A_673 = tpu.vector_load %arg9[%swap3A_672] {strides = array<i32>} : memref<128xi32, #tpu.memory_space<vmem>>, vector<16xi32>,
      %swap3A_674 = vector.shape_cast %swap3A_673 : vector<16xi32> to vector<16xi32>
      %swap3A_675 = vector.shape_cast %get3A_671 : vector<16xi32> to vector<16xi32>
      tpu.vector_store %arg9[%swap3A_672], %swap3A_675 {strides = array<i32>} : memref<128xi32, #tpu.memory_space<vmem>>, vector<16xi32>,
      %get3A_676 = arith.constant 1 : i32
      %get3A_677 = arith.index_cast %get3A_676 : i32 to index
      %get3A_678 = arith.constant 144 : index
      %get3A_679 = tpu.vector_load %arg5[%get3A_677, %get3A_678] {strides = array<i32>} : memref<2x768xi32, #tpu.memory_space<vmem>>, vector<1x16xi32>,
      %get3A_680 = vector.shape_cast %get3A_679 : vector<1x16xi32> to vector<16xi32>
      %swap3A_681 = arith.constant 16 : index
      %swap3A_682 = tpu.vector_load %arg9[%swap3A_681] {strides = array<i32>} : memref<128xi32, #tpu.memory_space<vmem>>, vector<16xi32>,
      %swap3A_683 = vector.shape_cast %swap3A_682 : vector<16xi32> to vector<16xi32>
      %swap3A_684 = vector.shape_cast %get3A_680 : vector<16xi32> to vector<16xi32>
      tpu.vector_store %arg9[%swap3A_681], %swap3A_684 {strides = array<i32>} : memref<128xi32, #tpu.memory_space<vmem>>, vector<16xi32>,
      %get3A_685 = arith.constant 1 : i32
      %get3A_686 = arith.index_cast %get3A_685 : i32 to index
      %get3A_687 = arith.constant 160 : index
      %get3A_688 = tpu.vector_load %arg5[%get3A_686, %get3A_687] {strides = array<i32>} : memref<2x768xi32, #tpu.memory_space<vmem>>, vector<1x16xi32>,
      %get3A_689 = vector.shape_cast %get3A_688 : vector<1x16xi32> to vector<16xi32>
      %swap3A_690 = arith.constant 32 : index
      %swap3A_691 = tpu.vector_load %arg9[%swap3A_690] {strides = array<i32>} : memref<128xi32, #tpu.memory_space<vmem>>, vector<16xi32>,
      %swap3A_692 = vector.shape_cast %swap3A_691 : vector<16xi32> to vector<16xi32>
      %swap3A_693 = vector.shape_cast %get3A_689 : vector<16xi32> to vector<16xi32>
      tpu.vector_store %arg9[%swap3A_690], %swap3A_693 {strides = array<i32>} : memref<128xi32, #tpu.memory_space<vmem>>, vector<16xi32>,
      %get3A_694 = arith.constant 1 : i32
      %get3A_695 = arith.index_cast %get3A_694 : i32 to index
      %get3A_696 = arith.constant 176 : index
      %get3A_697 = tpu.vector_load %arg5[%get3A_695, %get3A_696] {strides = array<i32>} : memref<2x768xi32, #tpu.memory_space<vmem>>, vector<1x16xi32>,
      %get3A_698 = vector.shape_cast %get3A_697 : vector<1x16xi32> to vector<16xi32>
      %swap3A_699 = arith.constant 48 : index
      %swap3A_700 = tpu.vector_load %arg9[%swap3A_699] {strides = array<i32>} : memref<128xi32, #tpu.memory_space<vmem>>, vector<16xi32>,
      %swap3A_701 = vector.shape_cast %swap3A_700 : vector<16xi32> to vector<16xi32>
      %swap3A_702 = vector.shape_cast %get3A_698 : vector<16xi32> to vector<16xi32>
      tpu.vector_store %arg9[%swap3A_699], %swap3A_702 {strides = array<i32>} : memref<128xi32, #tpu.memory_space<vmem>>, vector<16xi32>,
      %get3A_703 = arith.constant 1 : i32
      %get3A_704 = arith.index_cast %get3A_703 : i32 to index
      %get3A_705 = arith.constant 192 : index
      %get3A_706 = tpu.vector_load %arg5[%get3A_704, %get3A_705] {strides = array<i32>} : memref<2x768xi32, #tpu.memory_space<vmem>>, vector<1x16xi32>,
      %get3A_707 = vector.shape_cast %get3A_706 : vector<1x16xi32> to vector<16xi32>
      %swap3A_708 = arith.constant 64 : index
      %swap3A_709 = tpu.vector_load %arg9[%swap3A_708] {strides = array<i32>} : memref<128xi32, #tpu.memory_space<vmem>>, vector<16xi32>,
      %swap3A_710 = vector.shape_cast %swap3A_709 : vector<16xi32> to vector<16xi32>
      %swap3A_711 = vector.shape_cast %get3A_707 : vector<16xi32> to vector<16xi32>
      tpu.vector_store %arg9[%swap3A_708], %swap3A_711 {strides = array<i32>} : memref<128xi32, #tpu.memory_space<vmem>>, vector<16xi32>,
      %get3A_712 = arith.constant 1 : i32
      %get3A_713 = arith.index_cast %get3A_712 : i32 to index
      %get3A_714 = arith.constant 208 : index
      %get3A_715 = tpu.vector_load %arg5[%get3A_713, %get3A_714] {strides = array<i32>} : memref<2x768xi32, #tpu.memory_space<vmem>>, vector<1x16xi32>,
      %get3A_716 = vector.shape_cast %get3A_715 : vector<1x16xi32> to vector<16xi32>
      %swap3A_717 = arith.constant 80 : index
      %swap3A_718 = tpu.vector_load %arg9[%swap3A_717] {strides = array<i32>} : memref<128xi32, #tpu.memory_space<vmem>>, vector<16xi32>,
      %swap3A_719 = vector.shape_cast %swap3A_718 : vector<16xi32> to vector<16xi32>
      %swap3A_720 = vector.shape_cast %get3A_716 : vector<16xi32> to vector<16xi32>
      tpu.vector_store %arg9[%swap3A_717], %swap3A_720 {strides = array<i32>} : memref<128xi32, #tpu.memory_space<vmem>>, vector<16xi32>,
      %get3A_721 = arith.constant 1 : i32
      %get3A_722 = arith.index_cast %get3A_721 : i32 to index
      %get3A_723 = arith.constant 224 : index
      %get3A_724 = tpu.vector_load %arg5[%get3A_722, %get3A_723] {strides = array<i32>} : memref<2x768xi32, #tpu.memory_space<vmem>>, vector<1x16xi32>,
      %get3A_725 = vector.shape_cast %get3A_724 : vector<1x16xi32> to vector<16xi32>
      %swap3A_726 = arith.constant 96 : index
      %swap3A_727 = tpu.vector_load %arg9[%swap3A_726] {strides = array<i32>} : memref<128xi32, #tpu.memory_space<vmem>>, vector<16xi32>,
      %swap3A_728 = vector.shape_cast %swap3A_727 : vector<16xi32> to vector<16xi32>
      %swap3A_729 = vector.shape_cast %get3A_725 : vector<16xi32> to vector<16xi32>
      tpu.vector_store %arg9[%swap3A_726], %swap3A_729 {strides = array<i32>} : memref<128xi32, #tpu.memory_space<vmem>>, vector<16xi32>,
      %get3A_730 = arith.constant 1 : i32
      %get3A_731 = arith.index_cast %get3A_730 : i32 to index
      %get3A_732 = arith.constant 240 : index
      %get3A_733 = tpu.vector_load %arg5[%get3A_731, %get3A_732] {strides = array<i32>} : memref<2x768xi32, #tpu.memory_space<vmem>>, vector<1x16xi32>,
      %get3A_734 = vector.shape_cast %get3A_733 : vector<1x16xi32> to vector<16xi32>
      %swap3A_735 = arith.constant 112 : index
      %swap3A_736 = tpu.vector_load %arg9[%swap3A_735] {strides = array<i32>} : memref<128xi32, #tpu.memory_space<vmem>>, vector<16xi32>,
      %swap3A_737 = vector.shape_cast %swap3A_736 : vector<16xi32> to vector<16xi32>
      %swap3A_738 = vector.shape_cast %get3A_734 : vector<16xi32> to vector<16xi32>
      tpu.vector_store %arg9[%swap3A_735], %swap3A_738 {strides = array<i32>} : memref<128xi32, #tpu.memory_space<vmem>>, vector<16xi32>,
      %dma_wait3A_739 = arith.constant 0 : i32
      %dma_wait3A_740 = arith.constant 0 : i32
      %dma_wait3A_741 = tpu.memref_slice %arg2[%dma_wait3A_739, %dma_wait3A_740] : memref<10000x128xf32, #tpu.memory_space<hbm>> -> memref<128x128xf32, #tpu.memory_space<hbm>>
      %dma_wait3A_742 = arith.constant 0 : i32
      %dma_wait3A_743 = arith.constant 0 : i32
      %dma_wait3A_744 = tpu.memref_slice %arg2[%dma_wait3A_742, %dma_wait3A_743] : memref<10000x128xf32, #tpu.memory_space<hbm>> -> memref<128x128xf32, #tpu.memory_space<hbm>>
      tpu.wait_dma2 semaphore(%arg15 : memref<!tpu.dma_semaphore, #tpu.memory_space<semaphore_mem>>) src(%dma_wait3A_744 : memref<128x128xf32, #tpu.memory_space<hbm>>) dst(%arg8 : memref<128x128xf32, #tpu.memory_space<vmem>>)
      "tpu.region"() ({
        %run_scoped3A = tpu.sem_alloc : memref<!tpu.dma_semaphore, #tpu.memory_space<semaphore_mem>>
        %dma_start3A_1625 = arith.constant 0 : i32
        %dma_start3A_1626 = arith.constant 0 : i32
        %dma_start3A_1627 = tpu.memref_slice %arg11[%dma_start3A_1625, %dma_start3A_1626] : memref<10000x128xf32, #tpu.memory_space<vmem_shared>> -> memref<10000x128xf32, #tpu.memory_space<vmem_shared>>
        tpu.enqueue_indirect_dma source(%arg8 : memref<128x128xf32, #tpu.memory_space<vmem>>) target(%dma_start3A_1627 : memref<10000x128xf32, #tpu.memory_space<vmem_shared>>) offsets(%arg9 : memref<128xi32, #tpu.memory_space<vmem>>) semaphore(%run_scoped3A : memref<!tpu.dma_semaphore, #tpu.memory_space<semaphore_mem>>) {add = true}
        %dma_wait3A_1628 = arith.constant 0 : i32
        %dma_wait3A_1629 = arith.constant 0 : i32
        %dma_wait3A_1630 = tpu.memref_slice %arg11[%dma_wait3A_1628, %dma_wait3A_1629] : memref<10000x128xf32, #tpu.memory_space<vmem_shared>> -> memref<10000x128xf32, #tpu.memory_space<vmem_shared>>
        tpu.wait_indirect_dma semaphore(%run_scoped3A : memref<!tpu.dma_semaphore, #tpu.memory_space<semaphore_mem>>) src(%arg8 : memref<128x128xf32, #tpu.memory_space<vmem>>) dst(%dma_wait3A_1630 : memref<10000x128xf32, #tpu.memory_space<vmem_shared>>)
        tpu.yield
      }) : () -> ()
      %dma_start3A_745 = arith.constant 0 : i32
      %dma_start3A_746 = arith.constant 384 : i32
      %dma_start3A_747 = tpu.memref_slice %arg5[%dma_start3A_745, %dma_start3A_746] : memref<2x768xi32, #tpu.memory_space<vmem>> -> memref<1x128xi32, #tpu.memory_space<vmem>>
      %dma_start3A_748 = tpu.memref_squeeze %dma_start3A_747 : memref<1x128xi32, #tpu.memory_space<vmem>> -> memref<128xi32, #tpu.memory_space<vmem>>
      %dma_start3A_749 = arith.constant 0 : i32
      %dma_start3A_750 = arith.constant 0 : i32
      %dma_start3A_751 = tpu.memref_slice %arg2[%dma_start3A_749, %dma_start3A_750] : memref<10000x128xf32, #tpu.memory_space<hbm>> -> memref<10000x128xf32, #tpu.memory_space<hbm>>
      tpu.enqueue_indirect_dma source(%dma_start3A_751 : memref<10000x128xf32, #tpu.memory_space<hbm>>) target(%arg8 : memref<128x128xf32, #tpu.memory_space<vmem>>) offsets(%dma_start3A_748 : memref<128xi32, #tpu.memory_space<vmem>>) semaphore(%arg15 : memref<!tpu.dma_semaphore, #tpu.memory_space<semaphore_mem>>)
      %get3A_752 = arith.constant 1 : i32
      %get3A_753 = arith.index_cast %get3A_752 : i32 to index
      %get3A_754 = arith.constant 256 : index
      %get3A_755 = tpu.vector_load %arg5[%get3A_753, %get3A_754] {strides = array<i32>} : memref<2x768xi32, #tpu.memory_space<vmem>>, vector<1x16xi32>,
      %get3A_756 = vector.shape_cast %get3A_755 : vector<1x16xi32> to vector<16xi32>
      %swap3A_757 = arith.constant 0 : index
      %swap3A_758 = tpu.vector_load %arg9[%swap3A_757] {strides = array<i32>} : memref<128xi32, #tpu.memory_space<vmem>>, vector<16xi32>,
      %swap3A_759 = vector.shape_cast %swap3A_758 : vector<16xi32> to vector<16xi32>
      %swap3A_760 = vector.shape_cast %get3A_756 : vector<16xi32> to vector<16xi32>
      tpu.vector_store %arg9[%swap3A_757], %swap3A_760 {strides = array<i32>} : memref<128xi32, #tpu.memory_space<vmem>>, vector<16xi32>,
      %get3A_761 = arith.constant 1 : i32
      %get3A_762 = arith.index_cast %get3A_761 : i32 to index
      %get3A_763 = arith.constant 272 : index
      %get3A_764 = tpu.vector_load %arg5[%get3A_762, %get3A_763] {strides = array<i32>} : memref<2x768xi32, #tpu.memory_space<vmem>>, vector<1x16xi32>,
      %get3A_765 = vector.shape_cast %get3A_764 : vector<1x16xi32> to vector<16xi32>
      %swap3A_766 = arith.constant 16 : index
      %swap3A_767 = tpu.vector_load %arg9[%swap3A_766] {strides = array<i32>} : memref<128xi32, #tpu.memory_space<vmem>>, vector<16xi32>,
      %swap3A_768 = vector.shape_cast %swap3A_767 : vector<16xi32> to vector<16xi32>
      %swap3A_769 = vector.shape_cast %get3A_765 : vector<16xi32> to vector<16xi32>
      tpu.vector_store %arg9[%swap3A_766], %swap3A_769 {strides = array<i32>} : memref<128xi32, #tpu.memory_space<vmem>>, vector<16xi32>,
      %get3A_770 = arith.constant 1 : i32
      %get3A_771 = arith.index_cast %get3A_770 : i32 to index
      %get3A_772 = arith.constant 288 : index
      %get3A_773 = tpu.vector_load %arg5[%get3A_771, %get3A_772] {strides = array<i32>} : memref<2x768xi32, #tpu.memory_space<vmem>>, vector<1x16xi32>,
      %get3A_774 = vector.shape_cast %get3A_773 : vector<1x16xi32> to vector<16xi32>
      %swap3A_775 = arith.constant 32 : index
      %swap3A_776 = tpu.vector_load %arg9[%swap3A_775] {strides = array<i32>} : memref<128xi32, #tpu.memory_space<vmem>>, vector<16xi32>,
      %swap3A_777 = vector.shape_cast %swap3A_776 : vector<16xi32> to vector<16xi32>
      %swap3A_778 = vector.shape_cast %get3A_774 : vector<16xi32> to vector<16xi32>
      tpu.vector_store %arg9[%swap3A_775], %swap3A_778 {strides = array<i32>} : memref<128xi32, #tpu.memory_space<vmem>>, vector<16xi32>,
      %get3A_779 = arith.constant 1 : i32
      %get3A_780 = arith.index_cast %get3A_779 : i32 to index
      %get3A_781 = arith.constant 304 : index
      %get3A_782 = tpu.vector_load %arg5[%get3A_780, %get3A_781] {strides = array<i32>} : memref<2x768xi32, #tpu.memory_space<vmem>>, vector<1x16xi32>,
      %get3A_783 = vector.shape_cast %get3A_782 : vector<1x16xi32> to vector<16xi32>
      %swap3A_784 = arith.constant 48 : index
      %swap3A_785 = tpu.vector_load %arg9[%swap3A_784] {strides = array<i32>} : memref<128xi32, #tpu.memory_space<vmem>>, vector<16xi32>,
      %swap3A_786 = vector.shape_cast %swap3A_785 : vector<16xi32> to vector<16xi32>
      %swap3A_787 = vector.shape_cast %get3A_783 : vector<16xi32> to vector<16xi32>
      tpu.vector_store %arg9[%swap3A_784], %swap3A_787 {strides = array<i32>} : memref<128xi32, #tpu.memory_space<vmem>>, vector<16xi32>,
      %get3A_788 = arith.constant 1 : i32
      %get3A_789 = arith.index_cast %get3A_788 : i32 to index
      %get3A_790 = arith.constant 320 : index
      %get3A_791 = tpu.vector_load %arg5[%get3A_789, %get3A_790] {strides = array<i32>} : memref<2x768xi32, #tpu.memory_space<vmem>>, vector<1x16xi32>,
      %get3A_792 = vector.shape_cast %get3A_791 : vector<1x16xi32> to vector<16xi32>
      %swap3A_793 = arith.constant 64 : index
      %swap3A_794 = tpu.vector_load %arg9[%swap3A_793] {strides = array<i32>} : memref<128xi32, #tpu.memory_space<vmem>>, vector<16xi32>,
      %swap3A_795 = vector.shape_cast %swap3A_794 : vector<16xi32> to vector<16xi32>
      %swap3A_796 = vector.shape_cast %get3A_792 : vector<16xi32> to vector<16xi32>
      tpu.vector_store %arg9[%swap3A_793], %swap3A_796 {strides = array<i32>} : memref<128xi32, #tpu.memory_space<vmem>>, vector<16xi32>,
      %get3A_797 = arith.constant 1 : i32
      %get3A_798 = arith.index_cast %get3A_797 : i32 to index
      %get3A_799 = arith.constant 336 : index
      %get3A_800 = tpu.vector_load %arg5[%get3A_798, %get3A_799] {strides = array<i32>} : memref<2x768xi32, #tpu.memory_space<vmem>>, vector<1x16xi32>,
      %get3A_801 = vector.shape_cast %get3A_800 : vector<1x16xi32> to vector<16xi32>
      %swap3A_802 = arith.constant 80 : index
      %swap3A_803 = tpu.vector_load %arg9[%swap3A_802] {strides = array<i32>} : memref<128xi32, #tpu.memory_space<vmem>>, vector<16xi32>,
      %swap3A_804 = vector.shape_cast %swap3A_803 : vector<16xi32> to vector<16xi32>
      %swap3A_805 = vector.shape_cast %get3A_801 : vector<16xi32> to vector<16xi32>
      tpu.vector_store %arg9[%swap3A_802], %swap3A_805 {strides = array<i32>} : memref<128xi32, #tpu.memory_space<vmem>>, vector<16xi32>,
      %get3A_806 = arith.constant 1 : i32
      %get3A_807 = arith.index_cast %get3A_806 : i32 to index
      %get3A_808 = arith.constant 352 : index
      %get3A_809 = tpu.vector_load %arg5[%get3A_807, %get3A_808] {strides = array<i32>} : memref<2x768xi32, #tpu.memory_space<vmem>>, vector<1x16xi32>,
      %get3A_810 = vector.shape_cast %get3A_809 : vector<1x16xi32> to vector<16xi32>
      %swap3A_811 = arith.constant 96 : index
      %swap3A_812 = tpu.vector_load %arg9[%swap3A_811] {strides = array<i32>} : memref<128xi32, #tpu.memory_space<vmem>>, vector<16xi32>,
      %swap3A_813 = vector.shape_cast %swap3A_812 : vector<16xi32> to vector<16xi32>
      %swap3A_814 = vector.shape_cast %get3A_810 : vector<16xi32> to vector<16xi32>
      tpu.vector_store %arg9[%swap3A_811], %swap3A_814 {strides = array<i32>} : memref<128xi32, #tpu.memory_space<vmem>>, vector<16xi32>,
      %get3A_815 = arith.constant 1 : i32
      %get3A_816 = arith.index_cast %get3A_815 : i32 to index
      %get3A_817 = arith.constant 368 : index
      %get3A_818 = tpu.vector_load %arg5[%get3A_816, %get3A_817] {strides = array<i32>} : memref<2x768xi32, #tpu.memory_space<vmem>>, vector<1x16xi32>,
      %get3A_819 = vector.shape_cast %get3A_818 : vector<1x16xi32> to vector<16xi32>
      %swap3A_820 = arith.constant 112 : index
      %swap3A_821 = tpu.vector_load %arg9[%swap3A_820] {strides = array<i32>} : memref<128xi32, #tpu.memory_space<vmem>>, vector<16xi32>,
      %swap3A_822 = vector.shape_cast %swap3A_821 : vector<16xi32> to vector<16xi32>
      %swap3A_823 = vector.shape_cast %get3A_819 : vector<16xi32> to vector<16xi32>
      tpu.vector_store %arg9[%swap3A_820], %swap3A_823 {strides = array<i32>} : memref<128xi32, #tpu.memory_space<vmem>>, vector<16xi32>,
      %dma_wait3A_824 = arith.constant 0 : i32
      %dma_wait3A_825 = arith.constant 0 : i32
      %dma_wait3A_826 = tpu.memref_slice %arg2[%dma_wait3A_824, %dma_wait3A_825] : memref<10000x128xf32, #tpu.memory_space<hbm>> -> memref<128x128xf32, #tpu.memory_space<hbm>>
      %dma_wait3A_827 = arith.constant 0 : i32
      %dma_wait3A_828 = arith.constant 0 : i32
      %dma_wait3A_829 = tpu.memref_slice %arg2[%dma_wait3A_827, %dma_wait3A_828] : memref<10000x128xf32, #tpu.memory_space<hbm>> -> memref<128x128xf32, #tpu.memory_space<hbm>>
      tpu.wait_dma2 semaphore(%arg14 : memref<!tpu.dma_semaphore, #tpu.memory_space<semaphore_mem>>) src(%dma_wait3A_829 : memref<128x128xf32, #tpu.memory_space<hbm>>) dst(%arg7 : memref<128x128xf32, #tpu.memory_space<vmem>>)
      "tpu.region"() ({
        %run_scoped3A = tpu.sem_alloc : memref<!tpu.dma_semaphore, #tpu.memory_space<semaphore_mem>>
        %dma_start3A_1625 = arith.constant 0 : i32
        %dma_start3A_1626 = arith.constant 0 : i32
        %dma_start3A_1627 = tpu.memref_slice %arg11[%dma_start3A_1625, %dma_start3A_1626] : memref<10000x128xf32, #tpu.memory_space<vmem_shared>> -> memref<10000x128xf32, #tpu.memory_space<vmem_shared>>
        tpu.enqueue_indirect_dma source(%arg7 : memref<128x128xf32, #tpu.memory_space<vmem>>) target(%dma_start3A_1627 : memref<10000x128xf32, #tpu.memory_space<vmem_shared>>) offsets(%arg9 : memref<128xi32, #tpu.memory_space<vmem>>) semaphore(%run_scoped3A : memref<!tpu.dma_semaphore, #tpu.memory_space<semaphore_mem>>) {add = true}
        %dma_wait3A_1628 = arith.constant 0 : i32
        %dma_wait3A_1629 = arith.constant 0 : i32
        %dma_wait3A_1630 = tpu.memref_slice %arg11[%dma_wait3A_1628, %dma_wait3A_1629] : memref<10000x128xf32, #tpu.memory_space<vmem_shared>> -> memref<10000x128xf32, #tpu.memory_space<vmem_shared>>
        tpu.wait_indirect_dma semaphore(%run_scoped3A : memref<!tpu.dma_semaphore, #tpu.memory_space<semaphore_mem>>) src(%arg7 : memref<128x128xf32, #tpu.memory_space<vmem>>) dst(%dma_wait3A_1630 : memref<10000x128xf32, #tpu.memory_space<vmem_shared>>)
        tpu.yield
      }) : () -> ()
      %dma_start3A_830 = arith.constant 0 : i32
      %dma_start3A_831 = arith.constant 512 : i32
      %dma_start3A_832 = tpu.memref_slice %arg5[%dma_start3A_830, %dma_start3A_831] : memref<2x768xi32, #tpu.memory_space<vmem>> -> memref<1x128xi32, #tpu.memory_space<vmem>>
      %dma_start3A_833 = tpu.memref_squeeze %dma_start3A_832 : memref<1x128xi32, #tpu.memory_space<vmem>> -> memref<128xi32, #tpu.memory_space<vmem>>
      %dma_start3A_834 = arith.constant 0 : i32
      %dma_start3A_835 = arith.constant 0 : i32
      %dma_start3A_836 = tpu.memref_slice %arg2[%dma_start3A_834, %dma_start3A_835] : memref<10000x128xf32, #tpu.memory_space<hbm>> -> memref<10000x128xf32, #tpu.memory_space<hbm>>
      tpu.enqueue_indirect_dma source(%dma_start3A_836 : memref<10000x128xf32, #tpu.memory_space<hbm>>) target(%arg7 : memref<128x128xf32, #tpu.memory_space<vmem>>) offsets(%dma_start3A_833 : memref<128xi32, #tpu.memory_space<vmem>>) semaphore(%arg14 : memref<!tpu.dma_semaphore, #tpu.memory_space<semaphore_mem>>)
      %get3A_837 = arith.constant 1 : i32
      %get3A_838 = arith.index_cast %get3A_837 : i32 to index
      %get3A_839 = arith.constant 384 : index
      %get3A_840 = tpu.vector_load %arg5[%get3A_838, %get3A_839] {strides = array<i32>} : memref<2x768xi32, #tpu.memory_space<vmem>>, vector<1x16xi32>,
      %get3A_841 = vector.shape_cast %get3A_840 : vector<1x16xi32> to vector<16xi32>
      %swap3A_842 = arith.constant 0 : index
      %swap3A_843 = tpu.vector_load %arg9[%swap3A_842] {strides = array<i32>} : memref<128xi32, #tpu.memory_space<vmem>>, vector<16xi32>,
      %swap3A_844 = vector.shape_cast %swap3A_843 : vector<16xi32> to vector<16xi32>
      %swap3A_845 = vector.shape_cast %get3A_841 : vector<16xi32> to vector<16xi32>
      tpu.vector_store %arg9[%swap3A_842], %swap3A_845 {strides = array<i32>} : memref<128xi32, #tpu.memory_space<vmem>>, vector<16xi32>,
      %get3A_846 = arith.constant 1 : i32
      %get3A_847 = arith.index_cast %get3A_846 : i32 to index
      %get3A_848 = arith.constant 400 : index
      %get3A_849 = tpu.vector_load %arg5[%get3A_847, %get3A_848] {strides = array<i32>} : memref<2x768xi32, #tpu.memory_space<vmem>>, vector<1x16xi32>,
      %get3A_850 = vector.shape_cast %get3A_849 : vector<1x16xi32> to vector<16xi32>
      %swap3A_851 = arith.constant 16 : index
      %swap3A_852 = tpu.vector_load %arg9[%swap3A_851] {strides = array<i32>} : memref<128xi32, #tpu.memory_space<vmem>>, vector<16xi32>,
      %swap3A_853 = vector.shape_cast %swap3A_852 : vector<16xi32> to vector<16xi32>
      %swap3A_854 = vector.shape_cast %get3A_850 : vector<16xi32> to vector<16xi32>
      tpu.vector_store %arg9[%swap3A_851], %swap3A_854 {strides = array<i32>} : memref<128xi32, #tpu.memory_space<vmem>>, vector<16xi32>,
      %get3A_855 = arith.constant 1 : i32
      %get3A_856 = arith.index_cast %get3A_855 : i32 to index
      %get3A_857 = arith.constant 416 : index
      %get3A_858 = tpu.vector_load %arg5[%get3A_856, %get3A_857] {strides = array<i32>} : memref<2x768xi32, #tpu.memory_space<vmem>>, vector<1x16xi32>,
      %get3A_859 = vector.shape_cast %get3A_858 : vector<1x16xi32> to vector<16xi32>
      %swap3A_860 = arith.constant 32 : index
      %swap3A_861 = tpu.vector_load %arg9[%swap3A_860] {strides = array<i32>} : memref<128xi32, #tpu.memory_space<vmem>>, vector<16xi32>,
      %swap3A_862 = vector.shape_cast %swap3A_861 : vector<16xi32> to vector<16xi32>
      %swap3A_863 = vector.shape_cast %get3A_859 : vector<16xi32> to vector<16xi32>
      tpu.vector_store %arg9[%swap3A_860], %swap3A_863 {strides = array<i32>} : memref<128xi32, #tpu.memory_space<vmem>>, vector<16xi32>,
      %get3A_864 = arith.constant 1 : i32
      %get3A_865 = arith.index_cast %get3A_864 : i32 to index
      %get3A_866 = arith.constant 432 : index
      %get3A_867 = tpu.vector_load %arg5[%get3A_865, %get3A_866] {strides = array<i32>} : memref<2x768xi32, #tpu.memory_space<vmem>>, vector<1x16xi32>,
      %get3A_868 = vector.shape_cast %get3A_867 : vector<1x16xi32> to vector<16xi32>
      %swap3A_869 = arith.constant 48 : index
      %swap3A_870 = tpu.vector_load %arg9[%swap3A_869] {strides = array<i32>} : memref<128xi32, #tpu.memory_space<vmem>>, vector<16xi32>,
      %swap3A_871 = vector.shape_cast %swap3A_870 : vector<16xi32> to vector<16xi32>
      %swap3A_872 = vector.shape_cast %get3A_868 : vector<16xi32> to vector<16xi32>
      tpu.vector_store %arg9[%swap3A_869], %swap3A_872 {strides = array<i32>} : memref<128xi32, #tpu.memory_space<vmem>>, vector<16xi32>,
      %get3A_873 = arith.constant 1 : i32
      %get3A_874 = arith.index_cast %get3A_873 : i32 to index
      %get3A_875 = arith.constant 448 : index
      %get3A_876 = tpu.vector_load %arg5[%get3A_874, %get3A_875] {strides = array<i32>} : memref<2x768xi32, #tpu.memory_space<vmem>>, vector<1x16xi32>,
      %get3A_877 = vector.shape_cast %get3A_876 : vector<1x16xi32> to vector<16xi32>
      %swap3A_878 = arith.constant 64 : index
      %swap3A_879 = tpu.vector_load %arg9[%swap3A_878] {strides = array<i32>} : memref<128xi32, #tpu.memory_space<vmem>>, vector<16xi32>,
      %swap3A_880 = vector.shape_cast %swap3A_879 : vector<16xi32> to vector<16xi32>
      %swap3A_881 = vector.shape_cast %get3A_877 : vector<16xi32> to vector<16xi32>
      tpu.vector_store %arg9[%swap3A_878], %swap3A_881 {strides = array<i32>} : memref<128xi32, #tpu.memory_space<vmem>>, vector<16xi32>,
      %get3A_882 = arith.constant 1 : i32
      %get3A_883 = arith.index_cast %get3A_882 : i32 to index
      %get3A_884 = arith.constant 464 : index
      %get3A_885 = tpu.vector_load %arg5[%get3A_883, %get3A_884] {strides = array<i32>} : memref<2x768xi32, #tpu.memory_space<vmem>>, vector<1x16xi32>,
      %get3A_886 = vector.shape_cast %get3A_885 : vector<1x16xi32> to vector<16xi32>
      %swap3A_887 = arith.constant 80 : index
      %swap3A_888 = tpu.vector_load %arg9[%swap3A_887] {strides = array<i32>} : memref<128xi32, #tpu.memory_space<vmem>>, vector<16xi32>,
      %swap3A_889 = vector.shape_cast %swap3A_888 : vector<16xi32> to vector<16xi32>
      %swap3A_890 = vector.shape_cast %get3A_886 : vector<16xi32> to vector<16xi32>
      tpu.vector_store %arg9[%swap3A_887], %swap3A_890 {strides = array<i32>} : memref<128xi32, #tpu.memory_space<vmem>>, vector<16xi32>,
      %get3A_891 = arith.constant 1 : i32
      %get3A_892 = arith.index_cast %get3A_891 : i32 to index
      %get3A_893 = arith.constant 480 : index
      %get3A_894 = tpu.vector_load %arg5[%get3A_892, %get3A_893] {strides = array<i32>} : memref<2x768xi32, #tpu.memory_space<vmem>>, vector<1x16xi32>,
      %get3A_895 = vector.shape_cast %get3A_894 : vector<1x16xi32> to vector<16xi32>
      %swap3A_896 = arith.constant 96 : index
      %swap3A_897 = tpu.vector_load %arg9[%swap3A_896] {strides = array<i32>} : memref<128xi32, #tpu.memory_space<vmem>>, vector<16xi32>,
      %swap3A_898 = vector.shape_cast %swap3A_897 : vector<16xi32> to vector<16xi32>
      %swap3A_899 = vector.shape_cast %get3A_895 : vector<16xi32> to vector<16xi32>
      tpu.vector_store %arg9[%swap3A_896], %swap3A_899 {strides = array<i32>} : memref<128xi32, #tpu.memory_space<vmem>>, vector<16xi32>,
      %get3A_900 = arith.constant 1 : i32
      %get3A_901 = arith.index_cast %get3A_900 : i32 to index
      %get3A_902 = arith.constant 496 : index
      %get3A_903 = tpu.vector_load %arg5[%get3A_901, %get3A_902] {strides = array<i32>} : memref<2x768xi32, #tpu.memory_space<vmem>>, vector<1x16xi32>,
      %get3A_904 = vector.shape_cast %get3A_903 : vector<1x16xi32> to vector<16xi32>
      %swap3A_905 = arith.constant 112 : index
      %swap3A_906 = tpu.vector_load %arg9[%swap3A_905] {strides = array<i32>} : memref<128xi32, #tpu.memory_space<vmem>>, vector<16xi32>,
      %swap3A_907 = vector.shape_cast %swap3A_906 : vector<16xi32> to vector<16xi32>
      %swap3A_908 = vector.shape_cast %get3A_904 : vector<16xi32> to vector<16xi32>
      tpu.vector_store %arg9[%swap3A_905], %swap3A_908 {strides = array<i32>} : memref<128xi32, #tpu.memory_space<vmem>>, vector<16xi32>,
      %dma_wait3A_909 = arith.constant 0 : i32
      %dma_wait3A_910 = arith.constant 0 : i32
      %dma_wait3A_911 = tpu.memref_slice %arg2[%dma_wait3A_909, %dma_wait3A_910] : memref<10000x128xf32, #tpu.memory_space<hbm>> -> memref<128x128xf32, #tpu.memory_space<hbm>>
      %dma_wait3A_912 = arith.constant 0 : i32
      %dma_wait3A_913 = arith.constant 0 : i32
      %dma_wait3A_914 = tpu.memref_slice %arg2[%dma_wait3A_912, %dma_wait3A_913] : memref<10000x128xf32, #tpu.memory_space<hbm>> -> memref<128x128xf32, #tpu.memory_space<hbm>>
      tpu.wait_dma2 semaphore(%arg15 : memref<!tpu.dma_semaphore, #tpu.memory_space<semaphore_mem>>) src(%dma_wait3A_914 : memref<128x128xf32, #tpu.memory_space<hbm>>) dst(%arg8 : memref<128x128xf32, #tpu.memory_space<vmem>>)
      "tpu.region"() ({
        %run_scoped3A = tpu.sem_alloc : memref<!tpu.dma_semaphore, #tpu.memory_space<semaphore_mem>>
        %dma_start3A_1625 = arith.constant 0 : i32
        %dma_start3A_1626 = arith.constant 0 : i32
        %dma_start3A_1627 = tpu.memref_slice %arg11[%dma_start3A_1625, %dma_start3A_1626] : memref<10000x128xf32, #tpu.memory_space<vmem_shared>> -> memref<10000x128xf32, #tpu.memory_space<vmem_shared>>
        tpu.enqueue_indirect_dma source(%arg8 : memref<128x128xf32, #tpu.memory_space<vmem>>) target(%dma_start3A_1627 : memref<10000x128xf32, #tpu.memory_space<vmem_shared>>) offsets(%arg9 : memref<128xi32, #tpu.memory_space<vmem>>) semaphore(%run_scoped3A : memref<!tpu.dma_semaphore, #tpu.memory_space<semaphore_mem>>) {add = true}
        %dma_wait3A_1628 = arith.constant 0 : i32
        %dma_wait3A_1629 = arith.constant 0 : i32
        %dma_wait3A_1630 = tpu.memref_slice %arg11[%dma_wait3A_1628, %dma_wait3A_1629] : memref<10000x128xf32, #tpu.memory_space<vmem_shared>> -> memref<10000x128xf32, #tpu.memory_space<vmem_shared>>
        tpu.wait_indirect_dma semaphore(%run_scoped3A : memref<!tpu.dma_semaphore, #tpu.memory_space<semaphore_mem>>) src(%arg8 : memref<128x128xf32, #tpu.memory_space<vmem>>) dst(%dma_wait3A_1630 : memref<10000x128xf32, #tpu.memory_space<vmem_shared>>)
        tpu.yield
      }) : () -> ()
      %dma_start3A_915 = arith.constant 0 : i32
      %dma_start3A_916 = arith.constant 640 : i32
      %dma_start3A_917 = tpu.memref_slice %arg5[%dma_start3A_915, %dma_start3A_916] : memref<2x768xi32, #tpu.memory_space<vmem>> -> memref<1x128xi32, #tpu.memory_space<vmem>>
      %dma_start3A_918 = tpu.memref_squeeze %dma_start3A_917 : memref<1x128xi32, #tpu.memory_space<vmem>> -> memref<128xi32, #tpu.memory_space<vmem>>
      %dma_start3A_919 = arith.constant 0 : i32
      %dma_start3A_920 = arith.constant 0 : i32
      %dma_start3A_921 = tpu.memref_slice %arg2[%dma_start3A_919, %dma_start3A_920] : memref<10000x128xf32, #tpu.memory_space<hbm>> -> memref<10000x128xf32, #tpu.memory_space<hbm>>
      tpu.enqueue_indirect_dma source(%dma_start3A_921 : memref<10000x128xf32, #tpu.memory_space<hbm>>) target(%arg8 : memref<128x128xf32, #tpu.memory_space<vmem>>) offsets(%dma_start3A_918 : memref<128xi32, #tpu.memory_space<vmem>>) semaphore(%arg15 : memref<!tpu.dma_semaphore, #tpu.memory_space<semaphore_mem>>)
      %get3A_922 = arith.constant 1 : i32
      %get3A_923 = arith.index_cast %get3A_922 : i32 to index
      %get3A_924 = arith.constant 512 : index
      %get3A_925 = tpu.vector_load %arg5[%get3A_923, %get3A_924] {strides = array<i32>} : memref<2x768xi32, #tpu.memory_space<vmem>>, vector<1x16xi32>,
      %get3A_926 = vector.shape_cast %get3A_925 : vector<1x16xi32> to vector<16xi32>
      %swap3A_927 = arith.constant 0 : index
      %swap3A_928 = tpu.vector_load %arg9[%swap3A_927] {strides = array<i32>} : memref<128xi32, #tpu.memory_space<vmem>>, vector<16xi32>,
      %swap3A_929 = vector.shape_cast %swap3A_928 : vector<16xi32> to vector<16xi32>
      %swap3A_930 = vector.shape_cast %get3A_926 : vector<16xi32> to vector<16xi32>
      tpu.vector_store %arg9[%swap3A_927], %swap3A_930 {strides = array<i32>} : memref<128xi32, #tpu.memory_space<vmem>>, vector<16xi32>,
      %get3A_931 = arith.constant 1 : i32
      %get3A_932 = arith.index_cast %get3A_931 : i32 to index
      %get3A_933 = arith.constant 528 : index
      %get3A_934 = tpu.vector_load %arg5[%get3A_932, %get3A_933] {strides = array<i32>} : memref<2x768xi32, #tpu.memory_space<vmem>>, vector<1x16xi32>,
      %get3A_935 = vector.shape_cast %get3A_934 : vector<1x16xi32> to vector<16xi32>
      %swap3A_936 = arith.constant 16 : index
      %swap3A_937 = tpu.vector_load %arg9[%swap3A_936] {strides = array<i32>} : memref<128xi32, #tpu.memory_space<vmem>>, vector<16xi32>,
      %swap3A_938 = vector.shape_cast %swap3A_937 : vector<16xi32> to vector<16xi32>
      %swap3A_939 = vector.shape_cast %get3A_935 : vector<16xi32> to vector<16xi32>
      tpu.vector_store %arg9[%swap3A_936], %swap3A_939 {strides = array<i32>} : memref<128xi32, #tpu.memory_space<vmem>>, vector<16xi32>,
      %get3A_940 = arith.constant 1 : i32
      %get3A_941 = arith.index_cast %get3A_940 : i32 to index
      %get3A_942 = arith.constant 544 : index
      %get3A_943 = tpu.vector_load %arg5[%get3A_941, %get3A_942] {strides = array<i32>} : memref<2x768xi32, #tpu.memory_space<vmem>>, vector<1x16xi32>,
      %get3A_944 = vector.shape_cast %get3A_943 : vector<1x16xi32> to vector<16xi32>
      %swap3A_945 = arith.constant 32 : index
      %swap3A_946 = tpu.vector_load %arg9[%swap3A_945] {strides = array<i32>} : memref<128xi32, #tpu.memory_space<vmem>>, vector<16xi32>,
      %swap3A_947 = vector.shape_cast %swap3A_946 : vector<16xi32> to vector<16xi32>
      %swap3A_948 = vector.shape_cast %get3A_944 : vector<16xi32> to vector<16xi32>
      tpu.vector_store %arg9[%swap3A_945], %swap3A_948 {strides = array<i32>} : memref<128xi32, #tpu.memory_space<vmem>>, vector<16xi32>,
      %get3A_949 = arith.constant 1 : i32
      %get3A_950 = arith.index_cast %get3A_949 : i32 to index
      %get3A_951 = arith.constant 560 : index
      %get3A_952 = tpu.vector_load %arg5[%get3A_950, %get3A_951] {strides = array<i32>} : memref<2x768xi32, #tpu.memory_space<vmem>>, vector<1x16xi32>,
      %get3A_953 = vector.shape_cast %get3A_952 : vector<1x16xi32> to vector<16xi32>
      %swap3A_954 = arith.constant 48 : index
      %swap3A_955 = tpu.vector_load %arg9[%swap3A_954] {strides = array<i32>} : memref<128xi32, #tpu.memory_space<vmem>>, vector<16xi32>,
      %swap3A_956 = vector.shape_cast %swap3A_955 : vector<16xi32> to vector<16xi32>
      %swap3A_957 = vector.shape_cast %get3A_953 : vector<16xi32> to vector<16xi32>
      tpu.vector_store %arg9[%swap3A_954], %swap3A_957 {strides = array<i32>} : memref<128xi32, #tpu.memory_space<vmem>>, vector<16xi32>,
      %get3A_958 = arith.constant 1 : i32
      %get3A_959 = arith.index_cast %get3A_958 : i32 to index
      %get3A_960 = arith.constant 576 : index
      %get3A_961 = tpu.vector_load %arg5[%get3A_959, %get3A_960] {strides = array<i32>} : memref<2x768xi32, #tpu.memory_space<vmem>>, vector<1x16xi32>,
      %get3A_962 = vector.shape_cast %get3A_961 : vector<1x16xi32> to vector<16xi32>
      %swap3A_963 = arith.constant 64 : index
      %swap3A_964 = tpu.vector_load %arg9[%swap3A_963] {strides = array<i32>} : memref<128xi32, #tpu.memory_space<vmem>>, vector<16xi32>,
      %swap3A_965 = vector.shape_cast %swap3A_964 : vector<16xi32> to vector<16xi32>
      %swap3A_966 = vector.shape_cast %get3A_962 : vector<16xi32> to vector<16xi32>
      tpu.vector_store %arg9[%swap3A_963], %swap3A_966 {strides = array<i32>} : memref<128xi32, #tpu.memory_space<vmem>>, vector<16xi32>,
      %get3A_967 = arith.constant 1 : i32
      %get3A_968 = arith.index_cast %get3A_967 : i32 to index
      %get3A_969 = arith.constant 592 : index
      %get3A_970 = tpu.vector_load %arg5[%get3A_968, %get3A_969] {strides = array<i32>} : memref<2x768xi32, #tpu.memory_space<vmem>>, vector<1x16xi32>,
      %get3A_971 = vector.shape_cast %get3A_970 : vector<1x16xi32> to vector<16xi32>
      %swap3A_972 = arith.constant 80 : index
      %swap3A_973 = tpu.vector_load %arg9[%swap3A_972] {strides = array<i32>} : memref<128xi32, #tpu.memory_space<vmem>>, vector<16xi32>,
      %swap3A_974 = vector.shape_cast %swap3A_973 : vector<16xi32> to vector<16xi32>
      %swap3A_975 = vector.shape_cast %get3A_971 : vector<16xi32> to vector<16xi32>
      tpu.vector_store %arg9[%swap3A_972], %swap3A_975 {strides = array<i32>} : memref<128xi32, #tpu.memory_space<vmem>>, vector<16xi32>,
      %get3A_976 = arith.constant 1 : i32
      %get3A_977 = arith.index_cast %get3A_976 : i32 to index
      %get3A_978 = arith.constant 608 : index
      %get3A_979 = tpu.vector_load %arg5[%get3A_977, %get3A_978] {strides = array<i32>} : memref<2x768xi32, #tpu.memory_space<vmem>>, vector<1x16xi32>,
      %get3A_980 = vector.shape_cast %get3A_979 : vector<1x16xi32> to vector<16xi32>
      %swap3A_981 = arith.constant 96 : index
      %swap3A_982 = tpu.vector_load %arg9[%swap3A_981] {strides = array<i32>} : memref<128xi32, #tpu.memory_space<vmem>>, vector<16xi32>,
      %swap3A_983 = vector.shape_cast %swap3A_982 : vector<16xi32> to vector<16xi32>
      %swap3A_984 = vector.shape_cast %get3A_980 : vector<16xi32> to vector<16xi32>
      tpu.vector_store %arg9[%swap3A_981], %swap3A_984 {strides = array<i32>} : memref<128xi32, #tpu.memory_space<vmem>>, vector<16xi32>,
      %get3A_985 = arith.constant 1 : i32
      %get3A_986 = arith.index_cast %get3A_985 : i32 to index
      %get3A_987 = arith.constant 624 : index
      %get3A_988 = tpu.vector_load %arg5[%get3A_986, %get3A_987] {strides = array<i32>} : memref<2x768xi32, #tpu.memory_space<vmem>>, vector<1x16xi32>,
      %get3A_989 = vector.shape_cast %get3A_988 : vector<1x16xi32> to vector<16xi32>
      %swap3A_990 = arith.constant 112 : index
      %swap3A_991 = tpu.vector_load %arg9[%swap3A_990] {strides = array<i32>} : memref<128xi32, #tpu.memory_space<vmem>>, vector<16xi32>,
      %swap3A_992 = vector.shape_cast %swap3A_991 : vector<16xi32> to vector<16xi32>
      %swap3A_993 = vector.shape_cast %get3A_989 : vector<16xi32> to vector<16xi32>
      tpu.vector_store %arg9[%swap3A_990], %swap3A_993 {strides = array<i32>} : memref<128xi32, #tpu.memory_space<vmem>>, vector<16xi32>,
      %dma_wait3A_994 = arith.constant 0 : i32
      %dma_wait3A_995 = arith.constant 0 : i32
      %dma_wait3A_996 = tpu.memref_slice %arg2[%dma_wait3A_994, %dma_wait3A_995] : memref<10000x128xf32, #tpu.memory_space<hbm>> -> memref<128x128xf32, #tpu.memory_space<hbm>>
      %dma_wait3A_997 = arith.constant 0 : i32
      %dma_wait3A_998 = arith.constant 0 : i32
      %dma_wait3A_999 = tpu.memref_slice %arg2[%dma_wait3A_997, %dma_wait3A_998] : memref<10000x128xf32, #tpu.memory_space<hbm>> -> memref<128x128xf32, #tpu.memory_space<hbm>>
      tpu.wait_dma2 semaphore(%arg14 : memref<!tpu.dma_semaphore, #tpu.memory_space<semaphore_mem>>) src(%dma_wait3A_999 : memref<128x128xf32, #tpu.memory_space<hbm>>) dst(%arg7 : memref<128x128xf32, #tpu.memory_space<vmem>>)
      "tpu.region"() ({
        %run_scoped3A = tpu.sem_alloc : memref<!tpu.dma_semaphore, #tpu.memory_space<semaphore_mem>>
        %dma_start3A_1625 = arith.constant 0 : i32
        %dma_start3A_1626 = arith.constant 0 : i32
        %dma_start3A_1627 = tpu.memref_slice %arg11[%dma_start3A_1625, %dma_start3A_1626] : memref<10000x128xf32, #tpu.memory_space<vmem_shared>> -> memref<10000x128xf32, #tpu.memory_space<vmem_shared>>
        tpu.enqueue_indirect_dma source(%arg7 : memref<128x128xf32, #tpu.memory_space<vmem>>) target(%dma_start3A_1627 : memref<10000x128xf32, #tpu.memory_space<vmem_shared>>) offsets(%arg9 : memref<128xi32, #tpu.memory_space<vmem>>) semaphore(%run_scoped3A : memref<!tpu.dma_semaphore, #tpu.memory_space<semaphore_mem>>) {add = true}
        %dma_wait3A_1628 = arith.constant 0 : i32
        %dma_wait3A_1629 = arith.constant 0 : i32
        %dma_wait3A_1630 = tpu.memref_slice %arg11[%dma_wait3A_1628, %dma_wait3A_1629] : memref<10000x128xf32, #tpu.memory_space<vmem_shared>> -> memref<10000x128xf32, #tpu.memory_space<vmem_shared>>
        tpu.wait_indirect_dma semaphore(%run_scoped3A : memref<!tpu.dma_semaphore, #tpu.memory_space<semaphore_mem>>) src(%arg7 : memref<128x128xf32, #tpu.memory_space<vmem>>) dst(%dma_wait3A_1630 : memref<10000x128xf32, #tpu.memory_space<vmem_shared>>)
        tpu.yield
      }) : () -> ()
      %dma_wait3A_1000 = arith.constant 0 : i32
      %dma_wait3A_1001 = arith.constant 0 : i32
      %dma_wait3A_1002 = tpu.memref_slice %arg3[%dma_wait3A_1000, %dma_wait3A_1001] : memref<2x320000xi32, #tpu.memory_space<hbm>> -> memref<2x768xi32, #tpu.memory_space<hbm>>
      %dma_wait3A_1003 = arith.constant 0 : i32
      %dma_wait3A_1004 = arith.constant 0 : i32
      %dma_wait3A_1005 = tpu.memref_slice %arg3[%dma_wait3A_1003, %dma_wait3A_1004] : memref<2x320000xi32, #tpu.memory_space<hbm>> -> memref<2x768xi32, #tpu.memory_space<hbm>>
      tpu.wait_dma2 semaphore(%arg13 : memref<!tpu.dma_semaphore, #tpu.memory_space<semaphore_mem>>) src(%dma_wait3A_1005 : memref<2x768xi32, #tpu.memory_space<hbm>>) dst(%arg6 : memref<2x768xi32, #tpu.memory_space<vmem>>)
      %dma_start3A_1006 = arith.constant 0 : i32
      %dma_start3A_1007 = arith.constant 0 : i32
      %dma_start3A_1008 = tpu.memref_slice %arg6[%dma_start3A_1006, %dma_start3A_1007] : memref<2x768xi32, #tpu.memory_space<vmem>> -> memref<1x128xi32, #tpu.memory_space<vmem>>
      %dma_start3A_1009 = tpu.memref_squeeze %dma_start3A_1008 : memref<1x128xi32, #tpu.memory_space<vmem>> -> memref<128xi32, #tpu.memory_space<vmem>>
      %dma_start3A_1010 = arith.constant 0 : i32
      %dma_start3A_1011 = arith.constant 0 : i32
      %dma_start3A_1012 = tpu.memref_slice %arg2[%dma_start3A_1010, %dma_start3A_1011] : memref<10000x128xf32, #tpu.memory_space<hbm>> -> memref<10000x128xf32, #tpu.memory_space<hbm>>
      tpu.enqueue_indirect_dma source(%dma_start3A_1012 : memref<10000x128xf32, #tpu.memory_space<hbm>>) target(%arg7 : memref<128x128xf32, #tpu.memory_space<vmem>>) offsets(%dma_start3A_1009 : memref<128xi32, #tpu.memory_space<vmem>>) semaphore(%arg14 : memref<!tpu.dma_semaphore, #tpu.memory_space<semaphore_mem>>)
      %get3A_1013 = arith.constant 1 : i32
      %get3A_1014 = arith.index_cast %get3A_1013 : i32 to index
      %get3A_1015 = arith.constant 640 : index
      %get3A_1016 = tpu.vector_load %arg5[%get3A_1014, %get3A_1015] {strides = array<i32>} : memref<2x768xi32, #tpu.memory_space<vmem>>, vector<1x16xi32>,
      %get3A_1017 = vector.shape_cast %get3A_1016 : vector<1x16xi32> to vector<16xi32>
      %swap3A_1018 = arith.constant 0 : index
      %swap3A_1019 = tpu.vector_load %arg9[%swap3A_1018] {strides = array<i32>} : memref<128xi32, #tpu.memory_space<vmem>>, vector<16xi32>,
      %swap3A_1020 = vector.shape_cast %swap3A_1019 : vector<16xi32> to vector<16xi32>
      %swap3A_1021 = vector.shape_cast %get3A_1017 : vector<16xi32> to vector<16xi32>
      tpu.vector_store %arg9[%swap3A_1018], %swap3A_1021 {strides = array<i32>} : memref<128xi32, #tpu.memory_space<vmem>>, vector<16xi32>,
      %get3A_1022 = arith.constant 1 : i32
      %get3A_1023 = arith.index_cast %get3A_1022 : i32 to index
      %get3A_1024 = arith.constant 656 : index
      %get3A_1025 = tpu.vector_load %arg5[%get3A_1023, %get3A_1024] {strides = array<i32>} : memref<2x768xi32, #tpu.memory_space<vmem>>, vector<1x16xi32>,
      %get3A_1026 = vector.shape_cast %get3A_1025 : vector<1x16xi32> to vector<16xi32>
      %swap3A_1027 = arith.constant 16 : index
      %swap3A_1028 = tpu.vector_load %arg9[%swap3A_1027] {strides = array<i32>} : memref<128xi32, #tpu.memory_space<vmem>>, vector<16xi32>,
      %swap3A_1029 = vector.shape_cast %swap3A_1028 : vector<16xi32> to vector<16xi32>
      %swap3A_1030 = vector.shape_cast %get3A_1026 : vector<16xi32> to vector<16xi32>
      tpu.vector_store %arg9[%swap3A_1027], %swap3A_1030 {strides = array<i32>} : memref<128xi32, #tpu.memory_space<vmem>>, vector<16xi32>,
      %get3A_1031 = arith.constant 1 : i32
      %get3A_1032 = arith.index_cast %get3A_1031 : i32 to index
      %get3A_1033 = arith.constant 672 : index
      %get3A_1034 = tpu.vector_load %arg5[%get3A_1032, %get3A_1033] {strides = array<i32>} : memref<2x768xi32, #tpu.memory_space<vmem>>, vector<1x16xi32>,
      %get3A_1035 = vector.shape_cast %get3A_1034 : vector<1x16xi32> to vector<16xi32>
      %swap3A_1036 = arith.constant 32 : index
      %swap3A_1037 = tpu.vector_load %arg9[%swap3A_1036] {strides = array<i32>} : memref<128xi32, #tpu.memory_space<vmem>>, vector<16xi32>,
      %swap3A_1038 = vector.shape_cast %swap3A_1037 : vector<16xi32> to vector<16xi32>
      %swap3A_1039 = vector.shape_cast %get3A_1035 : vector<16xi32> to vector<16xi32>
      tpu.vector_store %arg9[%swap3A_1036], %swap3A_1039 {strides = array<i32>} : memref<128xi32, #tpu.memory_space<vmem>>, vector<16xi32>,
      %get3A_1040 = arith.constant 1 : i32
      %get3A_1041 = arith.index_cast %get3A_1040 : i32 to index
      %get3A_1042 = arith.constant 688 : index
      %get3A_1043 = tpu.vector_load %arg5[%get3A_1041, %get3A_1042] {strides = array<i32>} : memref<2x768xi32, #tpu.memory_space<vmem>>, vector<1x16xi32>,
      %get3A_1044 = vector.shape_cast %get3A_1043 : vector<1x16xi32> to vector<16xi32>
      %swap3A_1045 = arith.constant 48 : index
      %swap3A_1046 = tpu.vector_load %arg9[%swap3A_1045] {strides = array<i32>} : memref<128xi32, #tpu.memory_space<vmem>>, vector<16xi32>,
      %swap3A_1047 = vector.shape_cast %swap3A_1046 : vector<16xi32> to vector<16xi32>
      %swap3A_1048 = vector.shape_cast %get3A_1044 : vector<16xi32> to vector<16xi32>
      tpu.vector_store %arg9[%swap3A_1045], %swap3A_1048 {strides = array<i32>} : memref<128xi32, #tpu.memory_space<vmem>>, vector<16xi32>,
      %get3A_1049 = arith.constant 1 : i32
      %get3A_1050 = arith.index_cast %get3A_1049 : i32 to index
      %get3A_1051 = arith.constant 704 : index
      %get3A_1052 = tpu.vector_load %arg5[%get3A_1050, %get3A_1051] {strides = array<i32>} : memref<2x768xi32, #tpu.memory_space<vmem>>, vector<1x16xi32>,
      %get3A_1053 = vector.shape_cast %get3A_1052 : vector<1x16xi32> to vector<16xi32>
      %swap3A_1054 = arith.constant 64 : index
      %swap3A_1055 = tpu.vector_load %arg9[%swap3A_1054] {strides = array<i32>} : memref<128xi32, #tpu.memory_space<vmem>>, vector<16xi32>,
      %swap3A_1056 = vector.shape_cast %swap3A_1055 : vector<16xi32> to vector<16xi32>
      %swap3A_1057 = vector.shape_cast %get3A_1053 : vector<16xi32> to vector<16xi32>
      tpu.vector_store %arg9[%swap3A_1054], %swap3A_1057 {strides = array<i32>} : memref<128xi32, #tpu.memory_space<vmem>>, vector<16xi32>,
      %get3A_1058 = arith.constant 1 : i32
      %get3A_1059 = arith.index_cast %get3A_1058 : i32 to index
      %get3A_1060 = arith.constant 720 : index
      %get3A_1061 = tpu.vector_load %arg5[%get3A_1059, %get3A_1060] {strides = array<i32>} : memref<2x768xi32, #tpu.memory_space<vmem>>, vector<1x16xi32>,
      %get3A_1062 = vector.shape_cast %get3A_1061 : vector<1x16xi32> to vector<16xi32>
      %swap3A_1063 = arith.constant 80 : index
      %swap3A_1064 = tpu.vector_load %arg9[%swap3A_1063] {strides = array<i32>} : memref<128xi32, #tpu.memory_space<vmem>>, vector<16xi32>,
      %swap3A_1065 = vector.shape_cast %swap3A_1064 : vector<16xi32> to vector<16xi32>
      %swap3A_1066 = vector.shape_cast %get3A_1062 : vector<16xi32> to vector<16xi32>
      tpu.vector_store %arg9[%swap3A_1063], %swap3A_1066 {strides = array<i32>} : memref<128xi32, #tpu.memory_space<vmem>>, vector<16xi32>,
      %get3A_1067 = arith.constant 1 : i32
      %get3A_1068 = arith.index_cast %get3A_1067 : i32 to index
      %get3A_1069 = arith.constant 736 : index
      %get3A_1070 = tpu.vector_load %arg5[%get3A_1068, %get3A_1069] {strides = array<i32>} : memref<2x768xi32, #tpu.memory_space<vmem>>, vector<1x16xi32>,
      %get3A_1071 = vector.shape_cast %get3A_1070 : vector<1x16xi32> to vector<16xi32>
      %swap3A_1072 = arith.constant 96 : index
      %swap3A_1073 = tpu.vector_load %arg9[%swap3A_1072] {strides = array<i32>} : memref<128xi32, #tpu.memory_space<vmem>>, vector<16xi32>,
      %swap3A_1074 = vector.shape_cast %swap3A_1073 : vector<16xi32> to vector<16xi32>
      %swap3A_1075 = vector.shape_cast %get3A_1071 : vector<16xi32> to vector<16xi32>
      tpu.vector_store %arg9[%swap3A_1072], %swap3A_1075 {strides = array<i32>} : memref<128xi32, #tpu.memory_space<vmem>>, vector<16xi32>,
      %get3A_1076 = arith.constant 1 : i32
      %get3A_1077 = arith.index_cast %get3A_1076 : i32 to index
      %get3A_1078 = arith.constant 752 : index
      %get3A_1079 = tpu.vector_load %arg5[%get3A_1077, %get3A_1078] {strides = array<i32>} : memref<2x768xi32, #tpu.memory_space<vmem>>, vector<1x16xi32>,
      %get3A_1080 = vector.shape_cast %get3A_1079 : vector<1x16xi32> to vector<16xi32>
      %swap3A_1081 = arith.constant 112 : index
      %swap3A_1082 = tpu.vector_load %arg9[%swap3A_1081] {strides = array<i32>} : memref<128xi32, #tpu.memory_space<vmem>>, vector<16xi32>,
      %swap3A_1083 = vector.shape_cast %swap3A_1082 : vector<16xi32> to vector<16xi32>
      %swap3A_1084 = vector.shape_cast %get3A_1080 : vector<16xi32> to vector<16xi32>
      tpu.vector_store %arg9[%swap3A_1081], %swap3A_1084 {strides = array<i32>} : memref<128xi32, #tpu.memory_space<vmem>>, vector<16xi32>,
      %dma_wait3A_1085 = arith.constant 0 : i32
      %dma_wait3A_1086 = arith.constant 0 : i32
      %dma_wait3A_1087 = tpu.memref_slice %arg2[%dma_wait3A_1085, %dma_wait3A_1086] : memref<10000x128xf32, #tpu.memory_space<hbm>> -> memref<128x128xf32, #tpu.memory_space<hbm>>
      %dma_wait3A_1088 = arith.constant 0 : i32
      %dma_wait3A_1089 = arith.constant 0 : i32
      %dma_wait3A_1090 = tpu.memref_slice %arg2[%dma_wait3A_1088, %dma_wait3A_1089] : memref<10000x128xf32, #tpu.memory_space<hbm>> -> memref<128x128xf32, #tpu.memory_space<hbm>>
      tpu.wait_dma2 semaphore(%arg15 : memref<!tpu.dma_semaphore, #tpu.memory_space<semaphore_mem>>) src(%dma_wait3A_1090 : memref<128x128xf32, #tpu.memory_space<hbm>>) dst(%arg8 : memref<128x128xf32, #tpu.memory_space<vmem>>)
      %add3A_1091 = arith.constant 2 : i32
      %add3A_1092 = arith.addi %mul3A_574, %add3A_1091 : i32
      %lt3A_1093 = arith.constant 13 : i32
      %lt3A_1094 = arith.cmpi slt, %add3A_1092, %lt3A_1093 : i32
      %convert_element_type3A_1095 = arith.extui %lt3A_1094 : i1 to i32
      %cond3A_1096 = arith.constant 0 : i32
      %cond3A_1097 = arith.cmpi ne, %convert_element_type3A_1095, %cond3A_1096 : i32
      scf.if %cond3A_1097 {
        %add3A_1625 = arith.constant 2 : i32
        %add3A_1626 = arith.addi %mul3A_574, %add3A_1625 : i32
        %mul3A_1627 = arith.constant 6 : i32
        %mul3A_1628 = arith.muli %add3A_1626, %mul3A_1627 : i32
        %add3A_1629 = arith.addi %mul3A_2, %mul3A_1628 : i32
        %mul3A_1630 = arith.constant 128 : i32
        %mul3A_1631 = arith.muli %add3A_1629, %mul3A_1630 : i32
        %dma_start3A_1632 = arith.constant 0 : i32
        %dma_start3A_1633 = tpu.memref_slice %arg3[%dma_start3A_1632, %mul3A_1631] : memref<2x320000xi32, #tpu.memory_space<hbm>> -> memref<2x768xi32, #tpu.memory_space<hbm>>
        %dma_start3A_1634 = arith.constant 0 : i32
        %dma_start3A_1635 = tpu.memref_slice %arg3[%dma_start3A_1634, %mul3A_1631] : memref<2x320000xi32, #tpu.memory_space<hbm>> -> memref<2x768xi32, #tpu.memory_space<hbm>>
        tpu.enqueue_dma source(%dma_start3A_1635 : memref<2x768xi32, #tpu.memory_space<hbm>>) target(%arg5 : memref<2x768xi32, #tpu.memory_space<vmem>>) target_semaphore(%arg12 : memref<!tpu.dma_semaphore, #tpu.memory_space<semaphore_mem>>)
      } else {
      }
      "tpu.region"() ({
        %run_scoped3A = tpu.sem_alloc : memref<!tpu.dma_semaphore, #tpu.memory_space<semaphore_mem>>
        %dma_start3A_1625 = arith.constant 0 : i32
        %dma_start3A_1626 = arith.constant 0 : i32
        %dma_start3A_1627 = tpu.memref_slice %arg11[%dma_start3A_1625, %dma_start3A_1626] : memref<10000x128xf32, #tpu.memory_space<vmem_shared>> -> memref<10000x128xf32, #tpu.memory_space<vmem_shared>>
        tpu.enqueue_indirect_dma source(%arg8 : memref<128x128xf32, #tpu.memory_space<vmem>>) target(%dma_start3A_1627 : memref<10000x128xf32, #tpu.memory_space<vmem_shared>>) offsets(%arg9 : memref<128xi32, #tpu.memory_space<vmem>>) semaphore(%run_scoped3A : memref<!tpu.dma_semaphore, #tpu.memory_space<semaphore_mem>>) {add = true}
        %dma_wait3A_1628 = arith.constant 0 : i32
        %dma_wait3A_1629 = arith.constant 0 : i32
        %dma_wait3A_1630 = tpu.memref_slice %arg11[%dma_wait3A_1628, %dma_wait3A_1629] : memref<10000x128xf32, #tpu.memory_space<vmem_shared>> -> memref<10000x128xf32, #tpu.memory_space<vmem_shared>>
        tpu.wait_indirect_dma semaphore(%run_scoped3A : memref<!tpu.dma_semaphore, #tpu.memory_space<semaphore_mem>>) src(%arg8 : memref<128x128xf32, #tpu.memory_space<vmem>>) dst(%dma_wait3A_1630 : memref<10000x128xf32, #tpu.memory_space<vmem_shared>>)
        tpu.yield
      }) : () -> ()
      %mul3A_1098 = arith.constant 2 : i32
      %mul3A_1099 = arith.muli %mul3A_1098, %add3A_572 : i32
      %add3A_1100 = arith.constant 1 : i32
      %add3A_1101 = arith.addi %mul3A_1099, %add3A_1100 : i32
      %dma_start3A_1102 = arith.constant 0 : i32
      %dma_start3A_1103 = arith.constant 128 : i32
      %dma_start3A_1104 = tpu.memref_slice %arg6[%dma_start3A_1102, %dma_start3A_1103] : memref<2x768xi32, #tpu.memory_space<vmem>> -> memref<1x128xi32, #tpu.memory_space<vmem>>
      %dma_start3A_1105 = tpu.memref_squeeze %dma_start3A_1104 : memref<1x128xi32, #tpu.memory_space<vmem>> -> memref<128xi32, #tpu.memory_space<vmem>>
      %dma_start3A_1106 = arith.constant 0 : i32
      %dma_start3A_1107 = arith.constant 0 : i32
      %dma_start3A_1108 = tpu.memref_slice %arg2[%dma_start3A_1106, %dma_start3A_1107] : memref<10000x128xf32, #tpu.memory_space<hbm>> -> memref<10000x128xf32, #tpu.memory_space<hbm>>
      tpu.enqueue_indirect_dma source(%dma_start3A_1108 : memref<10000x128xf32, #tpu.memory_space<hbm>>) target(%arg8 : memref<128x128xf32, #tpu.memory_space<vmem>>) offsets(%dma_start3A_1105 : memref<128xi32, #tpu.memory_space<vmem>>) semaphore(%arg15 : memref<!tpu.dma_semaphore, #tpu.memory_space<semaphore_mem>>)
      %get3A_1109 = arith.constant 1 : i32
      %get3A_1110 = arith.index_cast %get3A_1109 : i32 to index
      %get3A_1111 = arith.constant 0 : index
      %get3A_1112 = tpu.vector_load %arg6[%get3A_1110, %get3A_1111] {strides = array<i32>} : memref<2x768xi32, #tpu.memory_space<vmem>>, vector<1x16xi32>,
      %get3A_1113 = vector.shape_cast %get3A_1112 : vector<1x16xi32> to vector<16xi32>
      %swap3A_1114 = arith.constant 0 : index
      %swap3A_1115 = tpu.vector_load %arg9[%swap3A_1114] {strides = array<i32>} : memref<128xi32, #tpu.memory_space<vmem>>, vector<16xi32>,
      %swap3A_1116 = vector.shape_cast %swap3A_1115 : vector<16xi32> to vector<16xi32>
      %swap3A_1117 = vector.shape_cast %get3A_1113 : vector<16xi32> to vector<16xi32>
      tpu.vector_store %arg9[%swap3A_1114], %swap3A_1117 {strides = array<i32>} : memref<128xi32, #tpu.memory_space<vmem>>, vector<16xi32>,
      %get3A_1118 = arith.constant 1 : i32
      %get3A_1119 = arith.index_cast %get3A_1118 : i32 to index
      %get3A_1120 = arith.constant 16 : index
      %get3A_1121 = tpu.vector_load %arg6[%get3A_1119, %get3A_1120] {strides = array<i32>} : memref<2x768xi32, #tpu.memory_space<vmem>>, vector<1x16xi32>,
      %get3A_1122 = vector.shape_cast %get3A_1121 : vector<1x16xi32> to vector<16xi32>
      %swap3A_1123 = arith.constant 16 : index
      %swap3A_1124 = tpu.vector_load %arg9[%swap3A_1123] {strides = array<i32>} : memref<128xi32, #tpu.memory_space<vmem>>, vector<16xi32>,
      %swap3A_1125 = vector.shape_cast %swap3A_1124 : vector<16xi32> to vector<16xi32>
      %swap3A_1126 = vector.shape_cast %get3A_1122 : vector<16xi32> to vector<16xi32>
      tpu.vector_store %arg9[%swap3A_1123], %swap3A_1126 {strides = array<i32>} : memref<128xi32, #tpu.memory_space<vmem>>, vector<16xi32>,
      %get3A_1127 = arith.constant 1 : i32
      %get3A_1128 = arith.index_cast %get3A_1127 : i32 to index
      %get3A_1129 = arith.constant 32 : index
      %get3A_1130 = tpu.vector_load %arg6[%get3A_1128, %get3A_1129] {strides = array<i32>} : memref<2x768xi32, #tpu.memory_space<vmem>>, vector<1x16xi32>,
      %get3A_1131 = vector.shape_cast %get3A_1130 : vector<1x16xi32> to vector<16xi32>
      %swap3A_1132 = arith.constant 32 : index
      %swap3A_1133 = tpu.vector_load %arg9[%swap3A_1132] {strides = array<i32>} : memref<128xi32, #tpu.memory_space<vmem>>, vector<16xi32>,
      %swap3A_1134 = vector.shape_cast %swap3A_1133 : vector<16xi32> to vector<16xi32>
      %swap3A_1135 = vector.shape_cast %get3A_1131 : vector<16xi32> to vector<16xi32>
      tpu.vector_store %arg9[%swap3A_1132], %swap3A_1135 {strides = array<i32>} : memref<128xi32, #tpu.memory_space<vmem>>, vector<16xi32>,
      %get3A_1136 = arith.constant 1 : i32
      %get3A_1137 = arith.index_cast %get3A_1136 : i32 to index
      %get3A_1138 = arith.constant 48 : index
      %get3A_1139 = tpu.vector_load %arg6[%get3A_1137, %get3A_1138] {strides = array<i32>} : memref<2x768xi32, #tpu.memory_space<vmem>>, vector<1x16xi32>,
      %get3A_1140 = vector.shape_cast %get3A_1139 : vector<1x16xi32> to vector<16xi32>
      %swap3A_1141 = arith.constant 48 : index
      %swap3A_1142 = tpu.vector_load %arg9[%swap3A_1141] {strides = array<i32>} : memref<128xi32, #tpu.memory_space<vmem>>, vector<16xi32>,
      %swap3A_1143 = vector.shape_cast %swap3A_1142 : vector<16xi32> to vector<16xi32>
      %swap3A_1144 = vector.shape_cast %get3A_1140 : vector<16xi32> to vector<16xi32>
      tpu.vector_store %arg9[%swap3A_1141], %swap3A_1144 {strides = array<i32>} : memref<128xi32, #tpu.memory_space<vmem>>, vector<16xi32>,
      %get3A_1145 = arith.constant 1 : i32
      %get3A_1146 = arith.index_cast %get3A_1145 : i32 to index
      %get3A_1147 = arith.constant 64 : index
      %get3A_1148 = tpu.vector_load %arg6[%get3A_1146, %get3A_1147] {strides = array<i32>} : memref<2x768xi32, #tpu.memory_space<vmem>>, vector<1x16xi32>,
      %get3A_1149 = vector.shape_cast %get3A_1148 : vector<1x16xi32> to vector<16xi32>
      %swap3A_1150 = arith.constant 64 : index
      %swap3A_1151 = tpu.vector_load %arg9[%swap3A_1150] {strides = array<i32>} : memref<128xi32, #tpu.memory_space<vmem>>, vector<16xi32>,
      %swap3A_1152 = vector.shape_cast %swap3A_1151 : vector<16xi32> to vector<16xi32>
      %swap3A_1153 = vector.shape_cast %get3A_1149 : vector<16xi32> to vector<16xi32>
      tpu.vector_store %arg9[%swap3A_1150], %swap3A_1153 {strides = array<i32>} : memref<128xi32, #tpu.memory_space<vmem>>, vector<16xi32>,
      %get3A_1154 = arith.constant 1 : i32
      %get3A_1155 = arith.index_cast %get3A_1154 : i32 to index
      %get3A_1156 = arith.constant 80 : index
      %get3A_1157 = tpu.vector_load %arg6[%get3A_1155, %get3A_1156] {strides = array<i32>} : memref<2x768xi32, #tpu.memory_space<vmem>>, vector<1x16xi32>,
      %get3A_1158 = vector.shape_cast %get3A_1157 : vector<1x16xi32> to vector<16xi32>
      %swap3A_1159 = arith.constant 80 : index
      %swap3A_1160 = tpu.vector_load %arg9[%swap3A_1159] {strides = array<i32>} : memref<128xi32, #tpu.memory_space<vmem>>, vector<16xi32>,
      %swap3A_1161 = vector.shape_cast %swap3A_1160 : vector<16xi32> to vector<16xi32>
      %swap3A_1162 = vector.shape_cast %get3A_1158 : vector<16xi32> to vector<16xi32>
      tpu.vector_store %arg9[%swap3A_1159], %swap3A_1162 {strides = array<i32>} : memref<128xi32, #tpu.memory_space<vmem>>, vector<16xi32>,
      %get3A_1163 = arith.constant 1 : i32
      %get3A_1164 = arith.index_cast %get3A_1163 : i32 to index
      %get3A_1165 = arith.constant 96 : index
      %get3A_1166 = tpu.vector_load %arg6[%get3A_1164, %get3A_1165] {strides = array<i32>} : memref<2x768xi32, #tpu.memory_space<vmem>>, vector<1x16xi32>,
      %get3A_1167 = vector.shape_cast %get3A_1166 : vector<1x16xi32> to vector<16xi32>
      %swap3A_1168 = arith.constant 96 : index
      %swap3A_1169 = tpu.vector_load %arg9[%swap3A_1168] {strides = array<i32>} : memref<128xi32, #tpu.memory_space<vmem>>, vector<16xi32>,
      %swap3A_1170 = vector.shape_cast %swap3A_1169 : vector<16xi32> to vector<16xi32>
      %swap3A_1171 = vector.shape_cast %get3A_1167 : vector<16xi32> to vector<16xi32>
      tpu.vector_store %arg9[%swap3A_1168], %swap3A_1171 {strides = array<i32>} : memref<128xi32, #tpu.memory_space<vmem>>, vector<16xi32>,
      %get3A_1172 = arith.constant 1 : i32
      %get3A_1173 = arith.index_cast %get3A_1172 : i32 to index
      %get3A_1174 = arith.constant 112 : index
      %get3A_1175 = tpu.vector_load %arg6[%get3A_1173, %get3A_1174] {strides = array<i32>} : memref<2x768xi32, #tpu.memory_space<vmem>>, vector<1x16xi32>,
      %get3A_1176 = vector.shape_cast %get3A_1175 : vector<1x16xi32> to vector<16xi32>
      %swap3A_1177 = arith.constant 112 : index
      %swap3A_1178 = tpu.vector_load %arg9[%swap3A_1177] {strides = array<i32>} : memref<128xi32, #tpu.memory_space<vmem>>, vector<16xi32>,
      %swap3A_1179 = vector.shape_cast %swap3A_1178 : vector<16xi32> to vector<16xi32>
      %swap3A_1180 = vector.shape_cast %get3A_1176 : vector<16xi32> to vector<16xi32>
      tpu.vector_store %arg9[%swap3A_1177], %swap3A_1180 {strides = array<i32>} : memref<128xi32, #tpu.memory_space<vmem>>, vector<16xi32>,
      %dma_wait3A_1181 = arith.constant 0 : i32
      %dma_wait3A_1182 = arith.constant 0 : i32
      %dma_wait3A_1183 = tpu.memref_slice %arg2[%dma_wait3A_1181, %dma_wait3A_1182] : memref<10000x128xf32, #tpu.memory_space<hbm>> -> memref<128x128xf32, #tpu.memory_space<hbm>>
      %dma_wait3A_1184 = arith.constant 0 : i32
      %dma_wait3A_1185 = arith.constant 0 : i32
      %dma_wait3A_1186 = tpu.memref_slice %arg2[%dma_wait3A_1184, %dma_wait3A_1185] : memref<10000x128xf32, #tpu.memory_space<hbm>> -> memref<128x128xf32, #tpu.memory_space<hbm>>
      tpu.wait_dma2 semaphore(%arg14 : memref<!tpu.dma_semaphore, #tpu.memory_space<semaphore_mem>>) src(%dma_wait3A_1186 : memref<128x128xf32, #tpu.memory_space<hbm>>) dst(%arg7 : memref<128x128xf32, #tpu.memory_space<vmem>>)
      "tpu.region"() ({
        %run_scoped3A = tpu.sem_alloc : memref<!tpu.dma_semaphore, #tpu.memory_space<semaphore_mem>>
        %dma_start3A_1625 = arith.constant 0 : i32
        %dma_start3A_1626 = arith.constant 0 : i32
        %dma_start3A_1627 = tpu.memref_slice %arg11[%dma_start3A_1625, %dma_start3A_1626] : memref<10000x128xf32, #tpu.memory_space<vmem_shared>> -> memref<10000x128xf32, #tpu.memory_space<vmem_shared>>
        tpu.enqueue_indirect_dma source(%arg7 : memref<128x128xf32, #tpu.memory_space<vmem>>) target(%dma_start3A_1627 : memref<10000x128xf32, #tpu.memory_space<vmem_shared>>) offsets(%arg9 : memref<128xi32, #tpu.memory_space<vmem>>) semaphore(%run_scoped3A : memref<!tpu.dma_semaphore, #tpu.memory_space<semaphore_mem>>) {add = true}
        %dma_wait3A_1628 = arith.constant 0 : i32
        %dma_wait3A_1629 = arith.constant 0 : i32
        %dma_wait3A_1630 = tpu.memref_slice %arg11[%dma_wait3A_1628, %dma_wait3A_1629] : memref<10000x128xf32, #tpu.memory_space<vmem_shared>> -> memref<10000x128xf32, #tpu.memory_space<vmem_shared>>
        tpu.wait_indirect_dma semaphore(%run_scoped3A : memref<!tpu.dma_semaphore, #tpu.memory_space<semaphore_mem>>) src(%arg7 : memref<128x128xf32, #tpu.memory_space<vmem>>) dst(%dma_wait3A_1630 : memref<10000x128xf32, #tpu.memory_space<vmem_shared>>)
        tpu.yield
      }) : () -> ()
      %dma_start3A_1187 = arith.constant 0 : i32
      %dma_start3A_1188 = arith.constant 256 : i32
      %dma_start3A_1189 = tpu.memref_slice %arg6[%dma_start3A_1187, %dma_start3A_1188] : memref<2x768xi32, #tpu.memory_space<vmem>> -> memref<1x128xi32, #tpu.memory_space<vmem>>
      %dma_start3A_1190 = tpu.memref_squeeze %dma_start3A_1189 : memref<1x128xi32, #tpu.memory_space<vmem>> -> memref<128xi32, #tpu.memory_space<vmem>>
      %dma_start3A_1191 = arith.constant 0 : i32
      %dma_start3A_1192 = arith.constant 0 : i32
      %dma_start3A_1193 = tpu.memref_slice %arg2[%dma_start3A_1191, %dma_start3A_1192] : memref<10000x128xf32, #tpu.memory_space<hbm>> -> memref<10000x128xf32, #tpu.memory_space<hbm>>
      tpu.enqueue_indirect_dma source(%dma_start3A_1193 : memref<10000x128xf32, #tpu.memory_space<hbm>>) target(%arg7 : memref<128x128xf32, #tpu.memory_space<vmem>>) offsets(%dma_start3A_1190 : memref<128xi32, #tpu.memory_space<vmem>>) semaphore(%arg14 : memref<!tpu.dma_semaphore, #tpu.memory_space<semaphore_mem>>)
      %get3A_1194 = arith.constant 1 : i32
      %get3A_1195 = arith.index_cast %get3A_1194 : i32 to index
      %get3A_1196 = arith.constant 128 : index
      %get3A_1197 = tpu.vector_load %arg6[%get3A_1195, %get3A_1196] {strides = array<i32>} : memref<2x768xi32, #tpu.memory_space<vmem>>, vector<1x16xi32>,
      %get3A_1198 = vector.shape_cast %get3A_1197 : vector<1x16xi32> to vector<16xi32>
      %swap3A_1199 = arith.constant 0 : index
      %swap3A_1200 = tpu.vector_load %arg9[%swap3A_1199] {strides = array<i32>} : memref<128xi32, #tpu.memory_space<vmem>>, vector<16xi32>,
      %swap3A_1201 = vector.shape_cast %swap3A_1200 : vector<16xi32> to vector<16xi32>
      %swap3A_1202 = vector.shape_cast %get3A_1198 : vector<16xi32> to vector<16xi32>
      tpu.vector_store %arg9[%swap3A_1199], %swap3A_1202 {strides = array<i32>} : memref<128xi32, #tpu.memory_space<vmem>>, vector<16xi32>,
      %get3A_1203 = arith.constant 1 : i32
      %get3A_1204 = arith.index_cast %get3A_1203 : i32 to index
      %get3A_1205 = arith.constant 144 : index
      %get3A_1206 = tpu.vector_load %arg6[%get3A_1204, %get3A_1205] {strides = array<i32>} : memref<2x768xi32, #tpu.memory_space<vmem>>, vector<1x16xi32>,
      %get3A_1207 = vector.shape_cast %get3A_1206 : vector<1x16xi32> to vector<16xi32>
      %swap3A_1208 = arith.constant 16 : index
      %swap3A_1209 = tpu.vector_load %arg9[%swap3A_1208] {strides = array<i32>} : memref<128xi32, #tpu.memory_space<vmem>>, vector<16xi32>,
      %swap3A_1210 = vector.shape_cast %swap3A_1209 : vector<16xi32> to vector<16xi32>
      %swap3A_1211 = vector.shape_cast %get3A_1207 : vector<16xi32> to vector<16xi32>
      tpu.vector_store %arg9[%swap3A_1208], %swap3A_1211 {strides = array<i32>} : memref<128xi32, #tpu.memory_space<vmem>>, vector<16xi32>,
      %get3A_1212 = arith.constant 1 : i32
      %get3A_1213 = arith.index_cast %get3A_1212 : i32 to index
      %get3A_1214 = arith.constant 160 : index
      %get3A_1215 = tpu.vector_load %arg6[%get3A_1213, %get3A_1214] {strides = array<i32>} : memref<2x768xi32, #tpu.memory_space<vmem>>, vector<1x16xi32>,
      %get3A_1216 = vector.shape_cast %get3A_1215 : vector<1x16xi32> to vector<16xi32>
      %swap3A_1217 = arith.constant 32 : index
      %swap3A_1218 = tpu.vector_load %arg9[%swap3A_1217] {strides = array<i32>} : memref<128xi32, #tpu.memory_space<vmem>>, vector<16xi32>,
      %swap3A_1219 = vector.shape_cast %swap3A_1218 : vector<16xi32> to vector<16xi32>
      %swap3A_1220 = vector.shape_cast %get3A_1216 : vector<16xi32> to vector<16xi32>
      tpu.vector_store %arg9[%swap3A_1217], %swap3A_1220 {strides = array<i32>} : memref<128xi32, #tpu.memory_space<vmem>>, vector<16xi32>,
      %get3A_1221 = arith.constant 1 : i32
      %get3A_1222 = arith.index_cast %get3A_1221 : i32 to index
      %get3A_1223 = arith.constant 176 : index
      %get3A_1224 = tpu.vector_load %arg6[%get3A_1222, %get3A_1223] {strides = array<i32>} : memref<2x768xi32, #tpu.memory_space<vmem>>, vector<1x16xi32>,
      %get3A_1225 = vector.shape_cast %get3A_1224 : vector<1x16xi32> to vector<16xi32>
      %swap3A_1226 = arith.constant 48 : index
      %swap3A_1227 = tpu.vector_load %arg9[%swap3A_1226] {strides = array<i32>} : memref<128xi32, #tpu.memory_space<vmem>>, vector<16xi32>,
      %swap3A_1228 = vector.shape_cast %swap3A_1227 : vector<16xi32> to vector<16xi32>
      %swap3A_1229 = vector.shape_cast %get3A_1225 : vector<16xi32> to vector<16xi32>
      tpu.vector_store %arg9[%swap3A_1226], %swap3A_1229 {strides = array<i32>} : memref<128xi32, #tpu.memory_space<vmem>>, vector<16xi32>,
      %get3A_1230 = arith.constant 1 : i32
      %get3A_1231 = arith.index_cast %get3A_1230 : i32 to index
      %get3A_1232 = arith.constant 192 : index
      %get3A_1233 = tpu.vector_load %arg6[%get3A_1231, %get3A_1232] {strides = array<i32>} : memref<2x768xi32, #tpu.memory_space<vmem>>, vector<1x16xi32>,
      %get3A_1234 = vector.shape_cast %get3A_1233 : vector<1x16xi32> to vector<16xi32>
      %swap3A_1235 = arith.constant 64 : index
      %swap3A_1236 = tpu.vector_load %arg9[%swap3A_1235] {strides = array<i32>} : memref<128xi32, #tpu.memory_space<vmem>>, vector<16xi32>,
      %swap3A_1237 = vector.shape_cast %swap3A_1236 : vector<16xi32> to vector<16xi32>
      %swap3A_1238 = vector.shape_cast %get3A_1234 : vector<16xi32> to vector<16xi32>
      tpu.vector_store %arg9[%swap3A_1235], %swap3A_1238 {strides = array<i32>} : memref<128xi32, #tpu.memory_space<vmem>>, vector<16xi32>,
      %get3A_1239 = arith.constant 1 : i32
      %get3A_1240 = arith.index_cast %get3A_1239 : i32 to index
      %get3A_1241 = arith.constant 208 : index
      %get3A_1242 = tpu.vector_load %arg6[%get3A_1240, %get3A_1241] {strides = array<i32>} : memref<2x768xi32, #tpu.memory_space<vmem>>, vector<1x16xi32>,
      %get3A_1243 = vector.shape_cast %get3A_1242 : vector<1x16xi32> to vector<16xi32>
      %swap3A_1244 = arith.constant 80 : index
      %swap3A_1245 = tpu.vector_load %arg9[%swap3A_1244] {strides = array<i32>} : memref<128xi32, #tpu.memory_space<vmem>>, vector<16xi32>,
      %swap3A_1246 = vector.shape_cast %swap3A_1245 : vector<16xi32> to vector<16xi32>
      %swap3A_1247 = vector.shape_cast %get3A_1243 : vector<16xi32> to vector<16xi32>
      tpu.vector_store %arg9[%swap3A_1244], %swap3A_1247 {strides = array<i32>} : memref<128xi32, #tpu.memory_space<vmem>>, vector<16xi32>,
      %get3A_1248 = arith.constant 1 : i32
      %get3A_1249 = arith.index_cast %get3A_1248 : i32 to index
      %get3A_1250 = arith.constant 224 : index
      %get3A_1251 = tpu.vector_load %arg6[%get3A_1249, %get3A_1250] {strides = array<i32>} : memref<2x768xi32, #tpu.memory_space<vmem>>, vector<1x16xi32>,
      %get3A_1252 = vector.shape_cast %get3A_1251 : vector<1x16xi32> to vector<16xi32>
      %swap3A_1253 = arith.constant 96 : index
      %swap3A_1254 = tpu.vector_load %arg9[%swap3A_1253] {strides = array<i32>} : memref<128xi32, #tpu.memory_space<vmem>>, vector<16xi32>,
      %swap3A_1255 = vector.shape_cast %swap3A_1254 : vector<16xi32> to vector<16xi32>
      %swap3A_1256 = vector.shape_cast %get3A_1252 : vector<16xi32> to vector<16xi32>
      tpu.vector_store %arg9[%swap3A_1253], %swap3A_1256 {strides = array<i32>} : memref<128xi32, #tpu.memory_space<vmem>>, vector<16xi32>,
      %get3A_1257 = arith.constant 1 : i32
      %get3A_1258 = arith.index_cast %get3A_1257 : i32 to index
      %get3A_1259 = arith.constant 240 : index
      %get3A_1260 = tpu.vector_load %arg6[%get3A_1258, %get3A_1259] {strides = array<i32>} : memref<2x768xi32, #tpu.memory_space<vmem>>, vector<1x16xi32>,
      %get3A_1261 = vector.shape_cast %get3A_1260 : vector<1x16xi32> to vector<16xi32>
      %swap3A_1262 = arith.constant 112 : index
      %swap3A_1263 = tpu.vector_load %arg9[%swap3A_1262] {strides = array<i32>} : memref<128xi32, #tpu.memory_space<vmem>>, vector<16xi32>,
      %swap3A_1264 = vector.shape_cast %swap3A_1263 : vector<16xi32> to vector<16xi32>
      %swap3A_1265 = vector.shape_cast %get3A_1261 : vector<16xi32> to vector<16xi32>
      tpu.vector_store %arg9[%swap3A_1262], %swap3A_1265 {strides = array<i32>} : memref<128xi32, #tpu.memory_space<vmem>>, vector<16xi32>,
      %dma_wait3A_1266 = arith.constant 0 : i32
      %dma_wait3A_1267 = arith.constant 0 : i32
      %dma_wait3A_1268 = tpu.memref_slice %arg2[%dma_wait3A_1266, %dma_wait3A_1267] : memref<10000x128xf32, #tpu.memory_space<hbm>> -> memref<128x128xf32, #tpu.memory_space<hbm>>
      %dma_wait3A_1269 = arith.constant 0 : i32
      %dma_wait3A_1270 = arith.constant 0 : i32
      %dma_wait3A_1271 = tpu.memref_slice %arg2[%dma_wait3A_1269, %dma_wait3A_1270] : memref<10000x128xf32, #tpu.memory_space<hbm>> -> memref<128x128xf32, #tpu.memory_space<hbm>>
      tpu.wait_dma2 semaphore(%arg15 : memref<!tpu.dma_semaphore, #tpu.memory_space<semaphore_mem>>) src(%dma_wait3A_1271 : memref<128x128xf32, #tpu.memory_space<hbm>>) dst(%arg8 : memref<128x128xf32, #tpu.memory_space<vmem>>)
      "tpu.region"() ({
        %run_scoped3A = tpu.sem_alloc : memref<!tpu.dma_semaphore, #tpu.memory_space<semaphore_mem>>
        %dma_start3A_1625 = arith.constant 0 : i32
        %dma_start3A_1626 = arith.constant 0 : i32
        %dma_start3A_1627 = tpu.memref_slice %arg11[%dma_start3A_1625, %dma_start3A_1626] : memref<10000x128xf32, #tpu.memory_space<vmem_shared>> -> memref<10000x128xf32, #tpu.memory_space<vmem_shared>>
        tpu.enqueue_indirect_dma source(%arg8 : memref<128x128xf32, #tpu.memory_space<vmem>>) target(%dma_start3A_1627 : memref<10000x128xf32, #tpu.memory_space<vmem_shared>>) offsets(%arg9 : memref<128xi32, #tpu.memory_space<vmem>>) semaphore(%run_scoped3A : memref<!tpu.dma_semaphore, #tpu.memory_space<semaphore_mem>>) {add = true}
        %dma_wait3A_1628 = arith.constant 0 : i32
        %dma_wait3A_1629 = arith.constant 0 : i32
        %dma_wait3A_1630 = tpu.memref_slice %arg11[%dma_wait3A_1628, %dma_wait3A_1629] : memref<10000x128xf32, #tpu.memory_space<vmem_shared>> -> memref<10000x128xf32, #tpu.memory_space<vmem_shared>>
        tpu.wait_indirect_dma semaphore(%run_scoped3A : memref<!tpu.dma_semaphore, #tpu.memory_space<semaphore_mem>>) src(%arg8 : memref<128x128xf32, #tpu.memory_space<vmem>>) dst(%dma_wait3A_1630 : memref<10000x128xf32, #tpu.memory_space<vmem_shared>>)
        tpu.yield
      }) : () -> ()
      %dma_start3A_1272 = arith.constant 0 : i32
      %dma_start3A_1273 = arith.constant 384 : i32
      %dma_start3A_1274 = tpu.memref_slice %arg6[%dma_start3A_1272, %dma_start3A_1273] : memref<2x768xi32, #tpu.memory_space<vmem>> -> memref<1x128xi32, #tpu.memory_space<vmem>>
      %dma_start3A_1275 = tpu.memref_squeeze %dma_start3A_1274 : memref<1x128xi32, #tpu.memory_space<vmem>> -> memref<128xi32, #tpu.memory_space<vmem>>
      %dma_start3A_1276 = arith.constant 0 : i32
      %dma_start3A_1277 = arith.constant 0 : i32
      %dma_start3A_1278 = tpu.memref_slice %arg2[%dma_start3A_1276, %dma_start3A_1277] : memref<10000x128xf32, #tpu.memory_space<hbm>> -> memref<10000x128xf32, #tpu.memory_space<hbm>>
      tpu.enqueue_indirect_dma source(%dma_start3A_1278 : memref<10000x128xf32, #tpu.memory_space<hbm>>) target(%arg8 : memref<128x128xf32, #tpu.memory_space<vmem>>) offsets(%dma_start3A_1275 : memref<128xi32, #tpu.memory_space<vmem>>) semaphore(%arg15 : memref<!tpu.dma_semaphore, #tpu.memory_space<semaphore_mem>>)
      %get3A_1279 = arith.constant 1 : i32
      %get3A_1280 = arith.index_cast %get3A_1279 : i32 to index
      %get3A_1281 = arith.constant 256 : index
      %get3A_1282 = tpu.vector_load %arg6[%get3A_1280, %get3A_1281] {strides = array<i32>} : memref<2x768xi32, #tpu.memory_space<vmem>>, vector<1x16xi32>,
      %get3A_1283 = vector.shape_cast %get3A_1282 : vector<1x16xi32> to vector<16xi32>
      %swap3A_1284 = arith.constant 0 : index
      %swap3A_1285 = tpu.vector_load %arg9[%swap3A_1284] {strides = array<i32>} : memref<128xi32, #tpu.memory_space<vmem>>, vector<16xi32>,
      %swap3A_1286 = vector.shape_cast %swap3A_1285 : vector<16xi32> to vector<16xi32>
      %swap3A_1287 = vector.shape_cast %get3A_1283 : vector<16xi32> to vector<16xi32>
      tpu.vector_store %arg9[%swap3A_1284], %swap3A_1287 {strides = array<i32>} : memref<128xi32, #tpu.memory_space<vmem>>, vector<16xi32>,
      %get3A_1288 = arith.constant 1 : i32
      %get3A_1289 = arith.index_cast %get3A_1288 : i32 to index
      %get3A_1290 = arith.constant 272 : index
      %get3A_1291 = tpu.vector_load %arg6[%get3A_1289, %get3A_1290] {strides = array<i32>} : memref<2x768xi32, #tpu.memory_space<vmem>>, vector<1x16xi32>,
      %get3A_1292 = vector.shape_cast %get3A_1291 : vector<1x16xi32> to vector<16xi32>
      %swap3A_1293 = arith.constant 16 : index
      %swap3A_1294 = tpu.vector_load %arg9[%swap3A_1293] {strides = array<i32>} : memref<128xi32, #tpu.memory_space<vmem>>, vector<16xi32>,
      %swap3A_1295 = vector.shape_cast %swap3A_1294 : vector<16xi32> to vector<16xi32>
      %swap3A_1296 = vector.shape_cast %get3A_1292 : vector<16xi32> to vector<16xi32>
      tpu.vector_store %arg9[%swap3A_1293], %swap3A_1296 {strides = array<i32>} : memref<128xi32, #tpu.memory_space<vmem>>, vector<16xi32>,
      %get3A_1297 = arith.constant 1 : i32
      %get3A_1298 = arith.index_cast %get3A_1297 : i32 to index
      %get3A_1299 = arith.constant 288 : index
      %get3A_1300 = tpu.vector_load %arg6[%get3A_1298, %get3A_1299] {strides = array<i32>} : memref<2x768xi32, #tpu.memory_space<vmem>>, vector<1x16xi32>,
      %get3A_1301 = vector.shape_cast %get3A_1300 : vector<1x16xi32> to vector<16xi32>
      %swap3A_1302 = arith.constant 32 : index
      %swap3A_1303 = tpu.vector_load %arg9[%swap3A_1302] {strides = array<i32>} : memref<128xi32, #tpu.memory_space<vmem>>, vector<16xi32>,
      %swap3A_1304 = vector.shape_cast %swap3A_1303 : vector<16xi32> to vector<16xi32>
      %swap3A_1305 = vector.shape_cast %get3A_1301 : vector<16xi32> to vector<16xi32>
      tpu.vector_store %arg9[%swap3A_1302], %swap3A_1305 {strides = array<i32>} : memref<128xi32, #tpu.memory_space<vmem>>, vector<16xi32>,
      %get3A_1306 = arith.constant 1 : i32
      %get3A_1307 = arith.index_cast %get3A_1306 : i32 to index
      %get3A_1308 = arith.constant 304 : index
      %get3A_1309 = tpu.vector_load %arg6[%get3A_1307, %get3A_1308] {strides = array<i32>} : memref<2x768xi32, #tpu.memory_space<vmem>>, vector<1x16xi32>,
      %get3A_1310 = vector.shape_cast %get3A_1309 : vector<1x16xi32> to vector<16xi32>
      %swap3A_1311 = arith.constant 48 : index
      %swap3A_1312 = tpu.vector_load %arg9[%swap3A_1311] {strides = array<i32>} : memref<128xi32, #tpu.memory_space<vmem>>, vector<16xi32>,
      %swap3A_1313 = vector.shape_cast %swap3A_1312 : vector<16xi32> to vector<16xi32>
      %swap3A_1314 = vector.shape_cast %get3A_1310 : vector<16xi32> to vector<16xi32>
      tpu.vector_store %arg9[%swap3A_1311], %swap3A_1314 {strides = array<i32>} : memref<128xi32, #tpu.memory_space<vmem>>, vector<16xi32>,
      %get3A_1315 = arith.constant 1 : i32
      %get3A_1316 = arith.index_cast %get3A_1315 : i32 to index
      %get3A_1317 = arith.constant 320 : index
      %get3A_1318 = tpu.vector_load %arg6[%get3A_1316, %get3A_1317] {strides = array<i32>} : memref<2x768xi32, #tpu.memory_space<vmem>>, vector<1x16xi32>,
      %get3A_1319 = vector.shape_cast %get3A_1318 : vector<1x16xi32> to vector<16xi32>
      %swap3A_1320 = arith.constant 64 : index
      %swap3A_1321 = tpu.vector_load %arg9[%swap3A_1320] {strides = array<i32>} : memref<128xi32, #tpu.memory_space<vmem>>, vector<16xi32>,
      %swap3A_1322 = vector.shape_cast %swap3A_1321 : vector<16xi32> to vector<16xi32>
      %swap3A_1323 = vector.shape_cast %get3A_1319 : vector<16xi32> to vector<16xi32>
      tpu.vector_store %arg9[%swap3A_1320], %swap3A_1323 {strides = array<i32>} : memref<128xi32, #tpu.memory_space<vmem>>, vector<16xi32>,
      %get3A_1324 = arith.constant 1 : i32
      %get3A_1325 = arith.index_cast %get3A_1324 : i32 to index
      %get3A_1326 = arith.constant 336 : index
      %get3A_1327 = tpu.vector_load %arg6[%get3A_1325, %get3A_1326] {strides = array<i32>} : memref<2x768xi32, #tpu.memory_space<vmem>>, vector<1x16xi32>,
      %get3A_1328 = vector.shape_cast %get3A_1327 : vector<1x16xi32> to vector<16xi32>
      %swap3A_1329 = arith.constant 80 : index
      %swap3A_1330 = tpu.vector_load %arg9[%swap3A_1329] {strides = array<i32>} : memref<128xi32, #tpu.memory_space<vmem>>, vector<16xi32>,
      %swap3A_1331 = vector.shape_cast %swap3A_1330 : vector<16xi32> to vector<16xi32>
      %swap3A_1332 = vector.shape_cast %get3A_1328 : vector<16xi32> to vector<16xi32>
      tpu.vector_store %arg9[%swap3A_1329], %swap3A_1332 {strides = array<i32>} : memref<128xi32, #tpu.memory_space<vmem>>, vector<16xi32>,
      %get3A_1333 = arith.constant 1 : i32
      %get3A_1334 = arith.index_cast %get3A_1333 : i32 to index
      %get3A_1335 = arith.constant 352 : index
      %get3A_1336 = tpu.vector_load %arg6[%get3A_1334, %get3A_1335] {strides = array<i32>} : memref<2x768xi32, #tpu.memory_space<vmem>>, vector<1x16xi32>,
      %get3A_1337 = vector.shape_cast %get3A_1336 : vector<1x16xi32> to vector<16xi32>
      %swap3A_1338 = arith.constant 96 : index
      %swap3A_1339 = tpu.vector_load %arg9[%swap3A_1338] {strides = array<i32>} : memref<128xi32, #tpu.memory_space<vmem>>, vector<16xi32>,
      %swap3A_1340 = vector.shape_cast %swap3A_1339 : vector<16xi32> to vector<16xi32>
      %swap3A_1341 = vector.shape_cast %get3A_1337 : vector<16xi32> to vector<16xi32>
      tpu.vector_store %arg9[%swap3A_1338], %swap3A_1341 {strides = array<i32>} : memref<128xi32, #tpu.memory_space<vmem>>, vector<16xi32>,
      %get3A_1342 = arith.constant 1 : i32
      %get3A_1343 = arith.index_cast %get3A_1342 : i32 to index
      %get3A_1344 = arith.constant 368 : index
      %get3A_1345 = tpu.vector_load %arg6[%get3A_1343, %get3A_1344] {strides = array<i32>} : memref<2x768xi32, #tpu.memory_space<vmem>>, vector<1x16xi32>,
      %get3A_1346 = vector.shape_cast %get3A_1345 : vector<1x16xi32> to vector<16xi32>
      %swap3A_1347 = arith.constant 112 : index
      %swap3A_1348 = tpu.vector_load %arg9[%swap3A_1347] {strides = array<i32>} : memref<128xi32, #tpu.memory_space<vmem>>, vector<16xi32>,
      %swap3A_1349 = vector.shape_cast %swap3A_1348 : vector<16xi32> to vector<16xi32>
      %swap3A_1350 = vector.shape_cast %get3A_1346 : vector<16xi32> to vector<16xi32>
      tpu.vector_store %arg9[%swap3A_1347], %swap3A_1350 {strides = array<i32>} : memref<128xi32, #tpu.memory_space<vmem>>, vector<16xi32>,
      %dma_wait3A_1351 = arith.constant 0 : i32
      %dma_wait3A_1352 = arith.constant 0 : i32
      %dma_wait3A_1353 = tpu.memref_slice %arg2[%dma_wait3A_1351, %dma_wait3A_1352] : memref<10000x128xf32, #tpu.memory_space<hbm>> -> memref<128x128xf32, #tpu.memory_space<hbm>>
      %dma_wait3A_1354 = arith.constant 0 : i32
      %dma_wait3A_1355 = arith.constant 0 : i32
      %dma_wait3A_1356 = tpu.memref_slice %arg2[%dma_wait3A_1354, %dma_wait3A_1355] : memref<10000x128xf32, #tpu.memory_space<hbm>> -> memref<128x128xf32, #tpu.memory_space<hbm>>
      tpu.wait_dma2 semaphore(%arg14 : memref<!tpu.dma_semaphore, #tpu.memory_space<semaphore_mem>>) src(%dma_wait3A_1356 : memref<128x128xf32, #tpu.memory_space<hbm>>) dst(%arg7 : memref<128x128xf32, #tpu.memory_space<vmem>>)
      "tpu.region"() ({
        %run_scoped3A = tpu.sem_alloc : memref<!tpu.dma_semaphore, #tpu.memory_space<semaphore_mem>>
        %dma_start3A_1625 = arith.constant 0 : i32
        %dma_start3A_1626 = arith.constant 0 : i32
        %dma_start3A_1627 = tpu.memref_slice %arg11[%dma_start3A_1625, %dma_start3A_1626] : memref<10000x128xf32, #tpu.memory_space<vmem_shared>> -> memref<10000x128xf32, #tpu.memory_space<vmem_shared>>
        tpu.enqueue_indirect_dma source(%arg7 : memref<128x128xf32, #tpu.memory_space<vmem>>) target(%dma_start3A_1627 : memref<10000x128xf32, #tpu.memory_space<vmem_shared>>) offsets(%arg9 : memref<128xi32, #tpu.memory_space<vmem>>) semaphore(%run_scoped3A : memref<!tpu.dma_semaphore, #tpu.memory_space<semaphore_mem>>) {add = true}
        %dma_wait3A_1628 = arith.constant 0 : i32
        %dma_wait3A_1629 = arith.constant 0 : i32
        %dma_wait3A_1630 = tpu.memref_slice %arg11[%dma_wait3A_1628, %dma_wait3A_1629] : memref<10000x128xf32, #tpu.memory_space<vmem_shared>> -> memref<10000x128xf32, #tpu.memory_space<vmem_shared>>
        tpu.wait_indirect_dma semaphore(%run_scoped3A : memref<!tpu.dma_semaphore, #tpu.memory_space<semaphore_mem>>) src(%arg7 : memref<128x128xf32, #tpu.memory_space<vmem>>) dst(%dma_wait3A_1630 : memref<10000x128xf32, #tpu.memory_space<vmem_shared>>)
        tpu.yield
      }) : () -> ()
      %dma_start3A_1357 = arith.constant 0 : i32
      %dma_start3A_1358 = arith.constant 512 : i32
      %dma_start3A_1359 = tpu.memref_slice %arg6[%dma_start3A_1357, %dma_start3A_1358] : memref<2x768xi32, #tpu.memory_space<vmem>> -> memref<1x128xi32, #tpu.memory_space<vmem>>
      %dma_start3A_1360 = tpu.memref_squeeze %dma_start3A_1359 : memref<1x128xi32, #tpu.memory_space<vmem>> -> memref<128xi32, #tpu.memory_space<vmem>>
      %dma_start3A_1361 = arith.constant 0 : i32
      %dma_start3A_1362 = arith.constant 0 : i32
      %dma_start3A_1363 = tpu.memref_slice %arg2[%dma_start3A_1361, %dma_start3A_1362] : memref<10000x128xf32, #tpu.memory_space<hbm>> -> memref<10000x128xf32, #tpu.memory_space<hbm>>
      tpu.enqueue_indirect_dma source(%dma_start3A_1363 : memref<10000x128xf32, #tpu.memory_space<hbm>>) target(%arg7 : memref<128x128xf32, #tpu.memory_space<vmem>>) offsets(%dma_start3A_1360 : memref<128xi32, #tpu.memory_space<vmem>>) semaphore(%arg14 : memref<!tpu.dma_semaphore, #tpu.memory_space<semaphore_mem>>)
      %get3A_1364 = arith.constant 1 : i32
      %get3A_1365 = arith.index_cast %get3A_1364 : i32 to index
      %get3A_1366 = arith.constant 384 : index
      %get3A_1367 = tpu.vector_load %arg6[%get3A_1365, %get3A_1366] {strides = array<i32>} : memref<2x768xi32, #tpu.memory_space<vmem>>, vector<1x16xi32>,
      %get3A_1368 = vector.shape_cast %get3A_1367 : vector<1x16xi32> to vector<16xi32>
      %swap3A_1369 = arith.constant 0 : index
      %swap3A_1370 = tpu.vector_load %arg9[%swap3A_1369] {strides = array<i32>} : memref<128xi32, #tpu.memory_space<vmem>>, vector<16xi32>,
      %swap3A_1371 = vector.shape_cast %swap3A_1370 : vector<16xi32> to vector<16xi32>
      %swap3A_1372 = vector.shape_cast %get3A_1368 : vector<16xi32> to vector<16xi32>
      tpu.vector_store %arg9[%swap3A_1369], %swap3A_1372 {strides = array<i32>} : memref<128xi32, #tpu.memory_space<vmem>>, vector<16xi32>,
      %get3A_1373 = arith.constant 1 : i32
      %get3A_1374 = arith.index_cast %get3A_1373 : i32 to index
      %get3A_1375 = arith.constant 400 : index
      %get3A_1376 = tpu.vector_load %arg6[%get3A_1374, %get3A_1375] {strides = array<i32>} : memref<2x768xi32, #tpu.memory_space<vmem>>, vector<1x16xi32>,
      %get3A_1377 = vector.shape_cast %get3A_1376 : vector<1x16xi32> to vector<16xi32>
      %swap3A_1378 = arith.constant 16 : index
      %swap3A_1379 = tpu.vector_load %arg9[%swap3A_1378] {strides = array<i32>} : memref<128xi32, #tpu.memory_space<vmem>>, vector<16xi32>,
      %swap3A_1380 = vector.shape_cast %swap3A_1379 : vector<16xi32> to vector<16xi32>
      %swap3A_1381 = vector.shape_cast %get3A_1377 : vector<16xi32> to vector<16xi32>
      tpu.vector_store %arg9[%swap3A_1378], %swap3A_1381 {strides = array<i32>} : memref<128xi32, #tpu.memory_space<vmem>>, vector<16xi32>,
      %get3A_1382 = arith.constant 1 : i32
      %get3A_1383 = arith.index_cast %get3A_1382 : i32 to index
      %get3A_1384 = arith.constant 416 : index
      %get3A_1385 = tpu.vector_load %arg6[%get3A_1383, %get3A_1384] {strides = array<i32>} : memref<2x768xi32, #tpu.memory_space<vmem>>, vector<1x16xi32>,
      %get3A_1386 = vector.shape_cast %get3A_1385 : vector<1x16xi32> to vector<16xi32>
      %swap3A_1387 = arith.constant 32 : index
      %swap3A_1388 = tpu.vector_load %arg9[%swap3A_1387] {strides = array<i32>} : memref<128xi32, #tpu.memory_space<vmem>>, vector<16xi32>,
      %swap3A_1389 = vector.shape_cast %swap3A_1388 : vector<16xi32> to vector<16xi32>
      %swap3A_1390 = vector.shape_cast %get3A_1386 : vector<16xi32> to vector<16xi32>
      tpu.vector_store %arg9[%swap3A_1387], %swap3A_1390 {strides = array<i32>} : memref<128xi32, #tpu.memory_space<vmem>>, vector<16xi32>,
      %get3A_1391 = arith.constant 1 : i32
      %get3A_1392 = arith.index_cast %get3A_1391 : i32 to index
      %get3A_1393 = arith.constant 432 : index
      %get3A_1394 = tpu.vector_load %arg6[%get3A_1392, %get3A_1393] {strides = array<i32>} : memref<2x768xi32, #tpu.memory_space<vmem>>, vector<1x16xi32>,
      %get3A_1395 = vector.shape_cast %get3A_1394 : vector<1x16xi32> to vector<16xi32>
      %swap3A_1396 = arith.constant 48 : index
      %swap3A_1397 = tpu.vector_load %arg9[%swap3A_1396] {strides = array<i32>} : memref<128xi32, #tpu.memory_space<vmem>>, vector<16xi32>,
      %swap3A_1398 = vector.shape_cast %swap3A_1397 : vector<16xi32> to vector<16xi32>
      %swap3A_1399 = vector.shape_cast %get3A_1395 : vector<16xi32> to vector<16xi32>
      tpu.vector_store %arg9[%swap3A_1396], %swap3A_1399 {strides = array<i32>} : memref<128xi32, #tpu.memory_space<vmem>>, vector<16xi32>,
      %get3A_1400 = arith.constant 1 : i32
      %get3A_1401 = arith.index_cast %get3A_1400 : i32 to index
      %get3A_1402 = arith.constant 448 : index
      %get3A_1403 = tpu.vector_load %arg6[%get3A_1401, %get3A_1402] {strides = array<i32>} : memref<2x768xi32, #tpu.memory_space<vmem>>, vector<1x16xi32>,
      %get3A_1404 = vector.shape_cast %get3A_1403 : vector<1x16xi32> to vector<16xi32>
      %swap3A_1405 = arith.constant 64 : index
      %swap3A_1406 = tpu.vector_load %arg9[%swap3A_1405] {strides = array<i32>} : memref<128xi32, #tpu.memory_space<vmem>>, vector<16xi32>,
      %swap3A_1407 = vector.shape_cast %swap3A_1406 : vector<16xi32> to vector<16xi32>
      %swap3A_1408 = vector.shape_cast %get3A_1404 : vector<16xi32> to vector<16xi32>
      tpu.vector_store %arg9[%swap3A_1405], %swap3A_1408 {strides = array<i32>} : memref<128xi32, #tpu.memory_space<vmem>>, vector<16xi32>,
      %get3A_1409 = arith.constant 1 : i32
      %get3A_1410 = arith.index_cast %get3A_1409 : i32 to index
      %get3A_1411 = arith.constant 464 : index
      %get3A_1412 = tpu.vector_load %arg6[%get3A_1410, %get3A_1411] {strides = array<i32>} : memref<2x768xi32, #tpu.memory_space<vmem>>, vector<1x16xi32>,
      %get3A_1413 = vector.shape_cast %get3A_1412 : vector<1x16xi32> to vector<16xi32>
      %swap3A_1414 = arith.constant 80 : index
      %swap3A_1415 = tpu.vector_load %arg9[%swap3A_1414] {strides = array<i32>} : memref<128xi32, #tpu.memory_space<vmem>>, vector<16xi32>,
      %swap3A_1416 = vector.shape_cast %swap3A_1415 : vector<16xi32> to vector<16xi32>
      %swap3A_1417 = vector.shape_cast %get3A_1413 : vector<16xi32> to vector<16xi32>
      tpu.vector_store %arg9[%swap3A_1414], %swap3A_1417 {strides = array<i32>} : memref<128xi32, #tpu.memory_space<vmem>>, vector<16xi32>,
      %get3A_1418 = arith.constant 1 : i32
      %get3A_1419 = arith.index_cast %get3A_1418 : i32 to index
      %get3A_1420 = arith.constant 480 : index
      %get3A_1421 = tpu.vector_load %arg6[%get3A_1419, %get3A_1420] {strides = array<i32>} : memref<2x768xi32, #tpu.memory_space<vmem>>, vector<1x16xi32>,
      %get3A_1422 = vector.shape_cast %get3A_1421 : vector<1x16xi32> to vector<16xi32>
      %swap3A_1423 = arith.constant 96 : index
      %swap3A_1424 = tpu.vector_load %arg9[%swap3A_1423] {strides = array<i32>} : memref<128xi32, #tpu.memory_space<vmem>>, vector<16xi32>,
      %swap3A_1425 = vector.shape_cast %swap3A_1424 : vector<16xi32> to vector<16xi32>
      %swap3A_1426 = vector.shape_cast %get3A_1422 : vector<16xi32> to vector<16xi32>
      tpu.vector_store %arg9[%swap3A_1423], %swap3A_1426 {strides = array<i32>} : memref<128xi32, #tpu.memory_space<vmem>>, vector<16xi32>,
      %get3A_1427 = arith.constant 1 : i32
      %get3A_1428 = arith.index_cast %get3A_1427 : i32 to index
      %get3A_1429 = arith.constant 496 : index
      %get3A_1430 = tpu.vector_load %arg6[%get3A_1428, %get3A_1429] {strides = array<i32>} : memref<2x768xi32, #tpu.memory_space<vmem>>, vector<1x16xi32>,
      %get3A_1431 = vector.shape_cast %get3A_1430 : vector<1x16xi32> to vector<16xi32>
      %swap3A_1432 = arith.constant 112 : index
      %swap3A_1433 = tpu.vector_load %arg9[%swap3A_1432] {strides = array<i32>} : memref<128xi32, #tpu.memory_space<vmem>>, vector<16xi32>,
      %swap3A_1434 = vector.shape_cast %swap3A_1433 : vector<16xi32> to vector<16xi32>
      %swap3A_1435 = vector.shape_cast %get3A_1431 : vector<16xi32> to vector<16xi32>
      tpu.vector_store %arg9[%swap3A_1432], %swap3A_1435 {strides = array<i32>} : memref<128xi32, #tpu.memory_space<vmem>>, vector<16xi32>,
      %dma_wait3A_1436 = arith.constant 0 : i32
      %dma_wait3A_1437 = arith.constant 0 : i32
      %dma_wait3A_1438 = tpu.memref_slice %arg2[%dma_wait3A_1436, %dma_wait3A_1437] : memref<10000x128xf32, #tpu.memory_space<hbm>> -> memref<128x128xf32, #tpu.memory_space<hbm>>
      %dma_wait3A_1439 = arith.constant 0 : i32
      %dma_wait3A_1440 = arith.constant 0 : i32
      %dma_wait3A_1441 = tpu.memref_slice %arg2[%dma_wait3A_1439, %dma_wait3A_1440] : memref<10000x128xf32, #tpu.memory_space<hbm>> -> memref<128x128xf32, #tpu.memory_space<hbm>>
      tpu.wait_dma2 semaphore(%arg15 : memref<!tpu.dma_semaphore, #tpu.memory_space<semaphore_mem>>) src(%dma_wait3A_1441 : memref<128x128xf32, #tpu.memory_space<hbm>>) dst(%arg8 : memref<128x128xf32, #tpu.memory_space<vmem>>)
      "tpu.region"() ({
        %run_scoped3A = tpu.sem_alloc : memref<!tpu.dma_semaphore, #tpu.memory_space<semaphore_mem>>
        %dma_start3A_1625 = arith.constant 0 : i32
        %dma_start3A_1626 = arith.constant 0 : i32
        %dma_start3A_1627 = tpu.memref_slice %arg11[%dma_start3A_1625, %dma_start3A_1626] : memref<10000x128xf32, #tpu.memory_space<vmem_shared>> -> memref<10000x128xf32, #tpu.memory_space<vmem_shared>>
        tpu.enqueue_indirect_dma source(%arg8 : memref<128x128xf32, #tpu.memory_space<vmem>>) target(%dma_start3A_1627 : memref<10000x128xf32, #tpu.memory_space<vmem_shared>>) offsets(%arg9 : memref<128xi32, #tpu.memory_space<vmem>>) semaphore(%run_scoped3A : memref<!tpu.dma_semaphore, #tpu.memory_space<semaphore_mem>>) {add = true}
        %dma_wait3A_1628 = arith.constant 0 : i32
        %dma_wait3A_1629 = arith.constant 0 : i32
        %dma_wait3A_1630 = tpu.memref_slice %arg11[%dma_wait3A_1628, %dma_wait3A_1629] : memref<10000x128xf32, #tpu.memory_space<vmem_shared>> -> memref<10000x128xf32, #tpu.memory_space<vmem_shared>>
        tpu.wait_indirect_dma semaphore(%run_scoped3A : memref<!tpu.dma_semaphore, #tpu.memory_space<semaphore_mem>>) src(%arg8 : memref<128x128xf32, #tpu.memory_space<vmem>>) dst(%dma_wait3A_1630 : memref<10000x128xf32, #tpu.memory_space<vmem_shared>>)
        tpu.yield
      }) : () -> ()
      %dma_start3A_1442 = arith.constant 0 : i32
      %dma_start3A_1443 = arith.constant 640 : i32
      %dma_start3A_1444 = tpu.memref_slice %arg6[%dma_start3A_1442, %dma_start3A_1443] : memref<2x768xi32, #tpu.memory_space<vmem>> -> memref<1x128xi32, #tpu.memory_space<vmem>>
      %dma_start3A_1445 = tpu.memref_squeeze %dma_start3A_1444 : memref<1x128xi32, #tpu.memory_space<vmem>> -> memref<128xi32, #tpu.memory_space<vmem>>
      %dma_start3A_1446 = arith.constant 0 : i32
      %dma_start3A_1447 = arith.constant 0 : i32
      %dma_start3A_1448 = tpu.memref_slice %arg2[%dma_start3A_1446, %dma_start3A_1447] : memref<10000x128xf32, #tpu.memory_space<hbm>> -> memref<10000x128xf32, #tpu.memory_space<hbm>>
      tpu.enqueue_indirect_dma source(%dma_start3A_1448 : memref<10000x128xf32, #tpu.memory_space<hbm>>) target(%arg8 : memref<128x128xf32, #tpu.memory_space<vmem>>) offsets(%dma_start3A_1445 : memref<128xi32, #tpu.memory_space<vmem>>) semaphore(%arg15 : memref<!tpu.dma_semaphore, #tpu.memory_space<semaphore_mem>>)
      %get3A_1449 = arith.constant 1 : i32
      %get3A_1450 = arith.index_cast %get3A_1449 : i32 to index
      %get3A_1451 = arith.constant 512 : index
      %get3A_1452 = tpu.vector_load %arg6[%get3A_1450, %get3A_1451] {strides = array<i32>} : memref<2x768xi32, #tpu.memory_space<vmem>>, vector<1x16xi32>,
      %get3A_1453 = vector.shape_cast %get3A_1452 : vector<1x16xi32> to vector<16xi32>
      %swap3A_1454 = arith.constant 0 : index
      %swap3A_1455 = tpu.vector_load %arg9[%swap3A_1454] {strides = array<i32>} : memref<128xi32, #tpu.memory_space<vmem>>, vector<16xi32>,
      %swap3A_1456 = vector.shape_cast %swap3A_1455 : vector<16xi32> to vector<16xi32>
      %swap3A_1457 = vector.shape_cast %get3A_1453 : vector<16xi32> to vector<16xi32>
      tpu.vector_store %arg9[%swap3A_1454], %swap3A_1457 {strides = array<i32>} : memref<128xi32, #tpu.memory_space<vmem>>, vector<16xi32>,
      %get3A_1458 = arith.constant 1 : i32
      %get3A_1459 = arith.index_cast %get3A_1458 : i32 to index
      %get3A_1460 = arith.constant 528 : index
      %get3A_1461 = tpu.vector_load %arg6[%get3A_1459, %get3A_1460] {strides = array<i32>} : memref<2x768xi32, #tpu.memory_space<vmem>>, vector<1x16xi32>,
      %get3A_1462 = vector.shape_cast %get3A_1461 : vector<1x16xi32> to vector<16xi32>
      %swap3A_1463 = arith.constant 16 : index
      %swap3A_1464 = tpu.vector_load %arg9[%swap3A_1463] {strides = array<i32>} : memref<128xi32, #tpu.memory_space<vmem>>, vector<16xi32>,
      %swap3A_1465 = vector.shape_cast %swap3A_1464 : vector<16xi32> to vector<16xi32>
      %swap3A_1466 = vector.shape_cast %get3A_1462 : vector<16xi32> to vector<16xi32>
      tpu.vector_store %arg9[%swap3A_1463], %swap3A_1466 {strides = array<i32>} : memref<128xi32, #tpu.memory_space<vmem>>, vector<16xi32>,
      %get3A_1467 = arith.constant 1 : i32
      %get3A_1468 = arith.index_cast %get3A_1467 : i32 to index
      %get3A_1469 = arith.constant 544 : index
      %get3A_1470 = tpu.vector_load %arg6[%get3A_1468, %get3A_1469] {strides = array<i32>} : memref<2x768xi32, #tpu.memory_space<vmem>>, vector<1x16xi32>,
      %get3A_1471 = vector.shape_cast %get3A_1470 : vector<1x16xi32> to vector<16xi32>
      %swap3A_1472 = arith.constant 32 : index
      %swap3A_1473 = tpu.vector_load %arg9[%swap3A_1472] {strides = array<i32>} : memref<128xi32, #tpu.memory_space<vmem>>, vector<16xi32>,
      %swap3A_1474 = vector.shape_cast %swap3A_1473 : vector<16xi32> to vector<16xi32>
      %swap3A_1475 = vector.shape_cast %get3A_1471 : vector<16xi32> to vector<16xi32>
      tpu.vector_store %arg9[%swap3A_1472], %swap3A_1475 {strides = array<i32>} : memref<128xi32, #tpu.memory_space<vmem>>, vector<16xi32>,
      %get3A_1476 = arith.constant 1 : i32
      %get3A_1477 = arith.index_cast %get3A_1476 : i32 to index
      %get3A_1478 = arith.constant 560 : index
      %get3A_1479 = tpu.vector_load %arg6[%get3A_1477, %get3A_1478] {strides = array<i32>} : memref<2x768xi32, #tpu.memory_space<vmem>>, vector<1x16xi32>,
      %get3A_1480 = vector.shape_cast %get3A_1479 : vector<1x16xi32> to vector<16xi32>
      %swap3A_1481 = arith.constant 48 : index
      %swap3A_1482 = tpu.vector_load %arg9[%swap3A_1481] {strides = array<i32>} : memref<128xi32, #tpu.memory_space<vmem>>, vector<16xi32>,
      %swap3A_1483 = vector.shape_cast %swap3A_1482 : vector<16xi32> to vector<16xi32>
      %swap3A_1484 = vector.shape_cast %get3A_1480 : vector<16xi32> to vector<16xi32>
      tpu.vector_store %arg9[%swap3A_1481], %swap3A_1484 {strides = array<i32>} : memref<128xi32, #tpu.memory_space<vmem>>, vector<16xi32>,
      %get3A_1485 = arith.constant 1 : i32
      %get3A_1486 = arith.index_cast %get3A_1485 : i32 to index
      %get3A_1487 = arith.constant 576 : index
      %get3A_1488 = tpu.vector_load %arg6[%get3A_1486, %get3A_1487] {strides = array<i32>} : memref<2x768xi32, #tpu.memory_space<vmem>>, vector<1x16xi32>,
      %get3A_1489 = vector.shape_cast %get3A_1488 : vector<1x16xi32> to vector<16xi32>
      %swap3A_1490 = arith.constant 64 : index
      %swap3A_1491 = tpu.vector_load %arg9[%swap3A_1490] {strides = array<i32>} : memref<128xi32, #tpu.memory_space<vmem>>, vector<16xi32>,
      %swap3A_1492 = vector.shape_cast %swap3A_1491 : vector<16xi32> to vector<16xi32>
      %swap3A_1493 = vector.shape_cast %get3A_1489 : vector<16xi32> to vector<16xi32>
      tpu.vector_store %arg9[%swap3A_1490], %swap3A_1493 {strides = array<i32>} : memref<128xi32, #tpu.memory_space<vmem>>, vector<16xi32>,
      %get3A_1494 = arith.constant 1 : i32
      %get3A_1495 = arith.index_cast %get3A_1494 : i32 to index
      %get3A_1496 = arith.constant 592 : index
      %get3A_1497 = tpu.vector_load %arg6[%get3A_1495, %get3A_1496] {strides = array<i32>} : memref<2x768xi32, #tpu.memory_space<vmem>>, vector<1x16xi32>,
      %get3A_1498 = vector.shape_cast %get3A_1497 : vector<1x16xi32> to vector<16xi32>
      %swap3A_1499 = arith.constant 80 : index
      %swap3A_1500 = tpu.vector_load %arg9[%swap3A_1499] {strides = array<i32>} : memref<128xi32, #tpu.memory_space<vmem>>, vector<16xi32>,
      %swap3A_1501 = vector.shape_cast %swap3A_1500 : vector<16xi32> to vector<16xi32>
      %swap3A_1502 = vector.shape_cast %get3A_1498 : vector<16xi32> to vector<16xi32>
      tpu.vector_store %arg9[%swap3A_1499], %swap3A_1502 {strides = array<i32>} : memref<128xi32, #tpu.memory_space<vmem>>, vector<16xi32>,
      %get3A_1503 = arith.constant 1 : i32
      %get3A_1504 = arith.index_cast %get3A_1503 : i32 to index
      %get3A_1505 = arith.constant 608 : index
      %get3A_1506 = tpu.vector_load %arg6[%get3A_1504, %get3A_1505] {strides = array<i32>} : memref<2x768xi32, #tpu.memory_space<vmem>>, vector<1x16xi32>,
      %get3A_1507 = vector.shape_cast %get3A_1506 : vector<1x16xi32> to vector<16xi32>
      %swap3A_1508 = arith.constant 96 : index
      %swap3A_1509 = tpu.vector_load %arg9[%swap3A_1508] {strides = array<i32>} : memref<128xi32, #tpu.memory_space<vmem>>, vector<16xi32>,
      %swap3A_1510 = vector.shape_cast %swap3A_1509 : vector<16xi32> to vector<16xi32>
      %swap3A_1511 = vector.shape_cast %get3A_1507 : vector<16xi32> to vector<16xi32>
      tpu.vector_store %arg9[%swap3A_1508], %swap3A_1511 {strides = array<i32>} : memref<128xi32, #tpu.memory_space<vmem>>, vector<16xi32>,
      %get3A_1512 = arith.constant 1 : i32
      %get3A_1513 = arith.index_cast %get3A_1512 : i32 to index
      %get3A_1514 = arith.constant 624 : index
      %get3A_1515 = tpu.vector_load %arg6[%get3A_1513, %get3A_1514] {strides = array<i32>} : memref<2x768xi32, #tpu.memory_space<vmem>>, vector<1x16xi32>,
      %get3A_1516 = vector.shape_cast %get3A_1515 : vector<1x16xi32> to vector<16xi32>
      %swap3A_1517 = arith.constant 112 : index
      %swap3A_1518 = tpu.vector_load %arg9[%swap3A_1517] {strides = array<i32>} : memref<128xi32, #tpu.memory_space<vmem>>, vector<16xi32>,
      %swap3A_1519 = vector.shape_cast %swap3A_1518 : vector<16xi32> to vector<16xi32>
      %swap3A_1520 = vector.shape_cast %get3A_1516 : vector<16xi32> to vector<16xi32>
      tpu.vector_store %arg9[%swap3A_1517], %swap3A_1520 {strides = array<i32>} : memref<128xi32, #tpu.memory_space<vmem>>, vector<16xi32>,
      %dma_wait3A_1521 = arith.constant 0 : i32
      %dma_wait3A_1522 = arith.constant 0 : i32
      %dma_wait3A_1523 = tpu.memref_slice %arg2[%dma_wait3A_1521, %dma_wait3A_1522] : memref<10000x128xf32, #tpu.memory_space<hbm>> -> memref<128x128xf32, #tpu.memory_space<hbm>>
      %dma_wait3A_1524 = arith.constant 0 : i32
      %dma_wait3A_1525 = arith.constant 0 : i32
      %dma_wait3A_1526 = tpu.memref_slice %arg2[%dma_wait3A_1524, %dma_wait3A_1525] : memref<10000x128xf32, #tpu.memory_space<hbm>> -> memref<128x128xf32, #tpu.memory_space<hbm>>
      tpu.wait_dma2 semaphore(%arg14 : memref<!tpu.dma_semaphore, #tpu.memory_space<semaphore_mem>>) src(%dma_wait3A_1526 : memref<128x128xf32, #tpu.memory_space<hbm>>) dst(%arg7 : memref<128x128xf32, #tpu.memory_space<vmem>>)
      "tpu.region"() ({
        %run_scoped3A = tpu.sem_alloc : memref<!tpu.dma_semaphore, #tpu.memory_space<semaphore_mem>>
        %dma_start3A_1625 = arith.constant 0 : i32
        %dma_start3A_1626 = arith.constant 0 : i32
        %dma_start3A_1627 = tpu.memref_slice %arg11[%dma_start3A_1625, %dma_start3A_1626] : memref<10000x128xf32, #tpu.memory_space<vmem_shared>> -> memref<10000x128xf32, #tpu.memory_space<vmem_shared>>
        tpu.enqueue_indirect_dma source(%arg7 : memref<128x128xf32, #tpu.memory_space<vmem>>) target(%dma_start3A_1627 : memref<10000x128xf32, #tpu.memory_space<vmem_shared>>) offsets(%arg9 : memref<128xi32, #tpu.memory_space<vmem>>) semaphore(%run_scoped3A : memref<!tpu.dma_semaphore, #tpu.memory_space<semaphore_mem>>) {add = true}
        %dma_wait3A_1628 = arith.constant 0 : i32
        %dma_wait3A_1629 = arith.constant 0 : i32
        %dma_wait3A_1630 = tpu.memref_slice %arg11[%dma_wait3A_1628, %dma_wait3A_1629] : memref<10000x128xf32, #tpu.memory_space<vmem_shared>> -> memref<10000x128xf32, #tpu.memory_space<vmem_shared>>
        tpu.wait_indirect_dma semaphore(%run_scoped3A : memref<!tpu.dma_semaphore, #tpu.memory_space<semaphore_mem>>) src(%arg7 : memref<128x128xf32, #tpu.memory_space<vmem>>) dst(%dma_wait3A_1630 : memref<10000x128xf32, #tpu.memory_space<vmem_shared>>)
        tpu.yield
      }) : () -> ()
      %dma_wait3A_1527 = arith.constant 0 : i32
      %dma_wait3A_1528 = arith.constant 0 : i32
      %dma_wait3A_1529 = tpu.memref_slice %arg3[%dma_wait3A_1527, %dma_wait3A_1528] : memref<2x320000xi32, #tpu.memory_space<hbm>> -> memref<2x768xi32, #tpu.memory_space<hbm>>
      %dma_wait3A_1530 = arith.constant 0 : i32
      %dma_wait3A_1531 = arith.constant 0 : i32
      %dma_wait3A_1532 = tpu.memref_slice %arg3[%dma_wait3A_1530, %dma_wait3A_1531] : memref<2x320000xi32, #tpu.memory_space<hbm>> -> memref<2x768xi32, #tpu.memory_space<hbm>>
      tpu.wait_dma2 semaphore(%arg12 : memref<!tpu.dma_semaphore, #tpu.memory_space<semaphore_mem>>) src(%dma_wait3A_1532 : memref<2x768xi32, #tpu.memory_space<hbm>>) dst(%arg5 : memref<2x768xi32, #tpu.memory_space<vmem>>)
      %dma_start3A_1533 = arith.constant 0 : i32
      %dma_start3A_1534 = arith.constant 0 : i32
      %dma_start3A_1535 = tpu.memref_slice %arg5[%dma_start3A_1533, %dma_start3A_1534] : memref<2x768xi32, #tpu.memory_space<vmem>> -> memref<1x128xi32, #tpu.memory_space<vmem>>
      %dma_start3A_1536 = tpu.memref_squeeze %dma_start3A_1535 : memref<1x128xi32, #tpu.memory_space<vmem>> -> memref<128xi32, #tpu.memory_space<vmem>>
      %dma_start3A_1537 = arith.constant 0 : i32
      %dma_start3A_1538 = arith.constant 0 : i32
      %dma_start3A_1539 = tpu.memref_slice %arg2[%dma_start3A_1537, %dma_start3A_1538] : memref<10000x128xf32, #tpu.memory_space<hbm>> -> memref<10000x128xf32, #tpu.memory_space<hbm>>
      tpu.enqueue_indirect_dma source(%dma_start3A_1539 : memref<10000x128xf32, #tpu.memory_space<hbm>>) target(%arg7 : memref<128x128xf32, #tpu.memory_space<vmem>>) offsets(%dma_start3A_1536 : memref<128xi32, #tpu.memory_space<vmem>>) semaphore(%arg14 : memref<!tpu.dma_semaphore, #tpu.memory_space<semaphore_mem>>)
      %get3A_1540 = arith.constant 1 : i32
      %get3A_1541 = arith.index_cast %get3A_1540 : i32 to index
      %get3A_1542 = arith.constant 640 : index
      %get3A_1543 = tpu.vector_load %arg6[%get3A_1541, %get3A_1542] {strides = array<i32>} : memref<2x768xi32, #tpu.memory_space<vmem>>, vector<1x16xi32>,
      %get3A_1544 = vector.shape_cast %get3A_1543 : vector<1x16xi32> to vector<16xi32>
      %swap3A_1545 = arith.constant 0 : index
      %swap3A_1546 = tpu.vector_load %arg9[%swap3A_1545] {strides = array<i32>} : memref<128xi32, #tpu.memory_space<vmem>>, vector<16xi32>,
      %swap3A_1547 = vector.shape_cast %swap3A_1546 : vector<16xi32> to vector<16xi32>
      %swap3A_1548 = vector.shape_cast %get3A_1544 : vector<16xi32> to vector<16xi32>
      tpu.vector_store %arg9[%swap3A_1545], %swap3A_1548 {strides = array<i32>} : memref<128xi32, #tpu.memory_space<vmem>>, vector<16xi32>,
      %get3A_1549 = arith.constant 1 : i32
      %get3A_1550 = arith.index_cast %get3A_1549 : i32 to index
      %get3A_1551 = arith.constant 656 : index
      %get3A_1552 = tpu.vector_load %arg6[%get3A_1550, %get3A_1551] {strides = array<i32>} : memref<2x768xi32, #tpu.memory_space<vmem>>, vector<1x16xi32>,
      %get3A_1553 = vector.shape_cast %get3A_1552 : vector<1x16xi32> to vector<16xi32>
      %swap3A_1554 = arith.constant 16 : index
      %swap3A_1555 = tpu.vector_load %arg9[%swap3A_1554] {strides = array<i32>} : memref<128xi32, #tpu.memory_space<vmem>>, vector<16xi32>,
      %swap3A_1556 = vector.shape_cast %swap3A_1555 : vector<16xi32> to vector<16xi32>
      %swap3A_1557 = vector.shape_cast %get3A_1553 : vector<16xi32> to vector<16xi32>
      tpu.vector_store %arg9[%swap3A_1554], %swap3A_1557 {strides = array<i32>} : memref<128xi32, #tpu.memory_space<vmem>>, vector<16xi32>,
      %get3A_1558 = arith.constant 1 : i32
      %get3A_1559 = arith.index_cast %get3A_1558 : i32 to index
      %get3A_1560 = arith.constant 672 : index
      %get3A_1561 = tpu.vector_load %arg6[%get3A_1559, %get3A_1560] {strides = array<i32>} : memref<2x768xi32, #tpu.memory_space<vmem>>, vector<1x16xi32>,
      %get3A_1562 = vector.shape_cast %get3A_1561 : vector<1x16xi32> to vector<16xi32>
      %swap3A_1563 = arith.constant 32 : index
      %swap3A_1564 = tpu.vector_load %arg9[%swap3A_1563] {strides = array<i32>} : memref<128xi32, #tpu.memory_space<vmem>>, vector<16xi32>,
      %swap3A_1565 = vector.shape_cast %swap3A_1564 : vector<16xi32> to vector<16xi32>
      %swap3A_1566 = vector.shape_cast %get3A_1562 : vector<16xi32> to vector<16xi32>
      tpu.vector_store %arg9[%swap3A_1563], %swap3A_1566 {strides = array<i32>} : memref<128xi32, #tpu.memory_space<vmem>>, vector<16xi32>,
      %get3A_1567 = arith.constant 1 : i32
      %get3A_1568 = arith.index_cast %get3A_1567 : i32 to index
      %get3A_1569 = arith.constant 688 : index
      %get3A_1570 = tpu.vector_load %arg6[%get3A_1568, %get3A_1569] {strides = array<i32>} : memref<2x768xi32, #tpu.memory_space<vmem>>, vector<1x16xi32>,
      %get3A_1571 = vector.shape_cast %get3A_1570 : vector<1x16xi32> to vector<16xi32>
      %swap3A_1572 = arith.constant 48 : index
      %swap3A_1573 = tpu.vector_load %arg9[%swap3A_1572] {strides = array<i32>} : memref<128xi32, #tpu.memory_space<vmem>>, vector<16xi32>,
      %swap3A_1574 = vector.shape_cast %swap3A_1573 : vector<16xi32> to vector<16xi32>
      %swap3A_1575 = vector.shape_cast %get3A_1571 : vector<16xi32> to vector<16xi32>
      tpu.vector_store %arg9[%swap3A_1572], %swap3A_1575 {strides = array<i32>} : memref<128xi32, #tpu.memory_space<vmem>>, vector<16xi32>,
      %get3A_1576 = arith.constant 1 : i32
      %get3A_1577 = arith.index_cast %get3A_1576 : i32 to index
      %get3A_1578 = arith.constant 704 : index
      %get3A_1579 = tpu.vector_load %arg6[%get3A_1577, %get3A_1578] {strides = array<i32>} : memref<2x768xi32, #tpu.memory_space<vmem>>, vector<1x16xi32>,
      %get3A_1580 = vector.shape_cast %get3A_1579 : vector<1x16xi32> to vector<16xi32>
      %swap3A_1581 = arith.constant 64 : index
      %swap3A_1582 = tpu.vector_load %arg9[%swap3A_1581] {strides = array<i32>} : memref<128xi32, #tpu.memory_space<vmem>>, vector<16xi32>,
      %swap3A_1583 = vector.shape_cast %swap3A_1582 : vector<16xi32> to vector<16xi32>
      %swap3A_1584 = vector.shape_cast %get3A_1580 : vector<16xi32> to vector<16xi32>
      tpu.vector_store %arg9[%swap3A_1581], %swap3A_1584 {strides = array<i32>} : memref<128xi32, #tpu.memory_space<vmem>>, vector<16xi32>,
      %get3A_1585 = arith.constant 1 : i32
      %get3A_1586 = arith.index_cast %get3A_1585 : i32 to index
      %get3A_1587 = arith.constant 720 : index
      %get3A_1588 = tpu.vector_load %arg6[%get3A_1586, %get3A_1587] {strides = array<i32>} : memref<2x768xi32, #tpu.memory_space<vmem>>, vector<1x16xi32>,
      %get3A_1589 = vector.shape_cast %get3A_1588 : vector<1x16xi32> to vector<16xi32>
      %swap3A_1590 = arith.constant 80 : index
      %swap3A_1591 = tpu.vector_load %arg9[%swap3A_1590] {strides = array<i32>} : memref<128xi32, #tpu.memory_space<vmem>>, vector<16xi32>,
      %swap3A_1592 = vector.shape_cast %swap3A_1591 : vector<16xi32> to vector<16xi32>
      %swap3A_1593 = vector.shape_cast %get3A_1589 : vector<16xi32> to vector<16xi32>
      tpu.vector_store %arg9[%swap3A_1590], %swap3A_1593 {strides = array<i32>} : memref<128xi32, #tpu.memory_space<vmem>>, vector<16xi32>,
      %get3A_1594 = arith.constant 1 : i32
      %get3A_1595 = arith.index_cast %get3A_1594 : i32 to index
      %get3A_1596 = arith.constant 736 : index
      %get3A_1597 = tpu.vector_load %arg6[%get3A_1595, %get3A_1596] {strides = array<i32>} : memref<2x768xi32, #tpu.memory_space<vmem>>, vector<1x16xi32>,
      %get3A_1598 = vector.shape_cast %get3A_1597 : vector<1x16xi32> to vector<16xi32>
      %swap3A_1599 = arith.constant 96 : index
      %swap3A_1600 = tpu.vector_load %arg9[%swap3A_1599] {strides = array<i32>} : memref<128xi32, #tpu.memory_space<vmem>>, vector<16xi32>,
      %swap3A_1601 = vector.shape_cast %swap3A_1600 : vector<16xi32> to vector<16xi32>
      %swap3A_1602 = vector.shape_cast %get3A_1598 : vector<16xi32> to vector<16xi32>
      tpu.vector_store %arg9[%swap3A_1599], %swap3A_1602 {strides = array<i32>} : memref<128xi32, #tpu.memory_space<vmem>>, vector<16xi32>,
      %get3A_1603 = arith.constant 1 : i32
      %get3A_1604 = arith.index_cast %get3A_1603 : i32 to index
      %get3A_1605 = arith.constant 752 : index
      %get3A_1606 = tpu.vector_load %arg6[%get3A_1604, %get3A_1605] {strides = array<i32>} : memref<2x768xi32, #tpu.memory_space<vmem>>, vector<1x16xi32>,
      %get3A_1607 = vector.shape_cast %get3A_1606 : vector<1x16xi32> to vector<16xi32>
      %swap3A_1608 = arith.constant 112 : index
      %swap3A_1609 = tpu.vector_load %arg9[%swap3A_1608] {strides = array<i32>} : memref<128xi32, #tpu.memory_space<vmem>>, vector<16xi32>,
      %swap3A_1610 = vector.shape_cast %swap3A_1609 : vector<16xi32> to vector<16xi32>
      %swap3A_1611 = vector.shape_cast %get3A_1607 : vector<16xi32> to vector<16xi32>
      tpu.vector_store %arg9[%swap3A_1608], %swap3A_1611 {strides = array<i32>} : memref<128xi32, #tpu.memory_space<vmem>>, vector<16xi32>,
      %dma_wait3A_1612 = arith.constant 0 : i32
      %dma_wait3A_1613 = arith.constant 0 : i32
      %dma_wait3A_1614 = tpu.memref_slice %arg2[%dma_wait3A_1612, %dma_wait3A_1613] : memref<10000x128xf32, #tpu.memory_space<hbm>> -> memref<128x128xf32, #tpu.memory_space<hbm>>
      %dma_wait3A_1615 = arith.constant 0 : i32
      %dma_wait3A_1616 = arith.constant 0 : i32
      %dma_wait3A_1617 = tpu.memref_slice %arg2[%dma_wait3A_1615, %dma_wait3A_1616] : memref<10000x128xf32, #tpu.memory_space<hbm>> -> memref<128x128xf32, #tpu.memory_space<hbm>>
      tpu.wait_dma2 semaphore(%arg15 : memref<!tpu.dma_semaphore, #tpu.memory_space<semaphore_mem>>) src(%dma_wait3A_1617 : memref<128x128xf32, #tpu.memory_space<hbm>>) dst(%arg8 : memref<128x128xf32, #tpu.memory_space<vmem>>)
      %add3A_1618 = arith.constant 2 : i32
      %add3A_1619 = arith.addi %add3A_1101, %add3A_1618 : i32
      %lt3A_1620 = arith.constant 13 : i32
      %lt3A_1621 = arith.cmpi slt, %add3A_1619, %lt3A_1620 : i32
      %convert_element_type3A_1622 = arith.extui %lt3A_1621 : i1 to i32
      %cond3A_1623 = arith.constant 0 : i32
      %cond3A_1624 = arith.cmpi ne, %convert_element_type3A_1622, %cond3A_1623 : i32
      scf.if %cond3A_1624 {
        %add3A_1625 = arith.constant 2 : i32
        %add3A_1626 = arith.addi %add3A_1101, %add3A_1625 : i32
        %mul3A_1627 = arith.constant 6 : i32
        %mul3A_1628 = arith.muli %add3A_1626, %mul3A_1627 : i32
        %add3A_1629 = arith.addi %mul3A_2, %mul3A_1628 : i32
        %mul3A_1630 = arith.constant 128 : i32
        %mul3A_1631 = arith.muli %add3A_1629, %mul3A_1630 : i32
        %dma_start3A_1632 = arith.constant 0 : i32
        %dma_start3A_1633 = tpu.memref_slice %arg3[%dma_start3A_1632, %mul3A_1631] : memref<2x320000xi32, #tpu.memory_space<hbm>> -> memref<2x768xi32, #tpu.memory_space<hbm>>
        %dma_start3A_1634 = arith.constant 0 : i32
        %dma_start3A_1635 = tpu.memref_slice %arg3[%dma_start3A_1634, %mul3A_1631] : memref<2x320000xi32, #tpu.memory_space<hbm>> -> memref<2x768xi32, #tpu.memory_space<hbm>>
        tpu.enqueue_dma source(%dma_start3A_1635 : memref<2x768xi32, #tpu.memory_space<hbm>>) target(%arg6 : memref<2x768xi32, #tpu.memory_space<vmem>>) target_semaphore(%arg13 : memref<!tpu.dma_semaphore, #tpu.memory_space<semaphore_mem>>)
      } else {
      }
      "tpu.region"() ({
        %run_scoped3A = tpu.sem_alloc : memref<!tpu.dma_semaphore, #tpu.memory_space<semaphore_mem>>
        %dma_start3A_1625 = arith.constant 0 : i32
        %dma_start3A_1626 = arith.constant 0 : i32
        %dma_start3A_1627 = tpu.memref_slice %arg11[%dma_start3A_1625, %dma_start3A_1626] : memref<10000x128xf32, #tpu.memory_space<vmem_shared>> -> memref<10000x128xf32, #tpu.memory_space<vmem_shared>>
        tpu.enqueue_indirect_dma source(%arg8 : memref<128x128xf32, #tpu.memory_space<vmem>>) target(%dma_start3A_1627 : memref<10000x128xf32, #tpu.memory_space<vmem_shared>>) offsets(%arg9 : memref<128xi32, #tpu.memory_space<vmem>>) semaphore(%run_scoped3A : memref<!tpu.dma_semaphore, #tpu.memory_space<semaphore_mem>>) {add = true}
        %dma_wait3A_1628 = arith.constant 0 : i32
        %dma_wait3A_1629 = arith.constant 0 : i32
        %dma_wait3A_1630 = tpu.memref_slice %arg11[%dma_wait3A_1628, %dma_wait3A_1629] : memref<10000x128xf32, #tpu.memory_space<vmem_shared>> -> memref<10000x128xf32, #tpu.memory_space<vmem_shared>>
        tpu.wait_indirect_dma semaphore(%run_scoped3A : memref<!tpu.dma_semaphore, #tpu.memory_space<semaphore_mem>>) src(%arg8 : memref<128x128xf32, #tpu.memory_space<vmem>>) dst(%dma_wait3A_1630 : memref<10000x128xf32, #tpu.memory_space<vmem_shared>>)
        tpu.yield
      }) : () -> ()
    }
    %scan3A_50 = arith.constant 6 : i32
    %dma_start3A_51 = arith.constant 0 : i32
    %dma_start3A_52 = arith.constant 128 : i32
    %dma_start3A_53 = tpu.memref_slice %arg5[%dma_start3A_51, %dma_start3A_52] : memref<2x768xi32, #tpu.memory_space<vmem>> -> memref<1x128xi32, #tpu.memory_space<vmem>>
    %dma_start3A_54 = tpu.memref_squeeze %dma_start3A_53 : memref<1x128xi32, #tpu.memory_space<vmem>> -> memref<128xi32, #tpu.memory_space<vmem>>
    %dma_start3A_55 = arith.constant 0 : i32
    %dma_start3A_56 = arith.constant 0 : i32
    %dma_start3A_57 = tpu.memref_slice %arg2[%dma_start3A_55, %dma_start3A_56] : memref<10000x128xf32, #tpu.memory_space<hbm>> -> memref<10000x128xf32, #tpu.memory_space<hbm>>
    tpu.enqueue_indirect_dma source(%dma_start3A_57 : memref<10000x128xf32, #tpu.memory_space<hbm>>) target(%arg8 : memref<128x128xf32, #tpu.memory_space<vmem>>) offsets(%dma_start3A_54 : memref<128xi32, #tpu.memory_space<vmem>>) semaphore(%arg15 : memref<!tpu.dma_semaphore, #tpu.memory_space<semaphore_mem>>)
    %get3A = arith.constant 1 : i32
    %get3A_58 = arith.index_cast %get3A : i32 to index
    %get3A_59 = arith.constant 0 : index
    %get3A_60 = tpu.vector_load %arg5[%get3A_58, %get3A_59] {strides = array<i32>} : memref<2x768xi32, #tpu.memory_space<vmem>>, vector<1x16xi32>,
    %get3A_61 = vector.shape_cast %get3A_60 : vector<1x16xi32> to vector<16xi32>
    %swap3A = arith.constant 0 : index
    %swap3A_62 = tpu.vector_load %arg9[%swap3A] {strides = array<i32>} : memref<128xi32, #tpu.memory_space<vmem>>, vector<16xi32>,
    %swap3A_63 = vector.shape_cast %swap3A_62 : vector<16xi32> to vector<16xi32>
    %swap3A_64 = vector.shape_cast %get3A_61 : vector<16xi32> to vector<16xi32>
    tpu.vector_store %arg9[%swap3A], %swap3A_64 {strides = array<i32>} : memref<128xi32, #tpu.memory_space<vmem>>, vector<16xi32>,
    %get3A_65 = arith.constant 1 : i32
    %get3A_66 = arith.index_cast %get3A_65 : i32 to index
    %get3A_67 = arith.constant 16 : index
    %get3A_68 = tpu.vector_load %arg5[%get3A_66, %get3A_67] {strides = array<i32>} : memref<2x768xi32, #tpu.memory_space<vmem>>, vector<1x16xi32>,
    %get3A_69 = vector.shape_cast %get3A_68 : vector<1x16xi32> to vector<16xi32>
    %swap3A_70 = arith.constant 16 : index
    %swap3A_71 = tpu.vector_load %arg9[%swap3A_70] {strides = array<i32>} : memref<128xi32, #tpu.memory_space<vmem>>, vector<16xi32>,
    %swap3A_72 = vector.shape_cast %swap3A_71 : vector<16xi32> to vector<16xi32>
    %swap3A_73 = vector.shape_cast %get3A_69 : vector<16xi32> to vector<16xi32>
    tpu.vector_store %arg9[%swap3A_70], %swap3A_73 {strides = array<i32>} : memref<128xi32, #tpu.memory_space<vmem>>, vector<16xi32>,
    %get3A_74 = arith.constant 1 : i32
    %get3A_75 = arith.index_cast %get3A_74 : i32 to index
    %get3A_76 = arith.constant 32 : index
    %get3A_77 = tpu.vector_load %arg5[%get3A_75, %get3A_76] {strides = array<i32>} : memref<2x768xi32, #tpu.memory_space<vmem>>, vector<1x16xi32>,
    %get3A_78 = vector.shape_cast %get3A_77 : vector<1x16xi32> to vector<16xi32>
    %swap3A_79 = arith.constant 32 : index
    %swap3A_80 = tpu.vector_load %arg9[%swap3A_79] {strides = array<i32>} : memref<128xi32, #tpu.memory_space<vmem>>, vector<16xi32>,
    %swap3A_81 = vector.shape_cast %swap3A_80 : vector<16xi32> to vector<16xi32>
    %swap3A_82 = vector.shape_cast %get3A_78 : vector<16xi32> to vector<16xi32>
    tpu.vector_store %arg9[%swap3A_79], %swap3A_82 {strides = array<i32>} : memref<128xi32, #tpu.memory_space<vmem>>, vector<16xi32>,
    %get3A_83 = arith.constant 1 : i32
    %get3A_84 = arith.index_cast %get3A_83 : i32 to index
    %get3A_85 = arith.constant 48 : index
    %get3A_86 = tpu.vector_load %arg5[%get3A_84, %get3A_85] {strides = array<i32>} : memref<2x768xi32, #tpu.memory_space<vmem>>, vector<1x16xi32>,
    %get3A_87 = vector.shape_cast %get3A_86 : vector<1x16xi32> to vector<16xi32>
    %swap3A_88 = arith.constant 48 : index
    %swap3A_89 = tpu.vector_load %arg9[%swap3A_88] {strides = array<i32>} : memref<128xi32, #tpu.memory_space<vmem>>, vector<16xi32>,
    %swap3A_90 = vector.shape_cast %swap3A_89 : vector<16xi32> to vector<16xi32>
    %swap3A_91 = vector.shape_cast %get3A_87 : vector<16xi32> to vector<16xi32>
    tpu.vector_store %arg9[%swap3A_88], %swap3A_91 {strides = array<i32>} : memref<128xi32, #tpu.memory_space<vmem>>, vector<16xi32>,
    %get3A_92 = arith.constant 1 : i32
    %get3A_93 = arith.index_cast %get3A_92 : i32 to index
    %get3A_94 = arith.constant 64 : index
    %get3A_95 = tpu.vector_load %arg5[%get3A_93, %get3A_94] {strides = array<i32>} : memref<2x768xi32, #tpu.memory_space<vmem>>, vector<1x16xi32>,
    %get3A_96 = vector.shape_cast %get3A_95 : vector<1x16xi32> to vector<16xi32>
    %swap3A_97 = arith.constant 64 : index
    %swap3A_98 = tpu.vector_load %arg9[%swap3A_97] {strides = array<i32>} : memref<128xi32, #tpu.memory_space<vmem>>, vector<16xi32>,
    %swap3A_99 = vector.shape_cast %swap3A_98 : vector<16xi32> to vector<16xi32>
    %swap3A_100 = vector.shape_cast %get3A_96 : vector<16xi32> to vector<16xi32>
    tpu.vector_store %arg9[%swap3A_97], %swap3A_100 {strides = array<i32>} : memref<128xi32, #tpu.memory_space<vmem>>, vector<16xi32>,
    %get3A_101 = arith.constant 1 : i32
    %get3A_102 = arith.index_cast %get3A_101 : i32 to index
    %get3A_103 = arith.constant 80 : index
    %get3A_104 = tpu.vector_load %arg5[%get3A_102, %get3A_103] {strides = array<i32>} : memref<2x768xi32, #tpu.memory_space<vmem>>, vector<1x16xi32>,
    %get3A_105 = vector.shape_cast %get3A_104 : vector<1x16xi32> to vector<16xi32>
    %swap3A_106 = arith.constant 80 : index
    %swap3A_107 = tpu.vector_load %arg9[%swap3A_106] {strides = array<i32>} : memref<128xi32, #tpu.memory_space<vmem>>, vector<16xi32>,
    %swap3A_108 = vector.shape_cast %swap3A_107 : vector<16xi32> to vector<16xi32>
    %swap3A_109 = vector.shape_cast %get3A_105 : vector<16xi32> to vector<16xi32>
    tpu.vector_store %arg9[%swap3A_106], %swap3A_109 {strides = array<i32>} : memref<128xi32, #tpu.memory_space<vmem>>, vector<16xi32>,
    %get3A_110 = arith.constant 1 : i32
    %get3A_111 = arith.index_cast %get3A_110 : i32 to index
    %get3A_112 = arith.constant 96 : index
    %get3A_113 = tpu.vector_load %arg5[%get3A_111, %get3A_112] {strides = array<i32>} : memref<2x768xi32, #tpu.memory_space<vmem>>, vector<1x16xi32>,
    %get3A_114 = vector.shape_cast %get3A_113 : vector<1x16xi32> to vector<16xi32>
    %swap3A_115 = arith.constant 96 : index
    %swap3A_116 = tpu.vector_load %arg9[%swap3A_115] {strides = array<i32>} : memref<128xi32, #tpu.memory_space<vmem>>, vector<16xi32>,
    %swap3A_117 = vector.shape_cast %swap3A_116 : vector<16xi32> to vector<16xi32>
    %swap3A_118 = vector.shape_cast %get3A_114 : vector<16xi32> to vector<16xi32>
    tpu.vector_store %arg9[%swap3A_115], %swap3A_118 {strides = array<i32>} : memref<128xi32, #tpu.memory_space<vmem>>, vector<16xi32>,
    %get3A_119 = arith.constant 1 : i32
    %get3A_120 = arith.index_cast %get3A_119 : i32 to index
    %get3A_121 = arith.constant 112 : index
    %get3A_122 = tpu.vector_load %arg5[%get3A_120, %get3A_121] {strides = array<i32>} : memref<2x768xi32, #tpu.memory_space<vmem>>, vector<1x16xi32>,
    %get3A_123 = vector.shape_cast %get3A_122 : vector<1x16xi32> to vector<16xi32>
    %swap3A_124 = arith.constant 112 : index
    %swap3A_125 = tpu.vector_load %arg9[%swap3A_124] {strides = array<i32>} : memref<128xi32, #tpu.memory_space<vmem>>, vector<16xi32>,
    %swap3A_126 = vector.shape_cast %swap3A_125 : vector<16xi32> to vector<16xi32>
    %swap3A_127 = vector.shape_cast %get3A_123 : vector<16xi32> to vector<16xi32>
    tpu.vector_store %arg9[%swap3A_124], %swap3A_127 {strides = array<i32>} : memref<128xi32, #tpu.memory_space<vmem>>, vector<16xi32>,
    %dma_wait3A_128 = arith.constant 0 : i32
    %dma_wait3A_129 = arith.constant 0 : i32
    %dma_wait3A_130 = tpu.memref_slice %arg2[%dma_wait3A_128, %dma_wait3A_129] : memref<10000x128xf32, #tpu.memory_space<hbm>> -> memref<128x128xf32, #tpu.memory_space<hbm>>
    %dma_wait3A_131 = arith.constant 0 : i32
    %dma_wait3A_132 = arith.constant 0 : i32
    %dma_wait3A_133 = tpu.memref_slice %arg2[%dma_wait3A_131, %dma_wait3A_132] : memref<10000x128xf32, #tpu.memory_space<hbm>> -> memref<128x128xf32, #tpu.memory_space<hbm>>
    tpu.wait_dma2 semaphore(%arg14 : memref<!tpu.dma_semaphore, #tpu.memory_space<semaphore_mem>>) src(%dma_wait3A_133 : memref<128x128xf32, #tpu.memory_space<hbm>>) dst(%arg7 : memref<128x128xf32, #tpu.memory_space<vmem>>)
    "tpu.region"() ({
      %run_scoped3A = tpu.sem_alloc : memref<!tpu.dma_semaphore, #tpu.memory_space<semaphore_mem>>
      %dma_start3A_568 = arith.constant 0 : i32
      %dma_start3A_569 = arith.constant 0 : i32
      %dma_start3A_570 = tpu.memref_slice %arg11[%dma_start3A_568, %dma_start3A_569] : memref<10000x128xf32, #tpu.memory_space<vmem_shared>> -> memref<10000x128xf32, #tpu.memory_space<vmem_shared>>
      tpu.enqueue_indirect_dma source(%arg7 : memref<128x128xf32, #tpu.memory_space<vmem>>) target(%dma_start3A_570 : memref<10000x128xf32, #tpu.memory_space<vmem_shared>>) offsets(%arg9 : memref<128xi32, #tpu.memory_space<vmem>>) semaphore(%run_scoped3A : memref<!tpu.dma_semaphore, #tpu.memory_space<semaphore_mem>>) {add = true}
      %dma_wait3A_571 = arith.constant 0 : i32
      %dma_wait3A_572 = arith.constant 0 : i32
      %dma_wait3A_573 = tpu.memref_slice %arg11[%dma_wait3A_571, %dma_wait3A_572] : memref<10000x128xf32, #tpu.memory_space<vmem_shared>> -> memref<10000x128xf32, #tpu.memory_space<vmem_shared>>
      tpu.wait_indirect_dma semaphore(%run_scoped3A : memref<!tpu.dma_semaphore, #tpu.memory_space<semaphore_mem>>) src(%arg7 : memref<128x128xf32, #tpu.memory_space<vmem>>) dst(%dma_wait3A_573 : memref<10000x128xf32, #tpu.memory_space<vmem_shared>>)
      tpu.yield
    }) : () -> ()
    %dma_start3A_134 = arith.constant 0 : i32
    %dma_start3A_135 = arith.constant 256 : i32
    %dma_start3A_136 = tpu.memref_slice %arg5[%dma_start3A_134, %dma_start3A_135] : memref<2x768xi32, #tpu.memory_space<vmem>> -> memref<1x128xi32, #tpu.memory_space<vmem>>
    %dma_start3A_137 = tpu.memref_squeeze %dma_start3A_136 : memref<1x128xi32, #tpu.memory_space<vmem>> -> memref<128xi32, #tpu.memory_space<vmem>>
    %dma_start3A_138 = arith.constant 0 : i32
    %dma_start3A_139 = arith.constant 0 : i32
    %dma_start3A_140 = tpu.memref_slice %arg2[%dma_start3A_138, %dma_start3A_139] : memref<10000x128xf32, #tpu.memory_space<hbm>> -> memref<10000x128xf32, #tpu.memory_space<hbm>>
    tpu.enqueue_indirect_dma source(%dma_start3A_140 : memref<10000x128xf32, #tpu.memory_space<hbm>>) target(%arg7 : memref<128x128xf32, #tpu.memory_space<vmem>>) offsets(%dma_start3A_137 : memref<128xi32, #tpu.memory_space<vmem>>) semaphore(%arg14 : memref<!tpu.dma_semaphore, #tpu.memory_space<semaphore_mem>>)
    %get3A_141 = arith.constant 1 : i32
    %get3A_142 = arith.index_cast %get3A_141 : i32 to index
    %get3A_143 = arith.constant 128 : index
    %get3A_144 = tpu.vector_load %arg5[%get3A_142, %get3A_143] {strides = array<i32>} : memref<2x768xi32, #tpu.memory_space<vmem>>, vector<1x16xi32>,
    %get3A_145 = vector.shape_cast %get3A_144 : vector<1x16xi32> to vector<16xi32>
    %swap3A_146 = arith.constant 0 : index
    %swap3A_147 = tpu.vector_load %arg9[%swap3A_146] {strides = array<i32>} : memref<128xi32, #tpu.memory_space<vmem>>, vector<16xi32>,
    %swap3A_148 = vector.shape_cast %swap3A_147 : vector<16xi32> to vector<16xi32>
    %swap3A_149 = vector.shape_cast %get3A_145 : vector<16xi32> to vector<16xi32>
    tpu.vector_store %arg9[%swap3A_146], %swap3A_149 {strides = array<i32>} : memref<128xi32, #tpu.memory_space<vmem>>, vector<16xi32>,
    %get3A_150 = arith.constant 1 : i32
    %get3A_151 = arith.index_cast %get3A_150 : i32 to index
    %get3A_152 = arith.constant 144 : index
    %get3A_153 = tpu.vector_load %arg5[%get3A_151, %get3A_152] {strides = array<i32>} : memref<2x768xi32, #tpu.memory_space<vmem>>, vector<1x16xi32>,
    %get3A_154 = vector.shape_cast %get3A_153 : vector<1x16xi32> to vector<16xi32>
    %swap3A_155 = arith.constant 16 : index
    %swap3A_156 = tpu.vector_load %arg9[%swap3A_155] {strides = array<i32>} : memref<128xi32, #tpu.memory_space<vmem>>, vector<16xi32>,
    %swap3A_157 = vector.shape_cast %swap3A_156 : vector<16xi32> to vector<16xi32>
    %swap3A_158 = vector.shape_cast %get3A_154 : vector<16xi32> to vector<16xi32>
    tpu.vector_store %arg9[%swap3A_155], %swap3A_158 {strides = array<i32>} : memref<128xi32, #tpu.memory_space<vmem>>, vector<16xi32>,
    %get3A_159 = arith.constant 1 : i32
    %get3A_160 = arith.index_cast %get3A_159 : i32 to index
    %get3A_161 = arith.constant 160 : index
    %get3A_162 = tpu.vector_load %arg5[%get3A_160, %get3A_161] {strides = array<i32>} : memref<2x768xi32, #tpu.memory_space<vmem>>, vector<1x16xi32>,
    %get3A_163 = vector.shape_cast %get3A_162 : vector<1x16xi32> to vector<16xi32>
    %swap3A_164 = arith.constant 32 : index
    %swap3A_165 = tpu.vector_load %arg9[%swap3A_164] {strides = array<i32>} : memref<128xi32, #tpu.memory_space<vmem>>, vector<16xi32>,
    %swap3A_166 = vector.shape_cast %swap3A_165 : vector<16xi32> to vector<16xi32>
    %swap3A_167 = vector.shape_cast %get3A_163 : vector<16xi32> to vector<16xi32>
    tpu.vector_store %arg9[%swap3A_164], %swap3A_167 {strides = array<i32>} : memref<128xi32, #tpu.memory_space<vmem>>, vector<16xi32>,
    %get3A_168 = arith.constant 1 : i32
    %get3A_169 = arith.index_cast %get3A_168 : i32 to index
    %get3A_170 = arith.constant 176 : index
    %get3A_171 = tpu.vector_load %arg5[%get3A_169, %get3A_170] {strides = array<i32>} : memref<2x768xi32, #tpu.memory_space<vmem>>, vector<1x16xi32>,
    %get3A_172 = vector.shape_cast %get3A_171 : vector<1x16xi32> to vector<16xi32>
    %swap3A_173 = arith.constant 48 : index
    %swap3A_174 = tpu.vector_load %arg9[%swap3A_173] {strides = array<i32>} : memref<128xi32, #tpu.memory_space<vmem>>, vector<16xi32>,
    %swap3A_175 = vector.shape_cast %swap3A_174 : vector<16xi32> to vector<16xi32>
    %swap3A_176 = vector.shape_cast %get3A_172 : vector<16xi32> to vector<16xi32>
    tpu.vector_store %arg9[%swap3A_173], %swap3A_176 {strides = array<i32>} : memref<128xi32, #tpu.memory_space<vmem>>, vector<16xi32>,
    %get3A_177 = arith.constant 1 : i32
    %get3A_178 = arith.index_cast %get3A_177 : i32 to index
    %get3A_179 = arith.constant 192 : index
    %get3A_180 = tpu.vector_load %arg5[%get3A_178, %get3A_179] {strides = array<i32>} : memref<2x768xi32, #tpu.memory_space<vmem>>, vector<1x16xi32>,
    %get3A_181 = vector.shape_cast %get3A_180 : vector<1x16xi32> to vector<16xi32>
    %swap3A_182 = arith.constant 64 : index
    %swap3A_183 = tpu.vector_load %arg9[%swap3A_182] {strides = array<i32>} : memref<128xi32, #tpu.memory_space<vmem>>, vector<16xi32>,
    %swap3A_184 = vector.shape_cast %swap3A_183 : vector<16xi32> to vector<16xi32>
    %swap3A_185 = vector.shape_cast %get3A_181 : vector<16xi32> to vector<16xi32>
    tpu.vector_store %arg9[%swap3A_182], %swap3A_185 {strides = array<i32>} : memref<128xi32, #tpu.memory_space<vmem>>, vector<16xi32>,
    %get3A_186 = arith.constant 1 : i32
    %get3A_187 = arith.index_cast %get3A_186 : i32 to index
    %get3A_188 = arith.constant 208 : index
    %get3A_189 = tpu.vector_load %arg5[%get3A_187, %get3A_188] {strides = array<i32>} : memref<2x768xi32, #tpu.memory_space<vmem>>, vector<1x16xi32>,
    %get3A_190 = vector.shape_cast %get3A_189 : vector<1x16xi32> to vector<16xi32>
    %swap3A_191 = arith.constant 80 : index
    %swap3A_192 = tpu.vector_load %arg9[%swap3A_191] {strides = array<i32>} : memref<128xi32, #tpu.memory_space<vmem>>, vector<16xi32>,
    %swap3A_193 = vector.shape_cast %swap3A_192 : vector<16xi32> to vector<16xi32>
    %swap3A_194 = vector.shape_cast %get3A_190 : vector<16xi32> to vector<16xi32>
    tpu.vector_store %arg9[%swap3A_191], %swap3A_194 {strides = array<i32>} : memref<128xi32, #tpu.memory_space<vmem>>, vector<16xi32>,
    %get3A_195 = arith.constant 1 : i32
    %get3A_196 = arith.index_cast %get3A_195 : i32 to index
    %get3A_197 = arith.constant 224 : index
    %get3A_198 = tpu.vector_load %arg5[%get3A_196, %get3A_197] {strides = array<i32>} : memref<2x768xi32, #tpu.memory_space<vmem>>, vector<1x16xi32>,
    %get3A_199 = vector.shape_cast %get3A_198 : vector<1x16xi32> to vector<16xi32>
    %swap3A_200 = arith.constant 96 : index
    %swap3A_201 = tpu.vector_load %arg9[%swap3A_200] {strides = array<i32>} : memref<128xi32, #tpu.memory_space<vmem>>, vector<16xi32>,
    %swap3A_202 = vector.shape_cast %swap3A_201 : vector<16xi32> to vector<16xi32>
    %swap3A_203 = vector.shape_cast %get3A_199 : vector<16xi32> to vector<16xi32>
    tpu.vector_store %arg9[%swap3A_200], %swap3A_203 {strides = array<i32>} : memref<128xi32, #tpu.memory_space<vmem>>, vector<16xi32>,
    %get3A_204 = arith.constant 1 : i32
    %get3A_205 = arith.index_cast %get3A_204 : i32 to index
    %get3A_206 = arith.constant 240 : index
    %get3A_207 = tpu.vector_load %arg5[%get3A_205, %get3A_206] {strides = array<i32>} : memref<2x768xi32, #tpu.memory_space<vmem>>, vector<1x16xi32>,
    %get3A_208 = vector.shape_cast %get3A_207 : vector<1x16xi32> to vector<16xi32>
    %swap3A_209 = arith.constant 112 : index
    %swap3A_210 = tpu.vector_load %arg9[%swap3A_209] {strides = array<i32>} : memref<128xi32, #tpu.memory_space<vmem>>, vector<16xi32>,
    %swap3A_211 = vector.shape_cast %swap3A_210 : vector<16xi32> to vector<16xi32>
    %swap3A_212 = vector.shape_cast %get3A_208 : vector<16xi32> to vector<16xi32>
    tpu.vector_store %arg9[%swap3A_209], %swap3A_212 {strides = array<i32>} : memref<128xi32, #tpu.memory_space<vmem>>, vector<16xi32>,
    %dma_wait3A_213 = arith.constant 0 : i32
    %dma_wait3A_214 = arith.constant 0 : i32
    %dma_wait3A_215 = tpu.memref_slice %arg2[%dma_wait3A_213, %dma_wait3A_214] : memref<10000x128xf32, #tpu.memory_space<hbm>> -> memref<128x128xf32, #tpu.memory_space<hbm>>
    %dma_wait3A_216 = arith.constant 0 : i32
    %dma_wait3A_217 = arith.constant 0 : i32
    %dma_wait3A_218 = tpu.memref_slice %arg2[%dma_wait3A_216, %dma_wait3A_217] : memref<10000x128xf32, #tpu.memory_space<hbm>> -> memref<128x128xf32, #tpu.memory_space<hbm>>
    tpu.wait_dma2 semaphore(%arg15 : memref<!tpu.dma_semaphore, #tpu.memory_space<semaphore_mem>>) src(%dma_wait3A_218 : memref<128x128xf32, #tpu.memory_space<hbm>>) dst(%arg8 : memref<128x128xf32, #tpu.memory_space<vmem>>)
    "tpu.region"() ({
      %run_scoped3A = tpu.sem_alloc : memref<!tpu.dma_semaphore, #tpu.memory_space<semaphore_mem>>
      %dma_start3A_568 = arith.constant 0 : i32
      %dma_start3A_569 = arith.constant 0 : i32
      %dma_start3A_570 = tpu.memref_slice %arg11[%dma_start3A_568, %dma_start3A_569] : memref<10000x128xf32, #tpu.memory_space<vmem_shared>> -> memref<10000x128xf32, #tpu.memory_space<vmem_shared>>
      tpu.enqueue_indirect_dma source(%arg8 : memref<128x128xf32, #tpu.memory_space<vmem>>) target(%dma_start3A_570 : memref<10000x128xf32, #tpu.memory_space<vmem_shared>>) offsets(%arg9 : memref<128xi32, #tpu.memory_space<vmem>>) semaphore(%run_scoped3A : memref<!tpu.dma_semaphore, #tpu.memory_space<semaphore_mem>>) {add = true}
      %dma_wait3A_571 = arith.constant 0 : i32
      %dma_wait3A_572 = arith.constant 0 : i32
      %dma_wait3A_573 = tpu.memref_slice %arg11[%dma_wait3A_571, %dma_wait3A_572] : memref<10000x128xf32, #tpu.memory_space<vmem_shared>> -> memref<10000x128xf32, #tpu.memory_space<vmem_shared>>
      tpu.wait_indirect_dma semaphore(%run_scoped3A : memref<!tpu.dma_semaphore, #tpu.memory_space<semaphore_mem>>) src(%arg8 : memref<128x128xf32, #tpu.memory_space<vmem>>) dst(%dma_wait3A_573 : memref<10000x128xf32, #tpu.memory_space<vmem_shared>>)
      tpu.yield
    }) : () -> ()
    %dma_start3A_219 = arith.constant 0 : i32
    %dma_start3A_220 = arith.constant 384 : i32
    %dma_start3A_221 = tpu.memref_slice %arg5[%dma_start3A_219, %dma_start3A_220] : memref<2x768xi32, #tpu.memory_space<vmem>> -> memref<1x128xi32, #tpu.memory_space<vmem>>
    %dma_start3A_222 = tpu.memref_squeeze %dma_start3A_221 : memref<1x128xi32, #tpu.memory_space<vmem>> -> memref<128xi32, #tpu.memory_space<vmem>>
    %dma_start3A_223 = arith.constant 0 : i32
    %dma_start3A_224 = arith.constant 0 : i32
    %dma_start3A_225 = tpu.memref_slice %arg2[%dma_start3A_223, %dma_start3A_224] : memref<10000x128xf32, #tpu.memory_space<hbm>> -> memref<10000x128xf32, #tpu.memory_space<hbm>>
    tpu.enqueue_indirect_dma source(%dma_start3A_225 : memref<10000x128xf32, #tpu.memory_space<hbm>>) target(%arg8 : memref<128x128xf32, #tpu.memory_space<vmem>>) offsets(%dma_start3A_222 : memref<128xi32, #tpu.memory_space<vmem>>) semaphore(%arg15 : memref<!tpu.dma_semaphore, #tpu.memory_space<semaphore_mem>>)
    %get3A_226 = arith.constant 1 : i32
    %get3A_227 = arith.index_cast %get3A_226 : i32 to index
    %get3A_228 = arith.constant 256 : index
    %get3A_229 = tpu.vector_load %arg5[%get3A_227, %get3A_228] {strides = array<i32>} : memref<2x768xi32, #tpu.memory_space<vmem>>, vector<1x16xi32>,
    %get3A_230 = vector.shape_cast %get3A_229 : vector<1x16xi32> to vector<16xi32>
    %swap3A_231 = arith.constant 0 : index
    %swap3A_232 = tpu.vector_load %arg9[%swap3A_231] {strides = array<i32>} : memref<128xi32, #tpu.memory_space<vmem>>, vector<16xi32>,
    %swap3A_233 = vector.shape_cast %swap3A_232 : vector<16xi32> to vector<16xi32>
    %swap3A_234 = vector.shape_cast %get3A_230 : vector<16xi32> to vector<16xi32>
    tpu.vector_store %arg9[%swap3A_231], %swap3A_234 {strides = array<i32>} : memref<128xi32, #tpu.memory_space<vmem>>, vector<16xi32>,
    %get3A_235 = arith.constant 1 : i32
    %get3A_236 = arith.index_cast %get3A_235 : i32 to index
    %get3A_237 = arith.constant 272 : index
    %get3A_238 = tpu.vector_load %arg5[%get3A_236, %get3A_237] {strides = array<i32>} : memref<2x768xi32, #tpu.memory_space<vmem>>, vector<1x16xi32>,
    %get3A_239 = vector.shape_cast %get3A_238 : vector<1x16xi32> to vector<16xi32>
    %swap3A_240 = arith.constant 16 : index
    %swap3A_241 = tpu.vector_load %arg9[%swap3A_240] {strides = array<i32>} : memref<128xi32, #tpu.memory_space<vmem>>, vector<16xi32>,
    %swap3A_242 = vector.shape_cast %swap3A_241 : vector<16xi32> to vector<16xi32>
    %swap3A_243 = vector.shape_cast %get3A_239 : vector<16xi32> to vector<16xi32>
    tpu.vector_store %arg9[%swap3A_240], %swap3A_243 {strides = array<i32>} : memref<128xi32, #tpu.memory_space<vmem>>, vector<16xi32>,
    %get3A_244 = arith.constant 1 : i32
    %get3A_245 = arith.index_cast %get3A_244 : i32 to index
    %get3A_246 = arith.constant 288 : index
    %get3A_247 = tpu.vector_load %arg5[%get3A_245, %get3A_246] {strides = array<i32>} : memref<2x768xi32, #tpu.memory_space<vmem>>, vector<1x16xi32>,
    %get3A_248 = vector.shape_cast %get3A_247 : vector<1x16xi32> to vector<16xi32>
    %swap3A_249 = arith.constant 32 : index
    %swap3A_250 = tpu.vector_load %arg9[%swap3A_249] {strides = array<i32>} : memref<128xi32, #tpu.memory_space<vmem>>, vector<16xi32>,
    %swap3A_251 = vector.shape_cast %swap3A_250 : vector<16xi32> to vector<16xi32>
    %swap3A_252 = vector.shape_cast %get3A_248 : vector<16xi32> to vector<16xi32>
    tpu.vector_store %arg9[%swap3A_249], %swap3A_252 {strides = array<i32>} : memref<128xi32, #tpu.memory_space<vmem>>, vector<16xi32>,
    %get3A_253 = arith.constant 1 : i32
    %get3A_254 = arith.index_cast %get3A_253 : i32 to index
    %get3A_255 = arith.constant 304 : index
    %get3A_256 = tpu.vector_load %arg5[%get3A_254, %get3A_255] {strides = array<i32>} : memref<2x768xi32, #tpu.memory_space<vmem>>, vector<1x16xi32>,
    %get3A_257 = vector.shape_cast %get3A_256 : vector<1x16xi32> to vector<16xi32>
    %swap3A_258 = arith.constant 48 : index
    %swap3A_259 = tpu.vector_load %arg9[%swap3A_258] {strides = array<i32>} : memref<128xi32, #tpu.memory_space<vmem>>, vector<16xi32>,
    %swap3A_260 = vector.shape_cast %swap3A_259 : vector<16xi32> to vector<16xi32>
    %swap3A_261 = vector.shape_cast %get3A_257 : vector<16xi32> to vector<16xi32>
    tpu.vector_store %arg9[%swap3A_258], %swap3A_261 {strides = array<i32>} : memref<128xi32, #tpu.memory_space<vmem>>, vector<16xi32>,
    %get3A_262 = arith.constant 1 : i32
    %get3A_263 = arith.index_cast %get3A_262 : i32 to index
    %get3A_264 = arith.constant 320 : index
    %get3A_265 = tpu.vector_load %arg5[%get3A_263, %get3A_264] {strides = array<i32>} : memref<2x768xi32, #tpu.memory_space<vmem>>, vector<1x16xi32>,
    %get3A_266 = vector.shape_cast %get3A_265 : vector<1x16xi32> to vector<16xi32>
    %swap3A_267 = arith.constant 64 : index
    %swap3A_268 = tpu.vector_load %arg9[%swap3A_267] {strides = array<i32>} : memref<128xi32, #tpu.memory_space<vmem>>, vector<16xi32>,
    %swap3A_269 = vector.shape_cast %swap3A_268 : vector<16xi32> to vector<16xi32>
    %swap3A_270 = vector.shape_cast %get3A_266 : vector<16xi32> to vector<16xi32>
    tpu.vector_store %arg9[%swap3A_267], %swap3A_270 {strides = array<i32>} : memref<128xi32, #tpu.memory_space<vmem>>, vector<16xi32>,
    %get3A_271 = arith.constant 1 : i32
    %get3A_272 = arith.index_cast %get3A_271 : i32 to index
    %get3A_273 = arith.constant 336 : index
    %get3A_274 = tpu.vector_load %arg5[%get3A_272, %get3A_273] {strides = array<i32>} : memref<2x768xi32, #tpu.memory_space<vmem>>, vector<1x16xi32>,
    %get3A_275 = vector.shape_cast %get3A_274 : vector<1x16xi32> to vector<16xi32>
    %swap3A_276 = arith.constant 80 : index
    %swap3A_277 = tpu.vector_load %arg9[%swap3A_276] {strides = array<i32>} : memref<128xi32, #tpu.memory_space<vmem>>, vector<16xi32>,
    %swap3A_278 = vector.shape_cast %swap3A_277 : vector<16xi32> to vector<16xi32>
    %swap3A_279 = vector.shape_cast %get3A_275 : vector<16xi32> to vector<16xi32>
    tpu.vector_store %arg9[%swap3A_276], %swap3A_279 {strides = array<i32>} : memref<128xi32, #tpu.memory_space<vmem>>, vector<16xi32>,
    %get3A_280 = arith.constant 1 : i32
    %get3A_281 = arith.index_cast %get3A_280 : i32 to index
    %get3A_282 = arith.constant 352 : index
    %get3A_283 = tpu.vector_load %arg5[%get3A_281, %get3A_282] {strides = array<i32>} : memref<2x768xi32, #tpu.memory_space<vmem>>, vector<1x16xi32>,
    %get3A_284 = vector.shape_cast %get3A_283 : vector<1x16xi32> to vector<16xi32>
    %swap3A_285 = arith.constant 96 : index
    %swap3A_286 = tpu.vector_load %arg9[%swap3A_285] {strides = array<i32>} : memref<128xi32, #tpu.memory_space<vmem>>, vector<16xi32>,
    %swap3A_287 = vector.shape_cast %swap3A_286 : vector<16xi32> to vector<16xi32>
    %swap3A_288 = vector.shape_cast %get3A_284 : vector<16xi32> to vector<16xi32>
    tpu.vector_store %arg9[%swap3A_285], %swap3A_288 {strides = array<i32>} : memref<128xi32, #tpu.memory_space<vmem>>, vector<16xi32>,
    %get3A_289 = arith.constant 1 : i32
    %get3A_290 = arith.index_cast %get3A_289 : i32 to index
    %get3A_291 = arith.constant 368 : index
    %get3A_292 = tpu.vector_load %arg5[%get3A_290, %get3A_291] {strides = array<i32>} : memref<2x768xi32, #tpu.memory_space<vmem>>, vector<1x16xi32>,
    %get3A_293 = vector.shape_cast %get3A_292 : vector<1x16xi32> to vector<16xi32>
    %swap3A_294 = arith.constant 112 : index
    %swap3A_295 = tpu.vector_load %arg9[%swap3A_294] {strides = array<i32>} : memref<128xi32, #tpu.memory_space<vmem>>, vector<16xi32>,
    %swap3A_296 = vector.shape_cast %swap3A_295 : vector<16xi32> to vector<16xi32>
    %swap3A_297 = vector.shape_cast %get3A_293 : vector<16xi32> to vector<16xi32>
    tpu.vector_store %arg9[%swap3A_294], %swap3A_297 {strides = array<i32>} : memref<128xi32, #tpu.memory_space<vmem>>, vector<16xi32>,
    %dma_wait3A_298 = arith.constant 0 : i32
    %dma_wait3A_299 = arith.constant 0 : i32
    %dma_wait3A_300 = tpu.memref_slice %arg2[%dma_wait3A_298, %dma_wait3A_299] : memref<10000x128xf32, #tpu.memory_space<hbm>> -> memref<128x128xf32, #tpu.memory_space<hbm>>
    %dma_wait3A_301 = arith.constant 0 : i32
    %dma_wait3A_302 = arith.constant 0 : i32
    %dma_wait3A_303 = tpu.memref_slice %arg2[%dma_wait3A_301, %dma_wait3A_302] : memref<10000x128xf32, #tpu.memory_space<hbm>> -> memref<128x128xf32, #tpu.memory_space<hbm>>
    tpu.wait_dma2 semaphore(%arg14 : memref<!tpu.dma_semaphore, #tpu.memory_space<semaphore_mem>>) src(%dma_wait3A_303 : memref<128x128xf32, #tpu.memory_space<hbm>>) dst(%arg7 : memref<128x128xf32, #tpu.memory_space<vmem>>)
    "tpu.region"() ({
      %run_scoped3A = tpu.sem_alloc : memref<!tpu.dma_semaphore, #tpu.memory_space<semaphore_mem>>
      %dma_start3A_568 = arith.constant 0 : i32
      %dma_start3A_569 = arith.constant 0 : i32
      %dma_start3A_570 = tpu.memref_slice %arg11[%dma_start3A_568, %dma_start3A_569] : memref<10000x128xf32, #tpu.memory_space<vmem_shared>> -> memref<10000x128xf32, #tpu.memory_space<vmem_shared>>
      tpu.enqueue_indirect_dma source(%arg7 : memref<128x128xf32, #tpu.memory_space<vmem>>) target(%dma_start3A_570 : memref<10000x128xf32, #tpu.memory_space<vmem_shared>>) offsets(%arg9 : memref<128xi32, #tpu.memory_space<vmem>>) semaphore(%run_scoped3A : memref<!tpu.dma_semaphore, #tpu.memory_space<semaphore_mem>>) {add = true}
      %dma_wait3A_571 = arith.constant 0 : i32
      %dma_wait3A_572 = arith.constant 0 : i32
      %dma_wait3A_573 = tpu.memref_slice %arg11[%dma_wait3A_571, %dma_wait3A_572] : memref<10000x128xf32, #tpu.memory_space<vmem_shared>> -> memref<10000x128xf32, #tpu.memory_space<vmem_shared>>
      tpu.wait_indirect_dma semaphore(%run_scoped3A : memref<!tpu.dma_semaphore, #tpu.memory_space<semaphore_mem>>) src(%arg7 : memref<128x128xf32, #tpu.memory_space<vmem>>) dst(%dma_wait3A_573 : memref<10000x128xf32, #tpu.memory_space<vmem_shared>>)
      tpu.yield
    }) : () -> ()
    %dma_start3A_304 = arith.constant 0 : i32
    %dma_start3A_305 = arith.constant 512 : i32
    %dma_start3A_306 = tpu.memref_slice %arg5[%dma_start3A_304, %dma_start3A_305] : memref<2x768xi32, #tpu.memory_space<vmem>> -> memref<1x128xi32, #tpu.memory_space<vmem>>
    %dma_start3A_307 = tpu.memref_squeeze %dma_start3A_306 : memref<1x128xi32, #tpu.memory_space<vmem>> -> memref<128xi32, #tpu.memory_space<vmem>>
    %dma_start3A_308 = arith.constant 0 : i32
    %dma_start3A_309 = arith.constant 0 : i32
    %dma_start3A_310 = tpu.memref_slice %arg2[%dma_start3A_308, %dma_start3A_309] : memref<10000x128xf32, #tpu.memory_space<hbm>> -> memref<10000x128xf32, #tpu.memory_space<hbm>>
    tpu.enqueue_indirect_dma source(%dma_start3A_310 : memref<10000x128xf32, #tpu.memory_space<hbm>>) target(%arg7 : memref<128x128xf32, #tpu.memory_space<vmem>>) offsets(%dma_start3A_307 : memref<128xi32, #tpu.memory_space<vmem>>) semaphore(%arg14 : memref<!tpu.dma_semaphore, #tpu.memory_space<semaphore_mem>>)
    %get3A_311 = arith.constant 1 : i32
    %get3A_312 = arith.index_cast %get3A_311 : i32 to index
    %get3A_313 = arith.constant 384 : index
    %get3A_314 = tpu.vector_load %arg5[%get3A_312, %get3A_313] {strides = array<i32>} : memref<2x768xi32, #tpu.memory_space<vmem>>, vector<1x16xi32>,
    %get3A_315 = vector.shape_cast %get3A_314 : vector<1x16xi32> to vector<16xi32>
    %swap3A_316 = arith.constant 0 : index
    %swap3A_317 = tpu.vector_load %arg9[%swap3A_316] {strides = array<i32>} : memref<128xi32, #tpu.memory_space<vmem>>, vector<16xi32>,
    %swap3A_318 = vector.shape_cast %swap3A_317 : vector<16xi32> to vector<16xi32>
    %swap3A_319 = vector.shape_cast %get3A_315 : vector<16xi32> to vector<16xi32>
    tpu.vector_store %arg9[%swap3A_316], %swap3A_319 {strides = array<i32>} : memref<128xi32, #tpu.memory_space<vmem>>, vector<16xi32>,
    %get3A_320 = arith.constant 1 : i32
    %get3A_321 = arith.index_cast %get3A_320 : i32 to index
    %get3A_322 = arith.constant 400 : index
    %get3A_323 = tpu.vector_load %arg5[%get3A_321, %get3A_322] {strides = array<i32>} : memref<2x768xi32, #tpu.memory_space<vmem>>, vector<1x16xi32>,
    %get3A_324 = vector.shape_cast %get3A_323 : vector<1x16xi32> to vector<16xi32>
    %swap3A_325 = arith.constant 16 : index
    %swap3A_326 = tpu.vector_load %arg9[%swap3A_325] {strides = array<i32>} : memref<128xi32, #tpu.memory_space<vmem>>, vector<16xi32>,
    %swap3A_327 = vector.shape_cast %swap3A_326 : vector<16xi32> to vector<16xi32>
    %swap3A_328 = vector.shape_cast %get3A_324 : vector<16xi32> to vector<16xi32>
    tpu.vector_store %arg9[%swap3A_325], %swap3A_328 {strides = array<i32>} : memref<128xi32, #tpu.memory_space<vmem>>, vector<16xi32>,
    %get3A_329 = arith.constant 1 : i32
    %get3A_330 = arith.index_cast %get3A_329 : i32 to index
    %get3A_331 = arith.constant 416 : index
    %get3A_332 = tpu.vector_load %arg5[%get3A_330, %get3A_331] {strides = array<i32>} : memref<2x768xi32, #tpu.memory_space<vmem>>, vector<1x16xi32>,
    %get3A_333 = vector.shape_cast %get3A_332 : vector<1x16xi32> to vector<16xi32>
    %swap3A_334 = arith.constant 32 : index
    %swap3A_335 = tpu.vector_load %arg9[%swap3A_334] {strides = array<i32>} : memref<128xi32, #tpu.memory_space<vmem>>, vector<16xi32>,
    %swap3A_336 = vector.shape_cast %swap3A_335 : vector<16xi32> to vector<16xi32>
    %swap3A_337 = vector.shape_cast %get3A_333 : vector<16xi32> to vector<16xi32>
    tpu.vector_store %arg9[%swap3A_334], %swap3A_337 {strides = array<i32>} : memref<128xi32, #tpu.memory_space<vmem>>, vector<16xi32>,
    %get3A_338 = arith.constant 1 : i32
    %get3A_339 = arith.index_cast %get3A_338 : i32 to index
    %get3A_340 = arith.constant 432 : index
    %get3A_341 = tpu.vector_load %arg5[%get3A_339, %get3A_340] {strides = array<i32>} : memref<2x768xi32, #tpu.memory_space<vmem>>, vector<1x16xi32>,
    %get3A_342 = vector.shape_cast %get3A_341 : vector<1x16xi32> to vector<16xi32>
    %swap3A_343 = arith.constant 48 : index
    %swap3A_344 = tpu.vector_load %arg9[%swap3A_343] {strides = array<i32>} : memref<128xi32, #tpu.memory_space<vmem>>, vector<16xi32>,
    %swap3A_345 = vector.shape_cast %swap3A_344 : vector<16xi32> to vector<16xi32>
    %swap3A_346 = vector.shape_cast %get3A_342 : vector<16xi32> to vector<16xi32>
    tpu.vector_store %arg9[%swap3A_343], %swap3A_346 {strides = array<i32>} : memref<128xi32, #tpu.memory_space<vmem>>, vector<16xi32>,
    %get3A_347 = arith.constant 1 : i32
    %get3A_348 = arith.index_cast %get3A_347 : i32 to index
    %get3A_349 = arith.constant 448 : index
    %get3A_350 = tpu.vector_load %arg5[%get3A_348, %get3A_349] {strides = array<i32>} : memref<2x768xi32, #tpu.memory_space<vmem>>, vector<1x16xi32>,
    %get3A_351 = vector.shape_cast %get3A_350 : vector<1x16xi32> to vector<16xi32>
    %swap3A_352 = arith.constant 64 : index
    %swap3A_353 = tpu.vector_load %arg9[%swap3A_352] {strides = array<i32>} : memref<128xi32, #tpu.memory_space<vmem>>, vector<16xi32>,
    %swap3A_354 = vector.shape_cast %swap3A_353 : vector<16xi32> to vector<16xi32>
    %swap3A_355 = vector.shape_cast %get3A_351 : vector<16xi32> to vector<16xi32>
    tpu.vector_store %arg9[%swap3A_352], %swap3A_355 {strides = array<i32>} : memref<128xi32, #tpu.memory_space<vmem>>, vector<16xi32>,
    %get3A_356 = arith.constant 1 : i32
    %get3A_357 = arith.index_cast %get3A_356 : i32 to index
    %get3A_358 = arith.constant 464 : index
    %get3A_359 = tpu.vector_load %arg5[%get3A_357, %get3A_358] {strides = array<i32>} : memref<2x768xi32, #tpu.memory_space<vmem>>, vector<1x16xi32>,
    %get3A_360 = vector.shape_cast %get3A_359 : vector<1x16xi32> to vector<16xi32>
    %swap3A_361 = arith.constant 80 : index
    %swap3A_362 = tpu.vector_load %arg9[%swap3A_361] {strides = array<i32>} : memref<128xi32, #tpu.memory_space<vmem>>, vector<16xi32>,
    %swap3A_363 = vector.shape_cast %swap3A_362 : vector<16xi32> to vector<16xi32>
    %swap3A_364 = vector.shape_cast %get3A_360 : vector<16xi32> to vector<16xi32>
    tpu.vector_store %arg9[%swap3A_361], %swap3A_364 {strides = array<i32>} : memref<128xi32, #tpu.memory_space<vmem>>, vector<16xi32>,
    %get3A_365 = arith.constant 1 : i32
    %get3A_366 = arith.index_cast %get3A_365 : i32 to index
    %get3A_367 = arith.constant 480 : index
    %get3A_368 = tpu.vector_load %arg5[%get3A_366, %get3A_367] {strides = array<i32>} : memref<2x768xi32, #tpu.memory_space<vmem>>, vector<1x16xi32>,
    %get3A_369 = vector.shape_cast %get3A_368 : vector<1x16xi32> to vector<16xi32>
    %swap3A_370 = arith.constant 96 : index
    %swap3A_371 = tpu.vector_load %arg9[%swap3A_370] {strides = array<i32>} : memref<128xi32, #tpu.memory_space<vmem>>, vector<16xi32>,
    %swap3A_372 = vector.shape_cast %swap3A_371 : vector<16xi32> to vector<16xi32>
    %swap3A_373 = vector.shape_cast %get3A_369 : vector<16xi32> to vector<16xi32>
    tpu.vector_store %arg9[%swap3A_370], %swap3A_373 {strides = array<i32>} : memref<128xi32, #tpu.memory_space<vmem>>, vector<16xi32>,
    %get3A_374 = arith.constant 1 : i32
    %get3A_375 = arith.index_cast %get3A_374 : i32 to index
    %get3A_376 = arith.constant 496 : index
    %get3A_377 = tpu.vector_load %arg5[%get3A_375, %get3A_376] {strides = array<i32>} : memref<2x768xi32, #tpu.memory_space<vmem>>, vector<1x16xi32>,
    %get3A_378 = vector.shape_cast %get3A_377 : vector<1x16xi32> to vector<16xi32>
    %swap3A_379 = arith.constant 112 : index
    %swap3A_380 = tpu.vector_load %arg9[%swap3A_379] {strides = array<i32>} : memref<128xi32, #tpu.memory_space<vmem>>, vector<16xi32>,
    %swap3A_381 = vector.shape_cast %swap3A_380 : vector<16xi32> to vector<16xi32>
    %swap3A_382 = vector.shape_cast %get3A_378 : vector<16xi32> to vector<16xi32>
    tpu.vector_store %arg9[%swap3A_379], %swap3A_382 {strides = array<i32>} : memref<128xi32, #tpu.memory_space<vmem>>, vector<16xi32>,
    %dma_wait3A_383 = arith.constant 0 : i32
    %dma_wait3A_384 = arith.constant 0 : i32
    %dma_wait3A_385 = tpu.memref_slice %arg2[%dma_wait3A_383, %dma_wait3A_384] : memref<10000x128xf32, #tpu.memory_space<hbm>> -> memref<128x128xf32, #tpu.memory_space<hbm>>
    %dma_wait3A_386 = arith.constant 0 : i32
    %dma_wait3A_387 = arith.constant 0 : i32
    %dma_wait3A_388 = tpu.memref_slice %arg2[%dma_wait3A_386, %dma_wait3A_387] : memref<10000x128xf32, #tpu.memory_space<hbm>> -> memref<128x128xf32, #tpu.memory_space<hbm>>
    tpu.wait_dma2 semaphore(%arg15 : memref<!tpu.dma_semaphore, #tpu.memory_space<semaphore_mem>>) src(%dma_wait3A_388 : memref<128x128xf32, #tpu.memory_space<hbm>>) dst(%arg8 : memref<128x128xf32, #tpu.memory_space<vmem>>)
    "tpu.region"() ({
      %run_scoped3A = tpu.sem_alloc : memref<!tpu.dma_semaphore, #tpu.memory_space<semaphore_mem>>
      %dma_start3A_568 = arith.constant 0 : i32
      %dma_start3A_569 = arith.constant 0 : i32
      %dma_start3A_570 = tpu.memref_slice %arg11[%dma_start3A_568, %dma_start3A_569] : memref<10000x128xf32, #tpu.memory_space<vmem_shared>> -> memref<10000x128xf32, #tpu.memory_space<vmem_shared>>
      tpu.enqueue_indirect_dma source(%arg8 : memref<128x128xf32, #tpu.memory_space<vmem>>) target(%dma_start3A_570 : memref<10000x128xf32, #tpu.memory_space<vmem_shared>>) offsets(%arg9 : memref<128xi32, #tpu.memory_space<vmem>>) semaphore(%run_scoped3A : memref<!tpu.dma_semaphore, #tpu.memory_space<semaphore_mem>>) {add = true}
      %dma_wait3A_571 = arith.constant 0 : i32
      %dma_wait3A_572 = arith.constant 0 : i32
      %dma_wait3A_573 = tpu.memref_slice %arg11[%dma_wait3A_571, %dma_wait3A_572] : memref<10000x128xf32, #tpu.memory_space<vmem_shared>> -> memref<10000x128xf32, #tpu.memory_space<vmem_shared>>
      tpu.wait_indirect_dma semaphore(%run_scoped3A : memref<!tpu.dma_semaphore, #tpu.memory_space<semaphore_mem>>) src(%arg8 : memref<128x128xf32, #tpu.memory_space<vmem>>) dst(%dma_wait3A_573 : memref<10000x128xf32, #tpu.memory_space<vmem_shared>>)
      tpu.yield
    }) : () -> ()
    %dma_start3A_389 = arith.constant 0 : i32
    %dma_start3A_390 = arith.constant 640 : i32
    %dma_start3A_391 = tpu.memref_slice %arg5[%dma_start3A_389, %dma_start3A_390] : memref<2x768xi32, #tpu.memory_space<vmem>> -> memref<1x128xi32, #tpu.memory_space<vmem>>
    %dma_start3A_392 = tpu.memref_squeeze %dma_start3A_391 : memref<1x128xi32, #tpu.memory_space<vmem>> -> memref<128xi32, #tpu.memory_space<vmem>>
    %dma_start3A_393 = arith.constant 0 : i32
    %dma_start3A_394 = arith.constant 0 : i32
    %dma_start3A_395 = tpu.memref_slice %arg2[%dma_start3A_393, %dma_start3A_394] : memref<10000x128xf32, #tpu.memory_space<hbm>> -> memref<10000x128xf32, #tpu.memory_space<hbm>>
    tpu.enqueue_indirect_dma source(%dma_start3A_395 : memref<10000x128xf32, #tpu.memory_space<hbm>>) target(%arg8 : memref<128x128xf32, #tpu.memory_space<vmem>>) offsets(%dma_start3A_392 : memref<128xi32, #tpu.memory_space<vmem>>) semaphore(%arg15 : memref<!tpu.dma_semaphore, #tpu.memory_space<semaphore_mem>>)
    %get3A_396 = arith.constant 1 : i32
    %get3A_397 = arith.index_cast %get3A_396 : i32 to index
    %get3A_398 = arith.constant 512 : index
    %get3A_399 = tpu.vector_load %arg5[%get3A_397, %get3A_398] {strides = array<i32>} : memref<2x768xi32, #tpu.memory_space<vmem>>, vector<1x16xi32>,
    %get3A_400 = vector.shape_cast %get3A_399 : vector<1x16xi32> to vector<16xi32>
    %swap3A_401 = arith.constant 0 : index
    %swap3A_402 = tpu.vector_load %arg9[%swap3A_401] {strides = array<i32>} : memref<128xi32, #tpu.memory_space<vmem>>, vector<16xi32>,
    %swap3A_403 = vector.shape_cast %swap3A_402 : vector<16xi32> to vector<16xi32>
    %swap3A_404 = vector.shape_cast %get3A_400 : vector<16xi32> to vector<16xi32>
    tpu.vector_store %arg9[%swap3A_401], %swap3A_404 {strides = array<i32>} : memref<128xi32, #tpu.memory_space<vmem>>, vector<16xi32>,
    %get3A_405 = arith.constant 1 : i32
    %get3A_406 = arith.index_cast %get3A_405 : i32 to index
    %get3A_407 = arith.constant 528 : index
    %get3A_408 = tpu.vector_load %arg5[%get3A_406, %get3A_407] {strides = array<i32>} : memref<2x768xi32, #tpu.memory_space<vmem>>, vector<1x16xi32>,
    %get3A_409 = vector.shape_cast %get3A_408 : vector<1x16xi32> to vector<16xi32>
    %swap3A_410 = arith.constant 16 : index
    %swap3A_411 = tpu.vector_load %arg9[%swap3A_410] {strides = array<i32>} : memref<128xi32, #tpu.memory_space<vmem>>, vector<16xi32>,
    %swap3A_412 = vector.shape_cast %swap3A_411 : vector<16xi32> to vector<16xi32>
    %swap3A_413 = vector.shape_cast %get3A_409 : vector<16xi32> to vector<16xi32>
    tpu.vector_store %arg9[%swap3A_410], %swap3A_413 {strides = array<i32>} : memref<128xi32, #tpu.memory_space<vmem>>, vector<16xi32>,
    %get3A_414 = arith.constant 1 : i32
    %get3A_415 = arith.index_cast %get3A_414 : i32 to index
    %get3A_416 = arith.constant 544 : index
    %get3A_417 = tpu.vector_load %arg5[%get3A_415, %get3A_416] {strides = array<i32>} : memref<2x768xi32, #tpu.memory_space<vmem>>, vector<1x16xi32>,
    %get3A_418 = vector.shape_cast %get3A_417 : vector<1x16xi32> to vector<16xi32>
    %swap3A_419 = arith.constant 32 : index
    %swap3A_420 = tpu.vector_load %arg9[%swap3A_419] {strides = array<i32>} : memref<128xi32, #tpu.memory_space<vmem>>, vector<16xi32>,
    %swap3A_421 = vector.shape_cast %swap3A_420 : vector<16xi32> to vector<16xi32>
    %swap3A_422 = vector.shape_cast %get3A_418 : vector<16xi32> to vector<16xi32>
    tpu.vector_store %arg9[%swap3A_419], %swap3A_422 {strides = array<i32>} : memref<128xi32, #tpu.memory_space<vmem>>, vector<16xi32>,
    %get3A_423 = arith.constant 1 : i32
    %get3A_424 = arith.index_cast %get3A_423 : i32 to index
    %get3A_425 = arith.constant 560 : index
    %get3A_426 = tpu.vector_load %arg5[%get3A_424, %get3A_425] {strides = array<i32>} : memref<2x768xi32, #tpu.memory_space<vmem>>, vector<1x16xi32>,
    %get3A_427 = vector.shape_cast %get3A_426 : vector<1x16xi32> to vector<16xi32>
    %swap3A_428 = arith.constant 48 : index
    %swap3A_429 = tpu.vector_load %arg9[%swap3A_428] {strides = array<i32>} : memref<128xi32, #tpu.memory_space<vmem>>, vector<16xi32>,
    %swap3A_430 = vector.shape_cast %swap3A_429 : vector<16xi32> to vector<16xi32>
    %swap3A_431 = vector.shape_cast %get3A_427 : vector<16xi32> to vector<16xi32>
    tpu.vector_store %arg9[%swap3A_428], %swap3A_431 {strides = array<i32>} : memref<128xi32, #tpu.memory_space<vmem>>, vector<16xi32>,
    %get3A_432 = arith.constant 1 : i32
    %get3A_433 = arith.index_cast %get3A_432 : i32 to index
    %get3A_434 = arith.constant 576 : index
    %get3A_435 = tpu.vector_load %arg5[%get3A_433, %get3A_434] {strides = array<i32>} : memref<2x768xi32, #tpu.memory_space<vmem>>, vector<1x16xi32>,
    %get3A_436 = vector.shape_cast %get3A_435 : vector<1x16xi32> to vector<16xi32>
    %swap3A_437 = arith.constant 64 : index
    %swap3A_438 = tpu.vector_load %arg9[%swap3A_437] {strides = array<i32>} : memref<128xi32, #tpu.memory_space<vmem>>, vector<16xi32>,
    %swap3A_439 = vector.shape_cast %swap3A_438 : vector<16xi32> to vector<16xi32>
    %swap3A_440 = vector.shape_cast %get3A_436 : vector<16xi32> to vector<16xi32>
    tpu.vector_store %arg9[%swap3A_437], %swap3A_440 {strides = array<i32>} : memref<128xi32, #tpu.memory_space<vmem>>, vector<16xi32>,
    %get3A_441 = arith.constant 1 : i32
    %get3A_442 = arith.index_cast %get3A_441 : i32 to index
    %get3A_443 = arith.constant 592 : index
    %get3A_444 = tpu.vector_load %arg5[%get3A_442, %get3A_443] {strides = array<i32>} : memref<2x768xi32, #tpu.memory_space<vmem>>, vector<1x16xi32>,
    %get3A_445 = vector.shape_cast %get3A_444 : vector<1x16xi32> to vector<16xi32>
    %swap3A_446 = arith.constant 80 : index
    %swap3A_447 = tpu.vector_load %arg9[%swap3A_446] {strides = array<i32>} : memref<128xi32, #tpu.memory_space<vmem>>, vector<16xi32>,
    %swap3A_448 = vector.shape_cast %swap3A_447 : vector<16xi32> to vector<16xi32>
    %swap3A_449 = vector.shape_cast %get3A_445 : vector<16xi32> to vector<16xi32>
    tpu.vector_store %arg9[%swap3A_446], %swap3A_449 {strides = array<i32>} : memref<128xi32, #tpu.memory_space<vmem>>, vector<16xi32>,
    %get3A_450 = arith.constant 1 : i32
    %get3A_451 = arith.index_cast %get3A_450 : i32 to index
    %get3A_452 = arith.constant 608 : index
    %get3A_453 = tpu.vector_load %arg5[%get3A_451, %get3A_452] {strides = array<i32>} : memref<2x768xi32, #tpu.memory_space<vmem>>, vector<1x16xi32>,
    %get3A_454 = vector.shape_cast %get3A_453 : vector<1x16xi32> to vector<16xi32>
    %swap3A_455 = arith.constant 96 : index
    %swap3A_456 = tpu.vector_load %arg9[%swap3A_455] {strides = array<i32>} : memref<128xi32, #tpu.memory_space<vmem>>, vector<16xi32>,
    %swap3A_457 = vector.shape_cast %swap3A_456 : vector<16xi32> to vector<16xi32>
    %swap3A_458 = vector.shape_cast %get3A_454 : vector<16xi32> to vector<16xi32>
    tpu.vector_store %arg9[%swap3A_455], %swap3A_458 {strides = array<i32>} : memref<128xi32, #tpu.memory_space<vmem>>, vector<16xi32>,
    %get3A_459 = arith.constant 1 : i32
    %get3A_460 = arith.index_cast %get3A_459 : i32 to index
    %get3A_461 = arith.constant 624 : index
    %get3A_462 = tpu.vector_load %arg5[%get3A_460, %get3A_461] {strides = array<i32>} : memref<2x768xi32, #tpu.memory_space<vmem>>, vector<1x16xi32>,
    %get3A_463 = vector.shape_cast %get3A_462 : vector<1x16xi32> to vector<16xi32>
    %swap3A_464 = arith.constant 112 : index
    %swap3A_465 = tpu.vector_load %arg9[%swap3A_464] {strides = array<i32>} : memref<128xi32, #tpu.memory_space<vmem>>, vector<16xi32>,
    %swap3A_466 = vector.shape_cast %swap3A_465 : vector<16xi32> to vector<16xi32>
    %swap3A_467 = vector.shape_cast %get3A_463 : vector<16xi32> to vector<16xi32>
    tpu.vector_store %arg9[%swap3A_464], %swap3A_467 {strides = array<i32>} : memref<128xi32, #tpu.memory_space<vmem>>, vector<16xi32>,
    %dma_wait3A_468 = arith.constant 0 : i32
    %dma_wait3A_469 = arith.constant 0 : i32
    %dma_wait3A_470 = tpu.memref_slice %arg2[%dma_wait3A_468, %dma_wait3A_469] : memref<10000x128xf32, #tpu.memory_space<hbm>> -> memref<128x128xf32, #tpu.memory_space<hbm>>
    %dma_wait3A_471 = arith.constant 0 : i32
    %dma_wait3A_472 = arith.constant 0 : i32
    %dma_wait3A_473 = tpu.memref_slice %arg2[%dma_wait3A_471, %dma_wait3A_472] : memref<10000x128xf32, #tpu.memory_space<hbm>> -> memref<128x128xf32, #tpu.memory_space<hbm>>
    tpu.wait_dma2 semaphore(%arg14 : memref<!tpu.dma_semaphore, #tpu.memory_space<semaphore_mem>>) src(%dma_wait3A_473 : memref<128x128xf32, #tpu.memory_space<hbm>>) dst(%arg7 : memref<128x128xf32, #tpu.memory_space<vmem>>)
    "tpu.region"() ({
      %run_scoped3A = tpu.sem_alloc : memref<!tpu.dma_semaphore, #tpu.memory_space<semaphore_mem>>
      %dma_start3A_568 = arith.constant 0 : i32
      %dma_start3A_569 = arith.constant 0 : i32
      %dma_start3A_570 = tpu.memref_slice %arg11[%dma_start3A_568, %dma_start3A_569] : memref<10000x128xf32, #tpu.memory_space<vmem_shared>> -> memref<10000x128xf32, #tpu.memory_space<vmem_shared>>
      tpu.enqueue_indirect_dma source(%arg7 : memref<128x128xf32, #tpu.memory_space<vmem>>) target(%dma_start3A_570 : memref<10000x128xf32, #tpu.memory_space<vmem_shared>>) offsets(%arg9 : memref<128xi32, #tpu.memory_space<vmem>>) semaphore(%run_scoped3A : memref<!tpu.dma_semaphore, #tpu.memory_space<semaphore_mem>>) {add = true}
      %dma_wait3A_571 = arith.constant 0 : i32
      %dma_wait3A_572 = arith.constant 0 : i32
      %dma_wait3A_573 = tpu.memref_slice %arg11[%dma_wait3A_571, %dma_wait3A_572] : memref<10000x128xf32, #tpu.memory_space<vmem_shared>> -> memref<10000x128xf32, #tpu.memory_space<vmem_shared>>
      tpu.wait_indirect_dma semaphore(%run_scoped3A : memref<!tpu.dma_semaphore, #tpu.memory_space<semaphore_mem>>) src(%arg7 : memref<128x128xf32, #tpu.memory_space<vmem>>) dst(%dma_wait3A_573 : memref<10000x128xf32, #tpu.memory_space<vmem_shared>>)
      tpu.yield
    }) : () -> ()
    %lt3A_474 = arith.constant 4 : i32
    %lt3A_475 = arith.cmpi slt, %add3A, %lt3A_474 : i32
    %convert_element_type3A_476 = arith.extui %lt3A_475 : i1 to i32
    %cond3A_477 = arith.constant 0 : i32
    %cond3A_478 = arith.cmpi ne, %convert_element_type3A_476, %cond3A_477 : i32
    scf.if %cond3A_478 {
      %dma_wait3A_568 = arith.constant 0 : i32
      %dma_wait3A_569 = arith.constant 0 : i32
      %dma_wait3A_570 = tpu.memref_slice %arg3[%dma_wait3A_568, %dma_wait3A_569] : memref<2x320000xi32, #tpu.memory_space<hbm>> -> memref<2x128xi32, #tpu.memory_space<hbm>>
      %dma_wait3A_571 = arith.constant 0 : i32
      %dma_wait3A_572 = arith.constant 0 : i32
      %dma_wait3A_573 = tpu.memref_slice %arg3[%dma_wait3A_571, %dma_wait3A_572] : memref<2x320000xi32, #tpu.memory_space<hbm>> -> memref<2x128xi32, #tpu.memory_space<hbm>>
      tpu.wait_dma2 semaphore(%arg16 : memref<!tpu.dma_semaphore, #tpu.memory_space<semaphore_mem>>) src(%dma_wait3A_573 : memref<2x128xi32, #tpu.memory_space<hbm>>) dst(%arg10 : memref<2x128xi32, #tpu.memory_space<vmem>>)
      %dma_start3A_574 = arith.constant 0 : i32
      %dma_start3A_575 = arith.constant 0 : i32
      %dma_start3A_576 = tpu.memref_slice %arg10[%dma_start3A_574, %dma_start3A_575] : memref<2x128xi32, #tpu.memory_space<vmem>> -> memref<1x128xi32, #tpu.memory_space<vmem>>
      %dma_start3A_577 = tpu.memref_squeeze %dma_start3A_576 : memref<1x128xi32, #tpu.memory_space<vmem>> -> memref<128xi32, #tpu.memory_space<vmem>>
      %dma_start3A_578 = arith.constant 0 : i32
      %dma_start3A_579 = arith.constant 0 : i32
      %dma_start3A_580 = tpu.memref_slice %arg2[%dma_start3A_578, %dma_start3A_579] : memref<10000x128xf32, #tpu.memory_space<hbm>> -> memref<10000x128xf32, #tpu.memory_space<hbm>>
      tpu.enqueue_indirect_dma source(%dma_start3A_580 : memref<10000x128xf32, #tpu.memory_space<hbm>>) target(%arg7 : memref<128x128xf32, #tpu.memory_space<vmem>>) offsets(%dma_start3A_577 : memref<128xi32, #tpu.memory_space<vmem>>) semaphore(%arg14 : memref<!tpu.dma_semaphore, #tpu.memory_space<semaphore_mem>>)
    } else {
    }
    %get3A_479 = arith.constant 1 : i32
    %get3A_480 = arith.index_cast %get3A_479 : i32 to index
    %get3A_481 = arith.constant 640 : index
    %get3A_482 = tpu.vector_load %arg5[%get3A_480, %get3A_481] {strides = array<i32>} : memref<2x768xi32, #tpu.memory_space<vmem>>, vector<1x16xi32>,
    %get3A_483 = vector.shape_cast %get3A_482 : vector<1x16xi32> to vector<16xi32>
    %swap3A_484 = arith.constant 0 : index
    %swap3A_485 = tpu.vector_load %arg9[%swap3A_484] {strides = array<i32>} : memref<128xi32, #tpu.memory_space<vmem>>, vector<16xi32>,
    %swap3A_486 = vector.shape_cast %swap3A_485 : vector<16xi32> to vector<16xi32>
    %swap3A_487 = vector.shape_cast %get3A_483 : vector<16xi32> to vector<16xi32>
    tpu.vector_store %arg9[%swap3A_484], %swap3A_487 {strides = array<i32>} : memref<128xi32, #tpu.memory_space<vmem>>, vector<16xi32>,
    %get3A_488 = arith.constant 1 : i32
    %get3A_489 = arith.index_cast %get3A_488 : i32 to index
    %get3A_490 = arith.constant 656 : index
    %get3A_491 = tpu.vector_load %arg5[%get3A_489, %get3A_490] {strides = array<i32>} : memref<2x768xi32, #tpu.memory_space<vmem>>, vector<1x16xi32>,
    %get3A_492 = vector.shape_cast %get3A_491 : vector<1x16xi32> to vector<16xi32>
    %swap3A_493 = arith.constant 16 : index
    %swap3A_494 = tpu.vector_load %arg9[%swap3A_493] {strides = array<i32>} : memref<128xi32, #tpu.memory_space<vmem>>, vector<16xi32>,
    %swap3A_495 = vector.shape_cast %swap3A_494 : vector<16xi32> to vector<16xi32>
    %swap3A_496 = vector.shape_cast %get3A_492 : vector<16xi32> to vector<16xi32>
    tpu.vector_store %arg9[%swap3A_493], %swap3A_496 {strides = array<i32>} : memref<128xi32, #tpu.memory_space<vmem>>, vector<16xi32>,
    %get3A_497 = arith.constant 1 : i32
    %get3A_498 = arith.index_cast %get3A_497 : i32 to index
    %get3A_499 = arith.constant 672 : index
    %get3A_500 = tpu.vector_load %arg5[%get3A_498, %get3A_499] {strides = array<i32>} : memref<2x768xi32, #tpu.memory_space<vmem>>, vector<1x16xi32>,
    %get3A_501 = vector.shape_cast %get3A_500 : vector<1x16xi32> to vector<16xi32>
    %swap3A_502 = arith.constant 32 : index
    %swap3A_503 = tpu.vector_load %arg9[%swap3A_502] {strides = array<i32>} : memref<128xi32, #tpu.memory_space<vmem>>, vector<16xi32>,
    %swap3A_504 = vector.shape_cast %swap3A_503 : vector<16xi32> to vector<16xi32>
    %swap3A_505 = vector.shape_cast %get3A_501 : vector<16xi32> to vector<16xi32>
    tpu.vector_store %arg9[%swap3A_502], %swap3A_505 {strides = array<i32>} : memref<128xi32, #tpu.memory_space<vmem>>, vector<16xi32>,
    %get3A_506 = arith.constant 1 : i32
    %get3A_507 = arith.index_cast %get3A_506 : i32 to index
    %get3A_508 = arith.constant 688 : index
    %get3A_509 = tpu.vector_load %arg5[%get3A_507, %get3A_508] {strides = array<i32>} : memref<2x768xi32, #tpu.memory_space<vmem>>, vector<1x16xi32>,
    %get3A_510 = vector.shape_cast %get3A_509 : vector<1x16xi32> to vector<16xi32>
    %swap3A_511 = arith.constant 48 : index
    %swap3A_512 = tpu.vector_load %arg9[%swap3A_511] {strides = array<i32>} : memref<128xi32, #tpu.memory_space<vmem>>, vector<16xi32>,
    %swap3A_513 = vector.shape_cast %swap3A_512 : vector<16xi32> to vector<16xi32>
    %swap3A_514 = vector.shape_cast %get3A_510 : vector<16xi32> to vector<16xi32>
    tpu.vector_store %arg9[%swap3A_511], %swap3A_514 {strides = array<i32>} : memref<128xi32, #tpu.memory_space<vmem>>, vector<16xi32>,
    %get3A_515 = arith.constant 1 : i32
    %get3A_516 = arith.index_cast %get3A_515 : i32 to index
    %get3A_517 = arith.constant 704 : index
    %get3A_518 = tpu.vector_load %arg5[%get3A_516, %get3A_517] {strides = array<i32>} : memref<2x768xi32, #tpu.memory_space<vmem>>, vector<1x16xi32>,
    %get3A_519 = vector.shape_cast %get3A_518 : vector<1x16xi32> to vector<16xi32>
    %swap3A_520 = arith.constant 64 : index
    %swap3A_521 = tpu.vector_load %arg9[%swap3A_520] {strides = array<i32>} : memref<128xi32, #tpu.memory_space<vmem>>, vector<16xi32>,
    %swap3A_522 = vector.shape_cast %swap3A_521 : vector<16xi32> to vector<16xi32>
    %swap3A_523 = vector.shape_cast %get3A_519 : vector<16xi32> to vector<16xi32>
    tpu.vector_store %arg9[%swap3A_520], %swap3A_523 {strides = array<i32>} : memref<128xi32, #tpu.memory_space<vmem>>, vector<16xi32>,
    %get3A_524 = arith.constant 1 : i32
    %get3A_525 = arith.index_cast %get3A_524 : i32 to index
    %get3A_526 = arith.constant 720 : index
    %get3A_527 = tpu.vector_load %arg5[%get3A_525, %get3A_526] {strides = array<i32>} : memref<2x768xi32, #tpu.memory_space<vmem>>, vector<1x16xi32>,
    %get3A_528 = vector.shape_cast %get3A_527 : vector<1x16xi32> to vector<16xi32>
    %swap3A_529 = arith.constant 80 : index
    %swap3A_530 = tpu.vector_load %arg9[%swap3A_529] {strides = array<i32>} : memref<128xi32, #tpu.memory_space<vmem>>, vector<16xi32>,
    %swap3A_531 = vector.shape_cast %swap3A_530 : vector<16xi32> to vector<16xi32>
    %swap3A_532 = vector.shape_cast %get3A_528 : vector<16xi32> to vector<16xi32>
    tpu.vector_store %arg9[%swap3A_529], %swap3A_532 {strides = array<i32>} : memref<128xi32, #tpu.memory_space<vmem>>, vector<16xi32>,
    %get3A_533 = arith.constant 1 : i32
    %get3A_534 = arith.index_cast %get3A_533 : i32 to index
    %get3A_535 = arith.constant 736 : index
    %get3A_536 = tpu.vector_load %arg5[%get3A_534, %get3A_535] {strides = array<i32>} : memref<2x768xi32, #tpu.memory_space<vmem>>, vector<1x16xi32>,
    %get3A_537 = vector.shape_cast %get3A_536 : vector<1x16xi32> to vector<16xi32>
    %swap3A_538 = arith.constant 96 : index
    %swap3A_539 = tpu.vector_load %arg9[%swap3A_538] {strides = array<i32>} : memref<128xi32, #tpu.memory_space<vmem>>, vector<16xi32>,
    %swap3A_540 = vector.shape_cast %swap3A_539 : vector<16xi32> to vector<16xi32>
    %swap3A_541 = vector.shape_cast %get3A_537 : vector<16xi32> to vector<16xi32>
    tpu.vector_store %arg9[%swap3A_538], %swap3A_541 {strides = array<i32>} : memref<128xi32, #tpu.memory_space<vmem>>, vector<16xi32>,
    %get3A_542 = arith.constant 1 : i32
    %get3A_543 = arith.index_cast %get3A_542 : i32 to index
    %get3A_544 = arith.constant 752 : index
    %get3A_545 = tpu.vector_load %arg5[%get3A_543, %get3A_544] {strides = array<i32>} : memref<2x768xi32, #tpu.memory_space<vmem>>, vector<1x16xi32>,
    %get3A_546 = vector.shape_cast %get3A_545 : vector<1x16xi32> to vector<16xi32>
    %swap3A_547 = arith.constant 112 : index
    %swap3A_548 = tpu.vector_load %arg9[%swap3A_547] {strides = array<i32>} : memref<128xi32, #tpu.memory_space<vmem>>, vector<16xi32>,
    %swap3A_549 = vector.shape_cast %swap3A_548 : vector<16xi32> to vector<16xi32>
    %swap3A_550 = vector.shape_cast %get3A_546 : vector<16xi32> to vector<16xi32>
    tpu.vector_store %arg9[%swap3A_547], %swap3A_550 {strides = array<i32>} : memref<128xi32, #tpu.memory_space<vmem>>, vector<16xi32>,
    %dma_wait3A_551 = arith.constant 0 : i32
    %dma_wait3A_552 = arith.constant 0 : i32
    %dma_wait3A_553 = tpu.memref_slice %arg2[%dma_wait3A_551, %dma_wait3A_552] : memref<10000x128xf32, #tpu.memory_space<hbm>> -> memref<128x128xf32, #tpu.memory_space<hbm>>
    %dma_wait3A_554 = arith.constant 0 : i32
    %dma_wait3A_555 = arith.constant 0 : i32
    %dma_wait3A_556 = tpu.memref_slice %arg2[%dma_wait3A_554, %dma_wait3A_555] : memref<10000x128xf32, #tpu.memory_space<hbm>> -> memref<128x128xf32, #tpu.memory_space<hbm>>
    tpu.wait_dma2 semaphore(%arg15 : memref<!tpu.dma_semaphore, #tpu.memory_space<semaphore_mem>>) src(%dma_wait3A_556 : memref<128x128xf32, #tpu.memory_space<hbm>>) dst(%arg8 : memref<128x128xf32, #tpu.memory_space<vmem>>)
    "tpu.region"() ({
      %run_scoped3A = tpu.sem_alloc : memref<!tpu.dma_semaphore, #tpu.memory_space<semaphore_mem>>
      %dma_start3A_568 = arith.constant 0 : i32
      %dma_start3A_569 = arith.constant 0 : i32
      %dma_start3A_570 = tpu.memref_slice %arg11[%dma_start3A_568, %dma_start3A_569] : memref<10000x128xf32, #tpu.memory_space<vmem_shared>> -> memref<10000x128xf32, #tpu.memory_space<vmem_shared>>
      tpu.enqueue_indirect_dma source(%arg8 : memref<128x128xf32, #tpu.memory_space<vmem>>) target(%dma_start3A_570 : memref<10000x128xf32, #tpu.memory_space<vmem_shared>>) offsets(%arg9 : memref<128xi32, #tpu.memory_space<vmem>>) semaphore(%run_scoped3A : memref<!tpu.dma_semaphore, #tpu.memory_space<semaphore_mem>>) {add = true}
      %dma_wait3A_571 = arith.constant 0 : i32
      %dma_wait3A_572 = arith.constant 0 : i32
      %dma_wait3A_573 = tpu.memref_slice %arg11[%dma_wait3A_571, %dma_wait3A_572] : memref<10000x128xf32, #tpu.memory_space<vmem_shared>> -> memref<10000x128xf32, #tpu.memory_space<vmem_shared>>
      tpu.wait_indirect_dma semaphore(%run_scoped3A : memref<!tpu.dma_semaphore, #tpu.memory_space<semaphore_mem>>) src(%arg8 : memref<128x128xf32, #tpu.memory_space<vmem>>) dst(%dma_wait3A_573 : memref<10000x128xf32, #tpu.memory_space<vmem_shared>>)
      tpu.yield
    }) : () -> ()
    %lt3A_557 = arith.constant 4 : i32
    %lt3A_558 = arith.cmpi slt, %add3A, %lt3A_557 : i32
    %convert_element_type3A_559 = arith.extui %lt3A_558 : i1 to i32
    %cond3A_560 = arith.constant 0 : i32
    %cond3A_561 = arith.cmpi ne, %convert_element_type3A_559, %cond3A_560 : i32
    scf.if %cond3A_561 {
      %get3A_568 = arith.constant 1 : i32
      %get3A_569 = arith.index_cast %get3A_568 : i32 to index
      %get3A_570 = arith.constant 0 : index
      %get3A_571 = tpu.vector_load %arg10[%get3A_569, %get3A_570] {strides = array<i32>} : memref<2x128xi32, #tpu.memory_space<vmem>>, vector<1x16xi32>,
      %get3A_572 = vector.shape_cast %get3A_571 : vector<1x16xi32> to vector<16xi32>
      %swap3A_573 = arith.constant 0 : index
      %swap3A_574 = tpu.vector_load %arg9[%swap3A_573] {strides = array<i32>} : memref<128xi32, #tpu.memory_space<vmem>>, vector<16xi32>,
      %swap3A_575 = vector.shape_cast %swap3A_574 : vector<16xi32> to vector<16xi32>
      %swap3A_576 = vector.shape_cast %get3A_572 : vector<16xi32> to vector<16xi32>
      tpu.vector_store %arg9[%swap3A_573], %swap3A_576 {strides = array<i32>} : memref<128xi32, #tpu.memory_space<vmem>>, vector<16xi32>,
      %get3A_577 = arith.constant 1 : i32
      %get3A_578 = arith.index_cast %get3A_577 : i32 to index
      %get3A_579 = arith.constant 16 : index
      %get3A_580 = tpu.vector_load %arg10[%get3A_578, %get3A_579] {strides = array<i32>} : memref<2x128xi32, #tpu.memory_space<vmem>>, vector<1x16xi32>,
      %get3A_581 = vector.shape_cast %get3A_580 : vector<1x16xi32> to vector<16xi32>
      %swap3A_582 = arith.constant 16 : index
      %swap3A_583 = tpu.vector_load %arg9[%swap3A_582] {strides = array<i32>} : memref<128xi32, #tpu.memory_space<vmem>>, vector<16xi32>,
      %swap3A_584 = vector.shape_cast %swap3A_583 : vector<16xi32> to vector<16xi32>
      %swap3A_585 = vector.shape_cast %get3A_581 : vector<16xi32> to vector<16xi32>
      tpu.vector_store %arg9[%swap3A_582], %swap3A_585 {strides = array<i32>} : memref<128xi32, #tpu.memory_space<vmem>>, vector<16xi32>,
      %get3A_586 = arith.constant 1 : i32
      %get3A_587 = arith.index_cast %get3A_586 : i32 to index
      %get3A_588 = arith.constant 32 : index
      %get3A_589 = tpu.vector_load %arg10[%get3A_587, %get3A_588] {strides = array<i32>} : memref<2x128xi32, #tpu.memory_space<vmem>>, vector<1x16xi32>,
      %get3A_590 = vector.shape_cast %get3A_589 : vector<1x16xi32> to vector<16xi32>
      %swap3A_591 = arith.constant 32 : index
      %swap3A_592 = tpu.vector_load %arg9[%swap3A_591] {strides = array<i32>} : memref<128xi32, #tpu.memory_space<vmem>>, vector<16xi32>,
      %swap3A_593 = vector.shape_cast %swap3A_592 : vector<16xi32> to vector<16xi32>
      %swap3A_594 = vector.shape_cast %get3A_590 : vector<16xi32> to vector<16xi32>
      tpu.vector_store %arg9[%swap3A_591], %swap3A_594 {strides = array<i32>} : memref<128xi32, #tpu.memory_space<vmem>>, vector<16xi32>,
      %get3A_595 = arith.constant 1 : i32
      %get3A_596 = arith.index_cast %get3A_595 : i32 to index
      %get3A_597 = arith.constant 48 : index
      %get3A_598 = tpu.vector_load %arg10[%get3A_596, %get3A_597] {strides = array<i32>} : memref<2x128xi32, #tpu.memory_space<vmem>>, vector<1x16xi32>,
      %get3A_599 = vector.shape_cast %get3A_598 : vector<1x16xi32> to vector<16xi32>
      %swap3A_600 = arith.constant 48 : index
      %swap3A_601 = tpu.vector_load %arg9[%swap3A_600] {strides = array<i32>} : memref<128xi32, #tpu.memory_space<vmem>>, vector<16xi32>,
      %swap3A_602 = vector.shape_cast %swap3A_601 : vector<16xi32> to vector<16xi32>
      %swap3A_603 = vector.shape_cast %get3A_599 : vector<16xi32> to vector<16xi32>
      tpu.vector_store %arg9[%swap3A_600], %swap3A_603 {strides = array<i32>} : memref<128xi32, #tpu.memory_space<vmem>>, vector<16xi32>,
      %get3A_604 = arith.constant 1 : i32
      %get3A_605 = arith.index_cast %get3A_604 : i32 to index
      %get3A_606 = arith.constant 64 : index
      %get3A_607 = tpu.vector_load %arg10[%get3A_605, %get3A_606] {strides = array<i32>} : memref<2x128xi32, #tpu.memory_space<vmem>>, vector<1x16xi32>,
      %get3A_608 = vector.shape_cast %get3A_607 : vector<1x16xi32> to vector<16xi32>
      %swap3A_609 = arith.constant 64 : index
      %swap3A_610 = tpu.vector_load %arg9[%swap3A_609] {strides = array<i32>} : memref<128xi32, #tpu.memory_space<vmem>>, vector<16xi32>,
      %swap3A_611 = vector.shape_cast %swap3A_610 : vector<16xi32> to vector<16xi32>
      %swap3A_612 = vector.shape_cast %get3A_608 : vector<16xi32> to vector<16xi32>
      tpu.vector_store %arg9[%swap3A_609], %swap3A_612 {strides = array<i32>} : memref<128xi32, #tpu.memory_space<vmem>>, vector<16xi32>,
      %get3A_613 = arith.constant 1 : i32
      %get3A_614 = arith.index_cast %get3A_613 : i32 to index
      %get3A_615 = arith.constant 80 : index
      %get3A_616 = tpu.vector_load %arg10[%get3A_614, %get3A_615] {strides = array<i32>} : memref<2x128xi32, #tpu.memory_space<vmem>>, vector<1x16xi32>,
      %get3A_617 = vector.shape_cast %get3A_616 : vector<1x16xi32> to vector<16xi32>
      %swap3A_618 = arith.constant 80 : index
      %swap3A_619 = tpu.vector_load %arg9[%swap3A_618] {strides = array<i32>} : memref<128xi32, #tpu.memory_space<vmem>>, vector<16xi32>,
      %swap3A_620 = vector.shape_cast %swap3A_619 : vector<16xi32> to vector<16xi32>
      %swap3A_621 = vector.shape_cast %get3A_617 : vector<16xi32> to vector<16xi32>
      tpu.vector_store %arg9[%swap3A_618], %swap3A_621 {strides = array<i32>} : memref<128xi32, #tpu.memory_space<vmem>>, vector<16xi32>,
      %get3A_622 = arith.constant 1 : i32
      %get3A_623 = arith.index_cast %get3A_622 : i32 to index
      %get3A_624 = arith.constant 96 : index
      %get3A_625 = tpu.vector_load %arg10[%get3A_623, %get3A_624] {strides = array<i32>} : memref<2x128xi32, #tpu.memory_space<vmem>>, vector<1x16xi32>,
      %get3A_626 = vector.shape_cast %get3A_625 : vector<1x16xi32> to vector<16xi32>
      %swap3A_627 = arith.constant 96 : index
      %swap3A_628 = tpu.vector_load %arg9[%swap3A_627] {strides = array<i32>} : memref<128xi32, #tpu.memory_space<vmem>>, vector<16xi32>,
      %swap3A_629 = vector.shape_cast %swap3A_628 : vector<16xi32> to vector<16xi32>
      %swap3A_630 = vector.shape_cast %get3A_626 : vector<16xi32> to vector<16xi32>
      tpu.vector_store %arg9[%swap3A_627], %swap3A_630 {strides = array<i32>} : memref<128xi32, #tpu.memory_space<vmem>>, vector<16xi32>,
      %get3A_631 = arith.constant 1 : i32
      %get3A_632 = arith.index_cast %get3A_631 : i32 to index
      %get3A_633 = arith.constant 112 : index
      %get3A_634 = tpu.vector_load %arg10[%get3A_632, %get3A_633] {strides = array<i32>} : memref<2x128xi32, #tpu.memory_space<vmem>>, vector<1x16xi32>,
      %get3A_635 = vector.shape_cast %get3A_634 : vector<1x16xi32> to vector<16xi32>
      %swap3A_636 = arith.constant 112 : index
      %swap3A_637 = tpu.vector_load %arg9[%swap3A_636] {strides = array<i32>} : memref<128xi32, #tpu.memory_space<vmem>>, vector<16xi32>,
      %swap3A_638 = vector.shape_cast %swap3A_637 : vector<16xi32> to vector<16xi32>
      %swap3A_639 = vector.shape_cast %get3A_635 : vector<16xi32> to vector<16xi32>
      tpu.vector_store %arg9[%swap3A_636], %swap3A_639 {strides = array<i32>} : memref<128xi32, #tpu.memory_space<vmem>>, vector<16xi32>,
      %dma_wait3A_640 = arith.constant 0 : i32
      %dma_wait3A_641 = arith.constant 0 : i32
      %dma_wait3A_642 = tpu.memref_slice %arg2[%dma_wait3A_640, %dma_wait3A_641] : memref<10000x128xf32, #tpu.memory_space<hbm>> -> memref<128x128xf32, #tpu.memory_space<hbm>>
      %dma_wait3A_643 = arith.constant 0 : i32
      %dma_wait3A_644 = arith.constant 0 : i32
      %dma_wait3A_645 = tpu.memref_slice %arg2[%dma_wait3A_643, %dma_wait3A_644] : memref<10000x128xf32, #tpu.memory_space<hbm>> -> memref<128x128xf32, #tpu.memory_space<hbm>>
      tpu.wait_dma2 semaphore(%arg14 : memref<!tpu.dma_semaphore, #tpu.memory_space<semaphore_mem>>) src(%dma_wait3A_645 : memref<128x128xf32, #tpu.memory_space<hbm>>) dst(%arg7 : memref<128x128xf32, #tpu.memory_space<vmem>>)
      "tpu.region"() ({
        %run_scoped3A = tpu.sem_alloc : memref<!tpu.dma_semaphore, #tpu.memory_space<semaphore_mem>>
        %dma_start3A_646 = arith.constant 0 : i32
        %dma_start3A_647 = arith.constant 0 : i32
        %dma_start3A_648 = tpu.memref_slice %arg11[%dma_start3A_646, %dma_start3A_647] : memref<10000x128xf32, #tpu.memory_space<vmem_shared>> -> memref<10000x128xf32, #tpu.memory_space<vmem_shared>>
        tpu.enqueue_indirect_dma source(%arg7 : memref<128x128xf32, #tpu.memory_space<vmem>>) target(%dma_start3A_648 : memref<10000x128xf32, #tpu.memory_space<vmem_shared>>) offsets(%arg9 : memref<128xi32, #tpu.memory_space<vmem>>) semaphore(%run_scoped3A : memref<!tpu.dma_semaphore, #tpu.memory_space<semaphore_mem>>) {add = true}
        %dma_wait3A_649 = arith.constant 0 : i32
        %dma_wait3A_650 = arith.constant 0 : i32
        %dma_wait3A_651 = tpu.memref_slice %arg11[%dma_wait3A_649, %dma_wait3A_650] : memref<10000x128xf32, #tpu.memory_space<vmem_shared>> -> memref<10000x128xf32, #tpu.memory_space<vmem_shared>>
        tpu.wait_indirect_dma semaphore(%run_scoped3A : memref<!tpu.dma_semaphore, #tpu.memory_space<semaphore_mem>>) src(%arg7 : memref<128x128xf32, #tpu.memory_space<vmem>>) dst(%dma_wait3A_651 : memref<10000x128xf32, #tpu.memory_space<vmem_shared>>)
        tpu.yield
      }) : () -> ()
    } else {
    }
    %barrier3A_562 = arith.constant 0 : index
    tpu.barrier barrier_id(%barrier3A_562)
    %lt3A_563 = arith.constant 10 : i32
    %lt3A_564 = arith.cmpi slt, %arg1, %lt3A_563 : i32
    %convert_element_type3A_565 = arith.extui %lt3A_564 : i1 to i32
    %cond3A_566 = arith.constant 0 : i32
    %cond3A_567 = arith.cmpi ne, %convert_element_type3A_565, %cond3A_566 : i32
    scf.if %cond3A_567 {
      %mul3A_568 = arith.constant 1000 : i32
      %mul3A_569 = arith.muli %arg1, %mul3A_568 : i32
      "tpu.region"() ({
        %run_scoped3A = tpu.sem_alloc : memref<!tpu.dma_semaphore, #tpu.memory_space<semaphore_mem>>
        %dma_start3A_570 = arith.constant 0 : i32
        %dma_start3A_571 = tpu.memref_slice %arg4[%arg0, %mul3A_569, %dma_start3A_570] : memref<2x10000x128xf32, #tpu.memory_space<hbm>> -> memref<1x1000x128xf32, #tpu.memory_space<hbm>>
        %dma_start3A_572 = tpu.memref_squeeze %dma_start3A_571 : memref<1x1000x128xf32, #tpu.memory_space<hbm>> -> memref<1000x128xf32, #tpu.memory_space<hbm>>
        %dma_start3A_573 = arith.constant 0 : i32
        %dma_start3A_574 = tpu.memref_slice %arg11[%mul3A_569, %dma_start3A_573] : memref<10000x128xf32, #tpu.memory_space<vmem_shared>> -> memref<1000x128xf32, #tpu.memory_space<vmem_shared>>
        tpu.enqueue_dma source(%dma_start3A_574 : memref<1000x128xf32, #tpu.memory_space<vmem_shared>>) target(%dma_start3A_572 : memref<1000x128xf32, #tpu.memory_space<hbm>>) target_semaphore(%run_scoped3A : memref<!tpu.dma_semaphore, #tpu.memory_space<semaphore_mem>>)
        %dma_wait3A_575 = arith.constant 0 : i32
        %dma_wait3A_576 = tpu.memref_slice %arg4[%arg0, %mul3A_569, %dma_wait3A_575] : memref<2x10000x128xf32, #tpu.memory_space<hbm>> -> memref<1x1000x128xf32, #tpu.memory_space<hbm>>
        %dma_wait3A_577 = tpu.memref_squeeze %dma_wait3A_576 : memref<1x1000x128xf32, #tpu.memory_space<hbm>> -> memref<1000x128xf32, #tpu.memory_space<hbm>>
        %dma_wait3A_578 = arith.constant 0 : i32
        %dma_wait3A_579 = tpu.memref_slice %arg11[%mul3A_569, %dma_wait3A_578] : memref<10000x128xf32, #tpu.memory_space<vmem_shared>> -> memref<1000x128xf32, #tpu.memory_space<vmem_shared>>
        tpu.wait_dma2 semaphore(%run_scoped3A : memref<!tpu.dma_semaphore, #tpu.memory_space<semaphore_mem>>) src(%dma_wait3A_579 : memref<1000x128xf32, #tpu.memory_space<vmem_shared>>) dst(%dma_wait3A_577 : memref<1000x128xf32, #tpu.memory_space<hbm>>)
        tpu.yield
      }) : () -> ()
    } else {
    }
    return
  }
}

module attributes {stable_mosaic.version = 14 : i64} {
  func.func @_combine_body(%arg0: i32, %arg1: memref<2xf32, #tpu.memory_space<smem>>, %arg2: memref<5000x128xf32, #tpu.memory_space<vmem>>, %arg3: memref<2x5000x128xf32, #tpu.memory_space<vmem>>, %arg4: memref<5000x128xf32, #tpu.memory_space<vmem>>) attributes {dimension_semantics = [#tpu.dimension_semantics<arbitrary>], iteration_bounds = array<i64: 2>, scalar_prefetch = 0 : i64, scratch_operands = 0 : i64, tpu.core_type = #tpu.core_type<tc>, window_params = [{transform_indices = @transform_0, window_bounds = array<i64: 2>}, {transform_indices = @transform_1, window_bounds = array<i64: 5000, 128>}, {transform_indices = @transform_2, window_bounds = array<i64: 2, 5000, 128>}, {transform_indices = @transform_3, window_bounds = array<i64: 5000, 128>}]} {
    %get3A = arith.constant 1 : index
    %get3A_0 = memref.load %arg1[%get3A] : memref<2xf32, #tpu.memory_space<smem>>
    %get3A_1 = arith.constant 0 : index
    %get3A_2 = memref.load %arg1[%get3A_1] : memref<2xf32, #tpu.memory_space<smem>>
    %sub3A = arith.subf %get3A_0, %get3A_2 : f32
    %get3A_3 = arith.constant 0 : index
    %get3A_4 = arith.constant 0 : index
    %get3A_5 = vector.load %arg2[%get3A_3, %get3A_4] : memref<5000x128xf32, #tpu.memory_space<vmem>>, vector<5000x128xf32>
    %get3A_6 = arith.constant 0 : index
    %get3A_7 = arith.constant 0 : index
    %get3A_8 = arith.constant 0 : index
    %get3A_9 = vector.load %arg3[%get3A_6, %get3A_7, %get3A_8] : memref<2x5000x128xf32, #tpu.memory_space<vmem>>, vector<1x5000x128xf32>
    %get3A_10 = vector.shape_cast %get3A_9 : vector<1x5000x128xf32> to vector<5000x128xf32>
    %get3A_11 = arith.constant 1 : index
    %get3A_12 = arith.constant 0 : index
    %get3A_13 = arith.constant 0 : index
    %get3A_14 = vector.load %arg3[%get3A_11, %get3A_12, %get3A_13] : memref<2x5000x128xf32, #tpu.memory_space<vmem>>, vector<1x5000x128xf32>
    %get3A_15 = vector.shape_cast %get3A_14 : vector<1x5000x128xf32> to vector<5000x128xf32>
    %add3A = arith.addf %get3A_10, %get3A_15 : vector<5000x128xf32>
    %mul3A = vector.broadcast %sub3A : f32 to vector<5000x128xf32>
    %mul3A_16 = arith.mulf %mul3A, %add3A : vector<5000x128xf32>
    %add3A_17 = arith.addf %get3A_5, %mul3A_16 : vector<5000x128xf32>
    %swap3A = arith.constant 0 : index
    %swap3A_18 = arith.constant 0 : index
    %swap3A_19 = vector.load %arg4[%swap3A, %swap3A_18] : memref<5000x128xf32, #tpu.memory_space<vmem>>, vector<5000x128xf32>
    tpu.vector_store %arg4[%swap3A, %swap3A_18], %add3A_17 {strides = array<i32>} : memref<5000x128xf32, #tpu.memory_space<vmem>>, vector<5000x128xf32>,
    return
  }
  func.func @transform_0(%arg0: i32) -> i32 {
    %c0_i32 = arith.constant 0 : i32
    %c0_i32_0 = arith.constant 0 : i32
    return %c0_i32 : i32
  }
  func.func @transform_1(%arg0: i32) -> (i32, i32) {
    %c0_i32 = arith.constant 0 : i32
    %c0_i32_0 = arith.constant 0 : i32
    return %arg0, %c0_i32 : i32, i32
  }
  func.func @transform_2(%arg0: i32) -> (i32, i32, i32) {
    %c0_i32 = arith.constant 0 : i32
    %c0_i32_0 = arith.constant 0 : i32
    %c0_i32_1 = arith.constant 0 : i32
    return %c0_i32, %arg0, %c0_i32_0 : i32, i32, i32
  }
  func.func @transform_3(%arg0: i32) -> (i32, i32) {
    %c0_i32 = arith.constant 0 : i32
    %c0_i32_0 = arith.constant 0 : i32
    return %arg0, %c0_i32 : i32, i32
  }
}

</mosaic_0001>

<sc_bundles>
// kernel: kernel.4.cloned.1.call-start
scs
__scs_entry_jumppad:
0x0: {  	(pc) =	sbr.rel $0x88, $3  }
0x1: {  	(tag) =	ssettag $0x0;
	lr =	simm.s32 $0x1  }
0x2: {  	[smem:$0x3F9D] =	sst lr;
	_ =	strace $0xD0000000  }
0x3: {  	_ = 	snop  }
0x4: {  	_ = 	snop  }
0x5: {  	_ = 	snop  }
0x6: {  	_ = 	snop  }
0x7: {  	_ = 	snop  }
__scs_overlays_trampoline_lowered:
0x8: {  	[smem:$0x3FAC] =	sst s0  }
0x9: {  	[smem:$0x3FAD] =	sst s1  }
0xa: {  	[smem:$0x3FAE] =	sst s2  }
0xb: {  	[smem:$0x3FAF] =	sst s3  }
0xc: {  	[smem:$0x3FB0] =	sst s4  }
0xd: {  	[smem:$0x3FB1] =	sst s5  }
0xe: {  	[smem:$0x3FB2] =	sst s6  }
0xf: {  	[smem:$0x3FB3] =	sst s7  }
0x10: {  	[smem:$0x3FB4] =	sst s8  }
0x11: {  	[smem:$0x3FB5] =	sst s9;
	s0 =	simm.s32 @!p0 $0x0  }
0x12: {  	s1 =	sld [smem:$0x3F9B];
	s0 =	simm.s32 @p0 $0x1  }
0x13: {  	[smem:$0x3FB6] =	sst s0;
	s0 =	simm.s32 @!p1 $0x0  }
0x14: {  	s2 =	sld [smem:$0x3F9A];
	s0 =	simm.s32 @p1 $0x1  }
0x15: {  	[smem:$0x3FB7] =	sst s0;
	s0 =	simm.s32 @!p2 $0x0  }
0x16: {  	s3 =	sld [smem:$0x3FDB];
	s0 =	simm.s32 @p2 $0x1  }
0x17: {  	s4 =	simm.s32 $0x1BF5;
	[smem:$0x3FB9] =	sst s0  }
0x18: {  	s0 =	sld [smem:$0x3F9C];
	_ =	swait.ge [sflag:s4], $0x0  }
0x19: {  	s7 =	sld [smem:$0x3F9D]  }
0x1a: {  	s8 =	sadd.s32 $0xFFFFE003, lr  }
0x1b: {  	s9 =	sadd.s32 $0xFFFFFEF7, lr;
	s5 =	simm.s32 $0xFFFFFFFF;
	p2 =	slt.u32 s8, $0xFFFFF086  }
0x1c: {  	p1 =	slt.u32 s9, $0xF7A;
	s5 =	simm.s32 @!p2 $0x0  }
0x1d: {  	s5 =	simm.s32 @p1 $0x1;
	p0 =	seq.s32 s7, s2  }
0x1e: {  	s7 =	smul.u32 @!p0 $0xF7A, s2;
	p2 =	seq.s32 @!p0 s5, $0x0  }
0x1f: {  	s9 =	smul.u32 $0xF7A, s1;
	s8 =	simm.s32 @!p0 $0x1BF5;
	p2 =	por !p2, p0  }
0x20: {  	[sflag:s8] =	ssyncset.s32 @!p0 $0xFFFFF086;
	s6 =	sadd.s32 @!p0 s3, s7;
	s7 =	simm.s32 @!p0 $0x108  }
0x21: {  	s3 =	sadd.s32 s3, s9;
	s6 =	sadd.s32 @!p0 $0x88, s6;
	s7 =	simm.s32 @p2 $0x1082  }
0x22: {  	[simem:s7], [sflag:s8] =	dma.local @!p0 [hbm:s6], $0xF7A  }
0x23: {  	s9 =	sor.u32 $0xD0000000, s2;
	s6 =	simm.s32 $0x108;
	_ =	swait.ge @!p0 [sflag:s8], $0x0  }
0x24: {  	s3 =	sadd.s32 $0x88, s3;
	s6 =	simm.s32 @!p1 $0x1082;
	[sflag:s4] =	ssyncset.s32 $0xFFFFF086  }
0x25: {  	[simem:s6], [sflag:s4] =	dma.local [hbm:s3], $0xF7A  }
0x26: {  	[smem:$0x3F9D] =	sst s1;
	(tag) =	ssettag s2;
	_ =	strace s9  }
0x27: {  	s1 =	sld [smem:$0x3FAD]  }
0x28: {  	s2 =	sld [smem:$0x3FAE]  }
0x29: {  	s4 =	sld [smem:$0x3FB0]  }
0x2a: {  	p0 =	seq.s32 s5, $0x0;
	s5 =	sld [smem:$0x3FB1]  }
0x2b: {  	s6 =	sld [smem:$0x3FB2]  }
0x2c: {  	s7 =	sld [smem:$0x3FB3]  }
0x2d: {  	s3 =	simm.s32 $0x108;
	s8 =	sld [smem:$0x3FB4]  }
0x2e: {  	s3 =	simm.s32 @!p0 $0x1082;
	s9 =	sld [smem:$0x3FB5]  }
0x2f: {  	lr =	sadd.s32 s0, s3;
	s0 =	sld [smem:$0x3FAC]  }
0x30: {  	s3 =	sld [smem:$0x3FAF]  }
0x31: {  	[smem:$0x3FB8] =	sst s10  }
0x32: {  	s10 =	sld [smem:$0x3FB6];
	_ =	sdelay $0x3  }
0x33: {  	p0 =	seq.s32 s10, $0x1;
	s10 =	sld [smem:$0x3FB8];
	_ =	sdelay $0x3  }
0x34: {  	[smem:$0x3FB8] =	sst s10  }
0x35: {  	s10 =	sld [smem:$0x3FB7];
	_ =	sdelay $0x3  }
0x36: {  	p1 =	seq.s32 s10, $0x1;
	s10 =	sld [smem:$0x3FB8];
	_ =	sdelay $0x3  }
0x37: {  	[smem:$0x3FB8] =	sst s10  }
0x38: {  	s10 =	sld [smem:$0x3FB9]  }
0x39: {  	_ = 	snop;
	(pc) =	sbr.ind lr, $3  }
0x3a: {  	_ = 	snop  }
0x3b: {  	_ = 	snop  }
0x3c: {  	p2 =	seq.s32 s10, $0x1;
	s10 =	sld [smem:$0x3FB8]  }
0x3d: {  	_ =	shalt  }
0x3e: {  	_ =	shalt  }
0x3f: {  	_ =	shalt  }
0x40: {  	_ =	shalt  }
0x41: {  	_ =	shalt  }
0x42: {  	_ =	shalt  }
0x43: {  	_ =	shalt  }
0x44: {  	_ =	shalt  }
0x45: {  	_ =	shalt  }
0x46: {  	_ =	shalt  }
0x47: {  	_ =	shalt  }
0x48: {  	_ =	shalt  }
0x49: {  	_ =	shalt  }
0x4a: {  	_ =	shalt  }
0x4b: {  	_ =	shalt  }
0x4c: {  	_ =	shalt  }
0x4d: {  	_ =	shalt  }
0x4e: {  	_ =	shalt  }
0x4f: {  	_ =	shalt  }
0x50: {  	_ =	shalt  }
0x51: {  	_ =	shalt  }
0x52: {  	_ =	shalt  }
0x53: {  	_ =	shalt  }
0x54: {  	_ =	shalt  }
0x55: {  	_ =	shalt  }
0x56: {  	_ =	shalt  }
0x57: {  	_ =	shalt  }
0x58: {  	_ =	shalt  }
0x59: {  	_ =	shalt  }
0x5a: {  	_ =	shalt  }
0x5b: {  	_ =	shalt  }
0x5c: {  	_ =	shalt  }
0x5d: {  	_ =	shalt  }
0x5e: {  	_ =	shalt  }
0x5f: {  	_ =	shalt  }
0x60: {  	_ =	shalt  }
0x61: {  	_ =	shalt  }
0x62: {  	_ =	shalt  }
0x63: {  	_ =	shalt  }
0x64: {  	_ =	shalt  }
0x65: {  	_ =	shalt  }
0x66: {  	_ =	shalt  }
0x67: {  	_ =	shalt  }
0x68: {  	_ =	shalt  }
0x69: {  	_ =	shalt  }
0x6a: {  	_ =	shalt  }
0x6b: {  	_ =	shalt  }
0x6c: {  	_ =	shalt  }
0x6d: {  	_ =	shalt  }
0x6e: {  	_ =	shalt  }
0x6f: {  	_ =	shalt  }
0x70: {  	_ =	shalt  }
0x71: {  	_ =	shalt  }
0x72: {  	_ =	shalt  }
0x73: {  	_ =	shalt  }
0x74: {  	_ =	shalt  }
0x75: {  	_ =	shalt  }
0x76: {  	_ =	shalt  }
0x77: {  	_ =	shalt  }
0x78: {  	_ =	shalt  }
0x79: {  	_ =	shalt  }
0x7a: {  	_ =	shalt  }
0x7b: {  	_ =	shalt  }
0x7c: {  	_ =	shalt  }
0x7d: {  	_ =	shalt  }
0x7e: {  	_ =	shalt  }
0x7f: {  	_ =	shalt  }
0x80: {  	_ =	shalt  }
0x81: {  	_ =	shalt  }
0x82: {  	_ =	shalt  }
0x83: {  	_ =	shalt  }
0x84: {  	_ =	shalt  }
0x85: {  	_ =	shalt  }
0x86: {  	_ =	shalt  }
0x87: {  	_ =	shalt  }
.Lfunc_end0:
.L_simem_size_0:
called_computation_lowered:
.L_overlay_start_0:
0x88: {  	s2 =	sld [smem:$0x3FD9]  }
0x89: {  	s3 =	sld [smem:$0x3FFE];
	_ =	sdelay $0x1  }
0x8a: {  	s1 =	srdreg.scid  }
0x8b: {  	s0 =	sand.u32 $0x1, s1  }
0x8c: {  	s17 =	sshll.u32 s0, $0xA;
	s2 =	sadd.s32 s3, s2  }
0x8d: {  	s2 =	sadd.s32 s2, s17  }
0x8e: {  	[smem:$0x3FC4] =	sst s2  }
0x8f: {  	_ = 	snop  }
0x90: {  	s2 =	sld [smem:$0x3FC9]  }
0x91: {  	s18 =	sld [smem:$0x3FC8];
	(tm) =	ssettm $0x1  }
0x92: {  	s4 =	sld [smem:$0x3FFB];
	_ =	sdelay $0x3  }
0x93: {  	_ =	strace s4  }
0x94: {  	s4 =	sld [smem:$0x3FFC];
	_ =	sdelay $0x3  }
0x95: {  	_ =	strace s4  }
0x96: {  	s4 =	sld [smem:$0x3FFD];
	_ =	sdelay $0x3  }
0x97: {  	_ =	strace s4  }
0x98: {  	_ =	strace $0x8FFFFFFF  }
0x99: {  	s19 =	sld [smem:$0x3FDB];
	_ =	sdelay $0x1  }
0x9a: {  	s5 =	simm.s32 $_scs_section_size  }
0x9b: {  	s6 =	simm.s32 $_size__tile_overlayer_lowered;
	s7 =	simm.s32 $_tile_overlayer_lowered  }
0x9c: {  	s22 =	simm.s32 $0x1BFF;
	s21 =	sshll.u32 s7, $0x1;
	s4 =	sadd.s32 s5, s19  }
0x9d: {  	s8 =	simm.s32 $0x0;
	s20 =	sshll.u32 s6, $0x1;
	s6 =	sadd.s32 s21, s4  }
0x9e: {  	[timem:s8], [sflag:s22] =	dma.local [hbm:s6], s20  }
0x9f: {  	_ =	swait.ge [sflag:s22], s20  }
0xa0: {  	s5 =	ssub.s32 $0x0, s20;
	[sflag:s22] =	ssyncset.done $0x0  }
0xa1: {  	[sflag:s22] =	ssyncadd.s32 s5;
	_ =	sdelay $0x1  }
0xa2: {  	s23 =	simm.s32 $0x1B8B  }
0xa3: {  	_ =	swait.ge [sflag:s23], $0x1  }
0xa4: {  	[sflag:s23] =	ssyncset.done $0x0  }
0xa5: {  	s25 =	simm.s32 $0x1B8E;
	s24 =	sld [smem:$0x3FFE];
	[sflag:s23] =	ssyncadd.s32 $0xFFFFFFFF  }
0xa6: {  	s26 =	simm.s32 $execute0_lowered;
	[smem:$0x3FD2] =	sst s25  }
0xa7: {  	s6 =	sshll.u32 s26, $0x1;
	_ =	strace $0x80000046;
	[dreg:$0x1] =	wrdreg $0xFFFFFFFF  }
0xa8: {  	s28 =	simm.s32 $_size_execute0_lowered;
	s4 =	sadd.s32 s4, s6;
	[dreg:$0x0] =	wrdreg $0x0  }
0xa9: {  	s6 =	sshll.u32 s28, $0x1;
	[dreg:$0x2] =	wrdreg s4  }
0xaa: {  	[dreg:$0x3] =	wrdreg s6  }
0xab: {  	[dreg:$0x4] =	wrdreg $0xC0  }
0xac: {  	_ =	task [dreg:s8], $0x5FFFF  }
0xad: {  	[dreg:$0x1] =	wrdreg $0xFFFFFFFF  }
0xae: {  	[dreg:$0x0] =	wrdreg $0x60  }
0xaf: {  	[dreg:$0x2] =	wrdreg s2  }
0xb0: {  	[dreg:$0x3] =	wrdreg s18  }
0xb1: {  	[dreg:$0x4] =	wrdreg s24  }
0xb2: {  	[dreg:$0x5] =	wrdreg $0x8D800  }
0xb3: {  	[dreg:$0x6] =	wrdreg $0x9  }
0xb4: {  	_ =	task.clear_ibuf [dreg:s8], $0x7FFFF;
	_ =	strace $0x90000046  }
0xb5: {  	s29 =	simm.s32 $0x9;
	_ =	strace $0x80000048  }
0xb6: {  	_ =	swait.ge [sflag:s29], $0x1  }
0xb7: {  	[sflag:s29] =	ssyncadd.s32 $0xFFFFFFFF  }
0xb8: {  	_ =	strace $0x90000048  }
0xb9: {  	_ =	sfence  }
0xba: {  	s30 =	sld [smem:$0x0];
	_ =	sdelay $0x2  }
0xbb: {  	s31 =	sshll.u32 s1, $0xD;
	s1 =	sshrl.u32 s1, $0x2  }
0xbc: {  	s3 =	sand.u32 $0x4000, s31;
	s1 =	sadd.s32 s1, s30  }
0xbd: {  	s0 =	sor.u32 s3, s0;
	s1 =	sshll.u32 s1, $0x11  }
0xbe: {  	s0 =	sor.u32 s1, s0  }
0xbf: {  	s0 =	sadd.s32 $0x8F2B, s0  }
0xc0: {  	[sflag:s0] =	ssyncadd.remote.s32 $0x1  }
0xc1: {  	_ =	sfence.sel $0xFFFF  }
0xc2: {  	[dreg:$0x0] =	wrdreg $0xFFFFFFFF;
	(pc) =	sbr.abs _section_cstart, $3  }
0xc3: {  	[dreg:$0x1] =	wrdreg $0xFFFFFFFF  }
0xc4: {  	_ =	task.clear_ibuf [dreg:s8], $0x2FFFF;
	_ =	strace $0x9FFFFFFF  }
0xc5: {  	(tm) =	ssettm $0x7FFFFFFF  }
tec
execute0_lowered:
.L_overlay_start_1:
0x0: {  	(tag) =	ssettag $0x1  }
0x1: {  	s0 =	rddreg [dreg:$0x0]  }
0x2: {  	s1 =	rddreg [dreg:$0x1]  }
0x3: {  	s2 =	rddreg [dreg:$0x2]  }
0x4: {  	s4 =	srdreg.scid;
	s13 =	stileid.u32  }
0x5: {  	s3 =	rddreg [dreg:$0x3];
	s28 =	simm.s32 $0x200;
	s7 =	smul.u32 $0x1F400, s13  }
0x6: {  	s29 =	simm.s32 $0x4;
	s30 =	simm.s32 $0x300;
	s16 =	smul.u32 $0x4E200, s13  }
0x7: {  	s31 =	simm.s32 $0x400;
	s5 =	sand.u32 $0x1, s4;
	s11 =	smul.u32 $0x7D000, s13  }
0x8: {  	s4 =	simm.s32 $0x0;
	s18 =	sshll.u32 s13, $0x5;
	s19 =	smul.u32 $0x4E, s13  }
0x9: {  	p1 =	sgt.u32 s13, $0x9;
	s6 =	smul.u32 $0x138800, s5;
	[smem:$0x7FF] =	sst s4  }
0xa: {  	s8 =	sshll.u32 s5, $0x4;
	s12 =	ssub.s32 $0x2, s5;
	s5 =	smul.u32 $0x4E0, s5  }
0xb: {  	_ =	strace $0x80000047;
	s26 =	sor.u32 s13, s8;
	s14 =	sshrl.u32 s12, $0x1  }
0xc: {  	s22 =	sshrl.u32 s11, $0x2;
	s6 =	sadd.s32 s7, s6;
	s9 =	smul.u32 $0x4E00, s26  }
0xd: {  	s10 =	smul.u32 $0x9C0, s26;
	s8 =	ssub.s32 s12, s14;
	s12 =	sadd.s32 s18, s1  }
0xe: {  	s5 =	sadd.s32 s19, s5;
	p0 =	sgt.u32 s26, $0x3;
	s18 =	simm.s32 $0x1  }
0xf: {  	s19 =	simm.s32 $0x80;
	s7 =	simm.s32 $0xA00;
	s6 =	sshrl.u32 s6, $0x3  }
0x10: {  	s20 =	sadd.s32 $0x13800, s12;
	s8 =	smax.u32 s8, $0x1;
	s5 =	sshll.u32 s5, $0x5  }
0x11: {  	s2 =	sadd.s32 s6, s2;
	s15 =	sshrl.u32 s9, $0x3;
	[dreg:$0x7] =	wrdreg s20  }
0x12: {  	s10 =	sadd.s32 s1, s10;
	s9 =	sshrl.u32 s16, $0x2;
	[dreg:$0xa] =	wrdreg s8  }
0x13: {  	s20 =	simm.s32 $0xC00;
	s8 =	simm.s32 $0xB00;
	[dreg:$0x5] =	wrdreg s10  }
0x14: {  	s17 =	sadd.s32 s1, s15;
	s6 =	sadd.s32 s9, s3;
	s2 =	sadd.s32 $0x800, s2  }
0x15: {  	s1 =	sadd.s32 s1, s5;
	s5 =	simm.s32 $0x900;
	s9 =	simm.s32 $0x0  }
0x16: {  	s10 =	sadd.s32 $0xC0, s17;
	s21 =	sadd.s32 $0x10000, s6;
	[dreg:$0x9] =	wrdreg s2  }
0x17: {  	s2 =	sadd.s32 s22, s3;
	s23 =	sadd.s32 $0x4000, s6;
	[dreg:$0x6] =	wrdreg s10  }
0x18: {  	s24 =	sadd.s32 $0x8000, s6;
	s25 =	sadd.s32 $0xC000, s6;
	[dreg:$0x8] =	wrdreg s21  }
0x19: {  	s15 =	sadd.s32 $0x240, s1;
	s16 =	sadd.s32 $0x180, s1;
	[dreg:$0xb] =	wrdreg s23  }
.Ltmp0:
0x1a: {  	s17 =	simm.s32 $0x600;
	[dreg:$0xc] =	wrdreg s24;
	(pc) =	sbr.rel .LBB2_1-.Ltmp0, $4  }
0x1b: {  	s22 =	simm.s32 $0x6;
	s1 =	simm.s32 $0x500;
	[dreg:$0xd] =	wrdreg s25  }
0x1c: {  	s21 =	simm.s32 $0x4C00;
	s23 =	simm.s32 $0x100;
	s24 =	simm.s32 $0x3  }
0x1d: {  	s26 =	sshrl.u32 s2, $0x3;
	s2 =	simm.s32 $0x2;
	s10 =	simm.s32 $0x700  }
0x1e: {  	v0 =	vimm.f32 $0.0e+00;
	s25 =	simm.s32 $0x800;
	[dreg:$0xe] =	wrdreg s26;
	s26 =	simm.s32 $0x8C00  }
.LBB2_6:
0x1f: {  	v1 =	vld [tilespmem:$0x8D00]  }
0x20: {  	v2 =	vld [tilespmem:$0x8D10]  }
0x21: {  	v3 =	vld [tilespmem:$0x8D20]  }
0x22: {  	v4 =	vld [tilespmem:$0x8D30]  }
0x23: {  	v5 =	vld [tilespmem:$0x8D40]  }
0x24: {  	[tilespmem:$0x8C00] =	vst v1;
	v1 =	vld [tilespmem:$0x8D50]  }
0x25: {  	[tilespmem:$0x8C10] =	vst v2;
	v2 =	vld [tilespmem:$0x8D60]  }
0x26: {  	[tilespmem:$0x8C20] =	vst v3;
	v3 =	vld [tilespmem:$0x8D70]  }
0x27: {  	[tilespmem:$0x8C30] =	vst v4  }
0x28: {  	[tilespmem:$0x8C40] =	vst v5  }
0x29: {  	[tilespmem:$0x8C50] =	vst v1  }
0x2a: {  	[tilespmem:$0x8C60] =	vst v2  }
0x2b: {  	[tilespmem:$0x8C70] =	vst v3  }
0x2c: {  	_ =	swait.ge [sflag:s24], $0x4000  }
0x2d: {  	[sflag:s24] =	ssyncset.done $0x0  }
0x2e: {  	[sflag:s24] =	ssyncadd.s32 $0xFFFFC000  }
0x2f: {  	[spmem:s3] =	stream.indirect.scatter.add.f32 [tilespmem:s20], [sflag:$0x6], $0x80, s26, s19, $0xb8;
	[tilespmem:$0x1C600] =	vst v63  }
0x30: {  	_ =	swait.ge [sflag:s22], $0x4000  }
0x31: {  	[sflag:s22] =	ssyncset.done $0x0  }
0x32: {  	[sflag:s22] =	ssyncadd.s32 $0xFFFFC000  }
0x33: {  	[bflag:$0x0] =	sbarrier.arrive $0xFFFF  }
.LBB2_8:
0x34: {  	s11 =	stileid.u32  }
0x35: {  	s12 =	rddreg [dreg:$0x9];
	s11 =	sshll.u32 s11, $0x6  }
0x36: {  	s13 =	rddreg [dreg:$0xe];
	s11 =	sor.u32 $0x1C06, s11  }
0x37: {  	[hbm:s12], [sflag:s11] =	dma.local [spmem:s13], $0x3E80  }
0x38: {  	_ =	swait.ge [sflag:s22], $0x3E80  }
0x39: {  	[sflag:s22] =	ssyncset.done $0x0  }
0x3a: {  	[sflag:s22] =	ssyncadd.s32 $0xFFFFC180  }
.LBB2_9:
0x3b: {  	s9 =	sadd.s32 $0x1, s9;
	s11 =	rddreg [dreg:$0xa]  }
0x3c: {  	p2 =	sne.s32 s9, s11  }
.Ltmp1:
0x3d: {  	_ = 	snop;
	(pc) =	sbr.rel @!p2 .LBB2_10-.Ltmp1, $1  }
0x3e: {  	_ =	sdelay $0x3  }
.LBB2_1:
0x3f: {  	s11 =	rddreg [dreg:$0x5]  }
0x40: {  	[tilespmem:s4], [sflag:$0x1] =	stream.linear.gather [hbm4b:s11+s4], $0x600, $0x38;
	[tilespmem:$0x1C600] =	vst v63  }
0x41: {  	s14 =	rddreg [dreg:$0x6]  }
0x42: {  	[tilespmem:s17], [sflag:$0x2] =	stream.linear.gather [hbm4b:s14+s4], $0x600, $0x38;
	[tilespmem:$0x1C600] =	vst v63  }
0x43: {  	s12 =	simm.s32 @!p0 $0x8C80;
	s13 =	rddreg [dreg:$0x7];
	s11 =	simm.s32 @!p0 $0x0  }
0x44: {  	[tilespmem:s12], [sflag:$0x5] =	stream.linear.gather @!p0 [hbm4b:s13+s11], $0x100, $0x38;
	[tilespmem:$0x1C600] =	vst v63  }
0x45: {  	s11 =	simm.s32 $0x0;
	s12 =	simm.s32 $0x200  }
.LBB2_2:
0x46: {  	p2 =	sne.s32 s12, $0xFE00;
	[tilespmem:s11+$0x4C70] =	vst v0  }
0x47: {  	[tilespmem:s11+$0x4C00] =	vst v0  }
0x48: {  	[tilespmem:s11+$0x4C10] =	vst v0  }
.Ltmp2:
0x49: {  	[tilespmem:s11+$0x4C20] =	vst v0;
	(pc) =	sbr.rel @p2 .LBB2_2-.Ltmp2, $4  }
0x4a: {  	[tilespmem:s11+$0x4C30] =	vst v0  }
0x4b: {  	[tilespmem:s11+$0x4C40] =	vst v0  }
0x4c: {  	[tilespmem:s11+$0x4C50] =	vst v0  }
0x4d: {  	[tilespmem:s11+$0x4C60] =	vst v0;
	s11 =	sshra.s32 s12, $0x2;
	s12 =	sadd.s32 $0x200, s12  }
0x4e: {  	[tilespmem:s11+$0x4C70] =	vst v0  }
0x4f: {  	[tilespmem:s11+$0x4C00] =	vst v0  }
0x50: {  	[tilespmem:s11+$0x4C10] =	vst v0  }
0x51: {  	[tilespmem:s11+$0x4C20] =	vst v0  }
0x52: {  	[tilespmem:s11+$0x4C30] =	vst v0  }
0x53: {  	[tilespmem:s11+$0x4C40] =	vst v0  }
0x54: {  	[tilespmem:s11+$0x4C50] =	vst v0  }
0x55: {  	[tilespmem:s11+$0x4C60] =	vst v0  }
0x56: {  	_ =	swait.ge [sflag:s18], $0x600  }
0x57: {  	[sflag:s18] =	ssyncset.done $0x0  }
0x58: {  	s11 =	simm.s32 $0x0;
	[sflag:s18] =	ssyncadd.s32 $0xFFFFFA00  }
0x59: {  	[tilespmem:s20], [sflag:$0x3] =	stream.indirect.gather [hbm4b:s0+s19], $0x80, s11, s19, $0xb8;
	[tilespmem:$0x1C600] =	vst v63  }
0x5a: {  	_ = 	snop  }
0x5b: {  	[spmem:s6] =	stream.linear.scatter [tilespmem:s21], [sflag:$0x6], $0x4000, $0x38;
	[tilespmem:$0x1C600] =	vst v63  }
0x5c: {  	_ =	swait.ge [sflag:s22], $0x4000  }
0x5d: {  	[sflag:s22] =	ssyncset.done $0x0  }
0x5e: {  	s12 =	rddreg [dreg:$0xb];
	[sflag:s22] =	ssyncadd.s32 $0xFFFFC000  }
0x5f: {  	[spmem:s12] =	stream.linear.scatter [tilespmem:s21], [sflag:$0x6], $0x4000, $0x38;
	[tilespmem:$0x1C600] =	vst v63  }
0x60: {  	_ =	swait.ge [sflag:s22], $0x4000  }
0x61: {  	[sflag:s22] =	ssyncset.done $0x0  }
0x62: {  	s14 =	rddreg [dreg:$0xc];
	[sflag:s22] =	ssyncadd.s32 $0xFFFFC000  }
0x63: {  	[spmem:s14] =	stream.linear.scatter [tilespmem:s21], [sflag:$0x6], $0x4000, $0x38;
	[tilespmem:$0x1C600] =	vst v63  }
0x64: {  	_ =	swait.ge [sflag:s22], $0x4000  }
0x65: {  	[sflag:s22] =	ssyncset.done $0x0  }
0x66: {  	s13 =	rddreg [dreg:$0xd];
	[sflag:s22] =	ssyncadd.s32 $0xFFFFC000  }
0x67: {  	[spmem:s13] =	stream.linear.scatter [tilespmem:s21], [sflag:$0x6], $0x4000, $0x38;
	[tilespmem:$0x1C600] =	vst v63  }
0x68: {  	_ =	swait.ge [sflag:s22], $0x4000  }
0x69: {  	[sflag:s22] =	ssyncset.done $0x0  }
0x6a: {  	s14 =	rddreg [dreg:$0x8];
	[sflag:s22] =	ssyncadd.s32 $0xFFFFC000  }
0x6b: {  	[spmem:s14] =	stream.linear.scatter [tilespmem:s21], [sflag:$0x6], $0x3880, $0x38;
	[tilespmem:$0x1C600] =	vst v63  }
0x6c: {  	_ =	swait.ge [sflag:s22], $0x3880  }
0x6d: {  	[sflag:s22] =	ssyncset.done $0x0  }
0x6e: {  	[sflag:s22] =	ssyncadd.s32 $0xFFFFC780  }
0x6f: {  	[bflag:$0x0] =	sbarrier.arrive $0xFFFF  }
.LBB2_4:
0x70: {  	[tilespmem:s21], [sflag:$0x4] =	stream.indirect.gather [hbm4b:s0+s19], $0x80, s23, s19, $0xb8;
	[tilespmem:$0x1C600] =	vst v63  }
0x71: {  	v1 =	vld [tilespmem:$0x80]  }
0x72: {  	v2 =	vld [tilespmem:$0x90]  }
0x73: {  	v3 =	vld [tilespmem:$0xA0]  }
0x74: {  	v4 =	vld [tilespmem:$0xB0]  }
0x75: {  	v5 =	vld [tilespmem:$0xC0]  }
0x76: {  	[tilespmem:$0x8C00] =	vst v1;
	v1 =	vld [tilespmem:$0xD0]  }
0x77: {  	[tilespmem:$0x8C10] =	vst v2;
	v2 =	vld [tilespmem:$0xE0]  }
0x78: {  	[tilespmem:$0x8C20] =	vst v3;
	v3 =	vld [tilespmem:$0xF0]  }
0x79: {  	[tilespmem:$0x8C30] =	vst v4  }
0x7a: {  	[tilespmem:$0x8C40] =	vst v5  }
0x7b: {  	[tilespmem:$0x8C50] =	vst v1  }
0x7c: {  	[tilespmem:$0x8C60] =	vst v2  }
0x7d: {  	[tilespmem:$0x8C70] =	vst v3  }
0x7e: {  	_ =	swait.ge [sflag:s24], $0x4000  }
0x7f: {  	[sflag:s24] =	ssyncset.done $0x0  }
0x80: {  	[sflag:s24] =	ssyncadd.s32 $0xFFFFC000  }
0x81: {  	[spmem:s3] =	stream.indirect.scatter.add.f32 [tilespmem:s20], [sflag:$0x6], $0x80, s26, s19, $0xb8;
	[tilespmem:$0x1C600] =	vst v63  }
0x82: {  	_ =	swait.ge [sflag:s22], $0x4000  }
0x83: {  	[sflag:s22] =	ssyncset.done $0x0  }
0x84: {  	[sflag:s22] =	ssyncadd.s32 $0xFFFFC000  }
0x85: {  	[tilespmem:s20], [sflag:$0x3] =	stream.indirect.gather [hbm4b:s0+s19], $0x80, s28, s19, $0xb8;
	[tilespmem:$0x1C600] =	vst v63  }
0x86: {  	v1 =	vld [tilespmem:$0x180]  }
0x87: {  	v2 =	vld [tilespmem:$0x190]  }
0x88: {  	v3 =	vld [tilespmem:$0x1A0]  }
0x89: {  	v42 =	vld [tilespmem:$0x1B0]  }
0x8a: {  	v43 =	vld [tilespmem:$0x1C0]  }
0x8b: {  	[tilespmem:$0x8C00] =	vst v1;
	v1 =	vld [tilespmem:$0x1D0]  }
0x8c: {  	[tilespmem:$0x8C10] =	vst v2;
	v2 =	vld [tilespmem:$0x1E0]  }
0x8d: {  	[tilespmem:$0x8C20] =	vst v3;
	v3 =	vld [tilespmem:$0x1F0]  }
0x8e: {  	[tilespmem:$0x8C30] =	vst v42  }
0x8f: {  	[tilespmem:$0x8C40] =	vst v43  }
0x90: {  	[tilespmem:$0x8C50] =	vst v1  }
0x91: {  	[tilespmem:$0x8C60] =	vst v2  }
0x92: {  	[tilespmem:$0x8C70] =	vst v3  }
0x93: {  	_ =	swait.ge [sflag:s29], $0x4000  }
0x94: {  	[sflag:s29] =	ssyncset.done $0x0  }
0x95: {  	[sflag:s29] =	ssyncadd.s32 $0xFFFFC000  }
0x96: {  	[spmem:s3] =	stream.indirect.scatter.add.f32 [tilespmem:s21], [sflag:$0x6], $0x80, s26, s19, $0xb8;
	[tilespmem:$0x1C600] =	vst v63  }
0x97: {  	_ =	swait.ge [sflag:s22], $0x4000  }
0x98: {  	[sflag:s22] =	ssyncset.done $0x0  }
0x99: {  	[sflag:s22] =	ssyncadd.s32 $0xFFFFC000  }
0x9a: {  	[tilespmem:s21], [sflag:$0x4] =	stream.indirect.gather [hbm4b:s0+s19], $0x80, s30, s19, $0xb8;
	[tilespmem:$0x1C600] =	vst v63  }
0x9b: {  	v1 =	vld [tilespmem:$0x280]  }
0x9c: {  	v2 =	vld [tilespmem:$0x290]  }
0x9d: {  	v3 =	vld [tilespmem:$0x2A0]  }
0x9e: {  	v44 =	vld [tilespmem:$0x2B0]  }
0x9f: {  	v45 =	vld [tilespmem:$0x2C0]  }
0xa0: {  	[tilespmem:$0x8C00] =	vst v1;
	v1 =	vld [tilespmem:$0x2D0]  }
0xa1: {  	[tilespmem:$0x8C10] =	vst v2;
	v2 =	vld [tilespmem:$0x2E0]  }
0xa2: {  	[tilespmem:$0x8C20] =	vst v3;
	v3 =	vld [tilespmem:$0x2F0]  }
0xa3: {  	[tilespmem:$0x8C30] =	vst v44  }
0xa4: {  	[tilespmem:$0x8C40] =	vst v45  }
0xa5: {  	[tilespmem:$0x8C50] =	vst v1  }
0xa6: {  	[tilespmem:$0x8C60] =	vst v2  }
0xa7: {  	[tilespmem:$0x8C70] =	vst v3  }
0xa8: {  	_ =	swait.ge [sflag:s24], $0x4000  }
0xa9: {  	[sflag:s24] =	ssyncset.done $0x0  }
0xaa: {  	[sflag:s24] =	ssyncadd.s32 $0xFFFFC000  }
0xab: {  	[spmem:s3] =	stream.indirect.scatter.add.f32 [tilespmem:s20], [sflag:$0x6], $0x80, s26, s19, $0xb8;
	[tilespmem:$0x1C600] =	vst v63  }
0xac: {  	_ =	swait.ge [sflag:s22], $0x4000  }
0xad: {  	[sflag:s22] =	ssyncset.done $0x0  }
0xae: {  	[sflag:s22] =	ssyncadd.s32 $0xFFFFC000  }
0xaf: {  	[tilespmem:s20], [sflag:$0x3] =	stream.indirect.gather [hbm4b:s0+s19], $0x80, s31, s19, $0xb8;
	[tilespmem:$0x1C600] =	vst v63  }
0xb0: {  	v1 =	vld [tilespmem:$0x380]  }
0xb1: {  	v2 =	vld [tilespmem:$0x390]  }
0xb2: {  	v3 =	vld [tilespmem:$0x3A0]  }
0xb3: {  	v46 =	vld [tilespmem:$0x3B0]  }
0xb4: {  	v47 =	vld [tilespmem:$0x3C0]  }
0xb5: {  	[tilespmem:$0x8C00] =	vst v1;
	v1 =	vld [tilespmem:$0x3D0]  }
0xb6: {  	[tilespmem:$0x8C10] =	vst v2;
	v2 =	vld [tilespmem:$0x3E0]  }
0xb7: {  	[tilespmem:$0x8C20] =	vst v3;
	v3 =	vld [tilespmem:$0x3F0]  }
0xb8: {  	[tilespmem:$0x8C30] =	vst v46  }
0xb9: {  	[tilespmem:$0x8C40] =	vst v47  }
0xba: {  	[tilespmem:$0x8C50] =	vst v1  }
0xbb: {  	[tilespmem:$0x8C60] =	vst v2  }
0xbc: {  	[tilespmem:$0x8C70] =	vst v3  }
0xbd: {  	_ =	swait.ge [sflag:s29], $0x4000  }
0xbe: {  	[sflag:s29] =	ssyncset.done $0x0  }
0xbf: {  	[sflag:s29] =	ssyncadd.s32 $0xFFFFC000  }
0xc0: {  	[spmem:s3] =	stream.indirect.scatter.add.f32 [tilespmem:s21], [sflag:$0x6], $0x80, s26, s19, $0xb8;
	[tilespmem:$0x1C600] =	vst v63  }
0xc1: {  	_ =	swait.ge [sflag:s22], $0x4000  }
0xc2: {  	[sflag:s22] =	ssyncset.done $0x0  }
0xc3: {  	[sflag:s22] =	ssyncadd.s32 $0xFFFFC000  }
0xc4: {  	[tilespmem:s21], [sflag:$0x4] =	stream.indirect.gather [hbm4b:s0+s19], $0x80, s1, s19, $0xb8;
	[tilespmem:$0x1C600] =	vst v63  }
0xc5: {  	v1 =	vld [tilespmem:$0x480]  }
0xc6: {  	v2 =	vld [tilespmem:$0x490]  }
0xc7: {  	v3 =	vld [tilespmem:$0x4A0]  }
0xc8: {  	v48 =	vld [tilespmem:$0x4B0]  }
0xc9: {  	v49 =	vld [tilespmem:$0x4C0]  }
0xca: {  	[tilespmem:$0x8C00] =	vst v1;
	v1 =	vld [tilespmem:$0x4D0]  }
0xcb: {  	[tilespmem:$0x8C10] =	vst v2;
	v2 =	vld [tilespmem:$0x4E0]  }
0xcc: {  	[tilespmem:$0x8C20] =	vst v3;
	v3 =	vld [tilespmem:$0x4F0]  }
0xcd: {  	[tilespmem:$0x8C30] =	vst v48  }
0xce: {  	[tilespmem:$0x8C40] =	vst v49  }
0xcf: {  	[tilespmem:$0x8C50] =	vst v1  }
0xd0: {  	[tilespmem:$0x8C60] =	vst v2  }
0xd1: {  	[tilespmem:$0x8C70] =	vst v3  }
0xd2: {  	_ =	swait.ge [sflag:s24], $0x4000  }
0xd3: {  	[sflag:s24] =	ssyncset.done $0x0  }
0xd4: {  	[sflag:s24] =	ssyncadd.s32 $0xFFFFC000  }
0xd5: {  	[spmem:s3] =	stream.indirect.scatter.add.f32 [tilespmem:s20], [sflag:$0x6], $0x80, s26, s19, $0xb8;
	[tilespmem:$0x1C600] =	vst v63  }
0xd6: {  	_ =	swait.ge [sflag:s22], $0x4000  }
0xd7: {  	[sflag:s22] =	ssyncset.done $0x0  }
0xd8: {  	[sflag:s22] =	ssyncadd.s32 $0xFFFFC000  }
0xd9: {  	_ =	swait.ge [sflag:s2], $0x600  }
0xda: {  	[sflag:s2] =	ssyncset.done $0x0  }
0xdb: {  	[sflag:s2] =	ssyncadd.s32 $0xFFFFFA00  }
0xdc: {  	[tilespmem:s20], [sflag:$0x3] =	stream.indirect.gather [hbm4b:s0+s19], $0x80, s17, s19, $0xb8;
	[tilespmem:$0x1C600] =	vst v63  }
0xdd: {  	v1 =	vld [tilespmem:$0x580]  }
0xde: {  	v2 =	vld [tilespmem:$0x590]  }
0xdf: {  	v3 =	vld [tilespmem:$0x5A0]  }
0xe0: {  	v50 =	vld [tilespmem:$0x5B0]  }
0xe1: {  	v51 =	vld [tilespmem:$0x5C0]  }
0xe2: {  	[tilespmem:$0x8C00] =	vst v1;
	v1 =	vld [tilespmem:$0x5D0]  }
0xe3: {  	[tilespmem:$0x8C10] =	vst v2;
	v2 =	vld [tilespmem:$0x5E0]  }
0xe4: {  	[tilespmem:$0x8C20] =	vst v3;
	v3 =	vld [tilespmem:$0x5F0]  }
0xe5: {  	[tilespmem:$0x8C30] =	vst v50  }
0xe6: {  	[tilespmem:$0x8C40] =	vst v51  }
0xe7: {  	[tilespmem:$0x8C50] =	vst v1  }
0xe8: {  	[tilespmem:$0x8C60] =	vst v2  }
0xe9: {  	[tilespmem:$0x8C70] =	vst v3  }
0xea: {  	_ =	swait.ge [sflag:s29], $0x4000  }
0xeb: {  	[sflag:s29] =	ssyncset.done $0x0  }
0xec: {  	s12 =	sadd.s32 s11, s16;
	[sflag:s29] =	ssyncadd.s32 $0xFFFFC000  }
0xed: {  	[tilespmem:s4], [sflag:$0x1] =	stream.linear.gather [hbm4b:s12+s4], $0x600, $0x38;
	[tilespmem:$0x1C600] =	vst v63  }
0xee: {  	_ = 	snop  }
0xef: {  	[spmem:s3] =	stream.indirect.scatter.add.f32 [tilespmem:s21], [sflag:$0x6], $0x80, s26, s19, $0xb8;
	[tilespmem:$0x1C600] =	vst v63  }
0xf0: {  	_ =	swait.ge [sflag:s22], $0x4000  }
0xf1: {  	[sflag:s22] =	ssyncset.done $0x0  }
0xf2: {  	[sflag:s22] =	ssyncadd.s32 $0xFFFFC000  }
0xf3: {  	[tilespmem:s21], [sflag:$0x4] =	stream.indirect.gather [hbm4b:s0+s19], $0x80, s10, s19, $0xb8;
	[tilespmem:$0x1C600] =	vst v63  }
0xf4: {  	v1 =	vld [tilespmem:$0x680]  }
0xf5: {  	v2 =	vld [tilespmem:$0x690]  }
0xf6: {  	v3 =	vld [tilespmem:$0x6A0]  }
0xf7: {  	v52 =	vld [tilespmem:$0x6B0]  }
0xf8: {  	v53 =	vld [tilespmem:$0x6C0]  }
0xf9: {  	[tilespmem:$0x8C00] =	vst v1;
	v1 =	vld [tilespmem:$0x6D0]  }
0xfa: {  	[tilespmem:$0x8C10] =	vst v2;
	v2 =	vld [tilespmem:$0x6E0]  }
0xfb: {  	[tilespmem:$0x8C20] =	vst v3;
	v3 =	vld [tilespmem:$0x6F0]  }
0xfc: {  	[tilespmem:$0x8C30] =	vst v52  }
0xfd: {  	[tilespmem:$0x8C40] =	vst v53  }
0xfe: {  	[tilespmem:$0x8C50] =	vst v1  }
0xff: {  	[tilespmem:$0x8C60] =	vst v2  }
0x100: {  	[tilespmem:$0x8C70] =	vst v3  }
0x101: {  	_ =	swait.ge [sflag:s24], $0x4000  }
0x102: {  	[sflag:s24] =	ssyncset.done $0x0  }
0x103: {  	[sflag:s24] =	ssyncadd.s32 $0xFFFFC000  }
0x104: {  	[spmem:s3] =	stream.indirect.scatter.add.f32 [tilespmem:s20], [sflag:$0x6], $0x80, s26, s19, $0xb8;
	[tilespmem:$0x1C600] =	vst v63  }
0x105: {  	_ =	swait.ge [sflag:s22], $0x4000  }
0x106: {  	[sflag:s22] =	ssyncset.done $0x0  }
0x107: {  	[sflag:s22] =	ssyncadd.s32 $0xFFFFC000  }
0x108: {  	[tilespmem:s20], [sflag:$0x3] =	stream.indirect.gather [hbm4b:s0+s19], $0x80, s25, s19, $0xb8;
	[tilespmem:$0x1C600] =	vst v63  }
0x109: {  	v1 =	vld [tilespmem:$0x780]  }
0x10a: {  	v2 =	vld [tilespmem:$0x790]  }
0x10b: {  	v3 =	vld [tilespmem:$0x7A0]  }
0x10c: {  	v54 =	vld [tilespmem:$0x7B0]  }
0x10d: {  	v55 =	vld [tilespmem:$0x7C0]  }
0x10e: {  	[tilespmem:$0x8C00] =	vst v1;
	v1 =	vld [tilespmem:$0x7D0]  }
0x10f: {  	[tilespmem:$0x8C10] =	vst v2;
	v2 =	vld [tilespmem:$0x7E0]  }
0x110: {  	[tilespmem:$0x8C20] =	vst v3;
	v3 =	vld [tilespmem:$0x7F0]  }
0x111: {  	[tilespmem:$0x8C30] =	vst v54  }
0x112: {  	[tilespmem:$0x8C40] =	vst v55  }
0x113: {  	[tilespmem:$0x8C50] =	vst v1  }
0x114: {  	[tilespmem:$0x8C60] =	vst v2  }
0x115: {  	[tilespmem:$0x8C70] =	vst v3  }
0x116: {  	_ =	swait.ge [sflag:s29], $0x4000  }
0x117: {  	[sflag:s29] =	ssyncset.done $0x0  }
0x118: {  	[sflag:s29] =	ssyncadd.s32 $0xFFFFC000  }
0x119: {  	[spmem:s3] =	stream.indirect.scatter.add.f32 [tilespmem:s21], [sflag:$0x6], $0x80, s26, s19, $0xb8;
	[tilespmem:$0x1C600] =	vst v63  }
0x11a: {  	_ =	swait.ge [sflag:s22], $0x4000  }
0x11b: {  	[sflag:s22] =	ssyncset.done $0x0  }
0x11c: {  	[sflag:s22] =	ssyncadd.s32 $0xFFFFC000  }
0x11d: {  	[tilespmem:s21], [sflag:$0x4] =	stream.indirect.gather [hbm4b:s0+s19], $0x80, s5, s19, $0xb8;
	[tilespmem:$0x1C600] =	vst v63  }
0x11e: {  	v1 =	vld [tilespmem:$0x880]  }
0x11f: {  	v2 =	vld [tilespmem:$0x890]  }
0x120: {  	v3 =	vld [tilespmem:$0x8A0]  }
0x121: {  	v56 =	vld [tilespmem:$0x8B0]  }
0x122: {  	v57 =	vld [tilespmem:$0x8C0]  }
0x123: {  	[tilespmem:$0x8C00] =	vst v1;
	v1 =	vld [tilespmem:$0x8D0]  }
0x124: {  	[tilespmem:$0x8C10] =	vst v2;
	v2 =	vld [tilespmem:$0x8E0]  }
0x125: {  	[tilespmem:$0x8C20] =	vst v3;
	v3 =	vld [tilespmem:$0x8F0]  }
0x126: {  	[tilespmem:$0x8C30] =	vst v56  }
0x127: {  	[tilespmem:$0x8C40] =	vst v57  }
0x128: {  	[tilespmem:$0x8C50] =	vst v1  }
0x129: {  	[tilespmem:$0x8C60] =	vst v2  }
0x12a: {  	[tilespmem:$0x8C70] =	vst v3  }
0x12b: {  	_ =	swait.ge [sflag:s24], $0x4000  }
0x12c: {  	[sflag:s24] =	ssyncset.done $0x0  }
0x12d: {  	[sflag:s24] =	ssyncadd.s32 $0xFFFFC000  }
0x12e: {  	[spmem:s3] =	stream.indirect.scatter.add.f32 [tilespmem:s20], [sflag:$0x6], $0x80, s26, s19, $0xb8;
	[tilespmem:$0x1C600] =	vst v63  }
0x12f: {  	_ =	swait.ge [sflag:s22], $0x4000  }
0x130: {  	[sflag:s22] =	ssyncset.done $0x0  }
0x131: {  	[sflag:s22] =	ssyncadd.s32 $0xFFFFC000  }
0x132: {  	[tilespmem:s20], [sflag:$0x3] =	stream.indirect.gather [hbm4b:s0+s19], $0x80, s7, s19, $0xb8;
	[tilespmem:$0x1C600] =	vst v63  }
0x133: {  	v1 =	vld [tilespmem:$0x980]  }
0x134: {  	v2 =	vld [tilespmem:$0x990]  }
0x135: {  	v3 =	vld [tilespmem:$0x9A0]  }
0x136: {  	v58 =	vld [tilespmem:$0x9B0]  }
0x137: {  	v59 =	vld [tilespmem:$0x9C0]  }
0x138: {  	[tilespmem:$0x8C00] =	vst v1;
	v1 =	vld [tilespmem:$0x9D0]  }
0x139: {  	[tilespmem:$0x8C10] =	vst v2;
	v2 =	vld [tilespmem:$0x9E0]  }
0x13a: {  	[tilespmem:$0x8C20] =	vst v3;
	v3 =	vld [tilespmem:$0x9F0]  }
0x13b: {  	[tilespmem:$0x8C30] =	vst v58  }
0x13c: {  	[tilespmem:$0x8C40] =	vst v59  }
0x13d: {  	[tilespmem:$0x8C50] =	vst v1  }
0x13e: {  	[tilespmem:$0x8C60] =	vst v2  }
0x13f: {  	[tilespmem:$0x8C70] =	vst v3  }
0x140: {  	_ =	swait.ge [sflag:s29], $0x4000  }
0x141: {  	[sflag:s29] =	ssyncset.done $0x0  }
0x142: {  	[sflag:s29] =	ssyncadd.s32 $0xFFFFC000  }
0x143: {  	[spmem:s3] =	stream.indirect.scatter.add.f32 [tilespmem:s21], [sflag:$0x6], $0x80, s26, s19, $0xb8;
	[tilespmem:$0x1C600] =	vst v63  }
0x144: {  	_ =	swait.ge [sflag:s22], $0x4000  }
0x145: {  	[sflag:s22] =	ssyncset.done $0x0  }
0x146: {  	[sflag:s22] =	ssyncadd.s32 $0xFFFFC000  }
0x147: {  	[tilespmem:s21], [sflag:$0x4] =	stream.indirect.gather [hbm4b:s0+s19], $0x80, s8, s19, $0xb8;
	[tilespmem:$0x1C600] =	vst v63  }
0x148: {  	v1 =	vld [tilespmem:$0xA80]  }
0x149: {  	v2 =	vld [tilespmem:$0xA90]  }
0x14a: {  	v3 =	vld [tilespmem:$0xAA0]  }
0x14b: {  	v60 =	vld [tilespmem:$0xAB0]  }
0x14c: {  	v61 =	vld [tilespmem:$0xAC0]  }
0x14d: {  	[tilespmem:$0x8C00] =	vst v1;
	v1 =	vld [tilespmem:$0xAD0]  }
0x14e: {  	[tilespmem:$0x8C10] =	vst v2;
	v2 =	vld [tilespmem:$0xAE0]  }
0x14f: {  	[tilespmem:$0x8C20] =	vst v3;
	v3 =	vld [tilespmem:$0xAF0]  }
0x150: {  	[tilespmem:$0x8C30] =	vst v60  }
0x151: {  	[tilespmem:$0x8C40] =	vst v61  }
0x152: {  	[tilespmem:$0x8C50] =	vst v1  }
0x153: {  	[tilespmem:$0x8C60] =	vst v2  }
0x154: {  	[tilespmem:$0x8C70] =	vst v3  }
0x155: {  	_ =	swait.ge [sflag:s24], $0x4000  }
0x156: {  	[sflag:s24] =	ssyncset.done $0x0  }
0x157: {  	[sflag:s24] =	ssyncadd.s32 $0xFFFFC000  }
0x158: {  	[spmem:s3] =	stream.indirect.scatter.add.f32 [tilespmem:s20], [sflag:$0x6], $0x80, s26, s19, $0xb8;
	[tilespmem:$0x1C600] =	vst v63  }
0x159: {  	_ =	swait.ge [sflag:s22], $0x4000  }
0x15a: {  	[sflag:s22] =	ssyncset.done $0x0  }
0x15b: {  	[sflag:s22] =	ssyncadd.s32 $0xFFFFC000  }
0x15c: {  	_ =	swait.ge [sflag:s18], $0x600  }
0x15d: {  	[sflag:s18] =	ssyncset.done $0x0  }
0x15e: {  	[sflag:s18] =	ssyncadd.s32 $0xFFFFFA00  }
0x15f: {  	[tilespmem:s20], [sflag:$0x3] =	stream.indirect.gather [hbm4b:s0+s19], $0x80, s4, s19, $0xb8;
	[tilespmem:$0x1C600] =	vst v63  }
0x160: {  	v1 =	vld [tilespmem:$0xB80]  }
0x161: {  	v2 =	vld [tilespmem:$0xB90]  }
0x162: {  	v3 =	vld [tilespmem:$0xBA0]  }
0x163: {  	v62 =	vld [tilespmem:$0xBB0]  }
0x164: {  	v63 =	vld [tilespmem:$0xBC0]  }
0x165: {  	[tilespmem:$0x8C00] =	vst v1;
	v1 =	vld [tilespmem:$0xBD0]  }
0x166: {  	[tilespmem:$0x8C10] =	vst v2;
	v2 =	vld [tilespmem:$0xBE0]  }
0x167: {  	[tilespmem:$0x8C20] =	vst v3;
	v3 =	vld [tilespmem:$0xBF0]  }
0x168: {  	[tilespmem:$0x8C30] =	vst v62  }
0x169: {  	[tilespmem:$0x8C40] =	vst v63  }
0x16a: {  	[tilespmem:$0x8C50] =	vst v1  }
0x16b: {  	[tilespmem:$0x8C60] =	vst v2  }
0x16c: {  	[tilespmem:$0x8C70] =	vst v3  }
0x16d: {  	p2 =	seq.s32 s11, $0x780;
	_ =	swait.ge [sflag:s29], $0x4000  }
0x16e: {  	s13 =	simm.s32 @!p2 $0x0;
	s14 =	simm.s32 @!p2 $0x600;
	[sflag:s29] =	ssyncset.done $0x0  }
0x16f: {  	s12 =	sadd.s32 @!p2 s11, s15;
	s11 =	sadd.s32 $0x180, s11;
	[sflag:s29] =	ssyncadd.s32 $0xFFFFC000  }
0x170: {  	[tilespmem:s14], [sflag:$0x2] =	stream.linear.gather @!p2 [hbm4b:s12+s13], $0x600, $0x38;
	[tilespmem:$0x1C600] =	vst v63  }
0x171: {  	p2 =	sne.s32 s11, $0x900  }
.Ltmp3:
0x172: {  	_ = 	snop;
	(pc) =	sbr.rel @p2 .LBB2_4-.Ltmp3, $4  }
0x173: {  	[spmem:s3] =	stream.indirect.scatter.add.f32 [tilespmem:s21], [sflag:$0x6], $0x80, s26, s19, $0xb8;
	[tilespmem:$0x1C600] =	vst v63  }
0x174: {  	_ =	swait.ge [sflag:s22], $0x4000  }
0x175: {  	[sflag:s22] =	ssyncset.done $0x0  }
0x176: {  	[sflag:s22] =	ssyncadd.s32 $0xFFFFC000  }
0x177: {  	[tilespmem:s21], [sflag:$0x4] =	stream.indirect.gather [hbm4b:s0+s19], $0x80, s23, s19, $0xb8;
	[tilespmem:$0x1C600] =	vst v63  }
0x178: {  	v1 =	vld [tilespmem:$0x80]  }
0x179: {  	v2 =	vld [tilespmem:$0x90]  }
0x17a: {  	v3 =	vld [tilespmem:$0xA0]  }
0x17b: {  	v4 =	vld [tilespmem:$0xB0]  }
0x17c: {  	v5 =	vld [tilespmem:$0xC0]  }
0x17d: {  	[tilespmem:$0x8C00] =	vst v1;
	v1 =	vld [tilespmem:$0xD0]  }
0x17e: {  	[tilespmem:$0x8C10] =	vst v2;
	v2 =	vld [tilespmem:$0xE0]  }
0x17f: {  	[tilespmem:$0x8C20] =	vst v3;
	v3 =	vld [tilespmem:$0xF0]  }
0x180: {  	[tilespmem:$0x8C30] =	vst v4  }
0x181: {  	[tilespmem:$0x8C40] =	vst v5  }
0x182: {  	[tilespmem:$0x8C50] =	vst v1  }
0x183: {  	[tilespmem:$0x8C60] =	vst v2  }
0x184: {  	[tilespmem:$0x8C70] =	vst v3  }
0x185: {  	_ =	swait.ge [sflag:s24], $0x4000  }
0x186: {  	[sflag:s24] =	ssyncset.done $0x0  }
0x187: {  	[sflag:s24] =	ssyncadd.s32 $0xFFFFC000  }
0x188: {  	[spmem:s3] =	stream.indirect.scatter.add.f32 [tilespmem:s20], [sflag:$0x6], $0x80, s26, s19, $0xb8;
	[tilespmem:$0x1C600] =	vst v63  }
0x189: {  	_ =	swait.ge [sflag:s22], $0x4000  }
0x18a: {  	[sflag:s22] =	ssyncset.done $0x0  }
0x18b: {  	[sflag:s22] =	ssyncadd.s32 $0xFFFFC000  }
0x18c: {  	[tilespmem:s20], [sflag:$0x3] =	stream.indirect.gather [hbm4b:s0+s19], $0x80, s28, s19, $0xb8;
	[tilespmem:$0x1C600] =	vst v63  }
0x18d: {  	v1 =	vld [tilespmem:$0x180]  }
0x18e: {  	v2 =	vld [tilespmem:$0x190]  }
0x18f: {  	v3 =	vld [tilespmem:$0x1A0]  }
0x190: {  	v54 =	vld [tilespmem:$0x1B0]  }
0x191: {  	v55 =	vld [tilespmem:$0x1C0]  }
0x192: {  	[tilespmem:$0x8C00] =	vst v1;
	v1 =	vld [tilespmem:$0x1D0]  }
0x193: {  	[tilespmem:$0x8C10] =	vst v2;
	v2 =	vld [tilespmem:$0x1E0]  }
0x194: {  	[tilespmem:$0x8C20] =	vst v3;
	v3 =	vld [tilespmem:$0x1F0]  }
0x195: {  	[tilespmem:$0x8C30] =	vst v54  }
0x196: {  	[tilespmem:$0x8C40] =	vst v55  }
0x197: {  	[tilespmem:$0x8C50] =	vst v1  }
0x198: {  	[tilespmem:$0x8C60] =	vst v2  }
0x199: {  	[tilespmem:$0x8C70] =	vst v3  }
0x19a: {  	_ =	swait.ge [sflag:s29], $0x4000  }
0x19b: {  	[sflag:s29] =	ssyncset.done $0x0  }
0x19c: {  	[sflag:s29] =	ssyncadd.s32 $0xFFFFC000  }
0x19d: {  	[spmem:s3] =	stream.indirect.scatter.add.f32 [tilespmem:s21], [sflag:$0x6], $0x80, s26, s19, $0xb8;
	[tilespmem:$0x1C600] =	vst v63  }
0x19e: {  	_ =	swait.ge [sflag:s22], $0x4000  }
0x19f: {  	[sflag:s22] =	ssyncset.done $0x0  }
0x1a0: {  	[sflag:s22] =	ssyncadd.s32 $0xFFFFC000  }
0x1a1: {  	[tilespmem:s21], [sflag:$0x4] =	stream.indirect.gather [hbm4b:s0+s19], $0x80, s30, s19, $0xb8;
	[tilespmem:$0x1C600] =	vst v63  }
0x1a2: {  	v1 =	vld [tilespmem:$0x280]  }
0x1a3: {  	v2 =	vld [tilespmem:$0x290]  }
0x1a4: {  	v3 =	vld [tilespmem:$0x2A0]  }
0x1a5: {  	v56 =	vld [tilespmem:$0x2B0]  }
0x1a6: {  	v57 =	vld [tilespmem:$0x2C0]  }
0x1a7: {  	[tilespmem:$0x8C00] =	vst v1;
	v1 =	vld [tilespmem:$0x2D0]  }
0x1a8: {  	[tilespmem:$0x8C10] =	vst v2;
	v2 =	vld [tilespmem:$0x2E0]  }
0x1a9: {  	[tilespmem:$0x8C20] =	vst v3;
	v3 =	vld [tilespmem:$0x2F0]  }
0x1aa: {  	[tilespmem:$0x8C30] =	vst v56  }
0x1ab: {  	[tilespmem:$0x8C40] =	vst v57  }
0x1ac: {  	[tilespmem:$0x8C50] =	vst v1  }
0x1ad: {  	[tilespmem:$0x8C60] =	vst v2  }
0x1ae: {  	[tilespmem:$0x8C70] =	vst v3  }
0x1af: {  	_ =	swait.ge [sflag:s24], $0x4000  }
0x1b0: {  	[sflag:s24] =	ssyncset.done $0x0  }
0x1b1: {  	[sflag:s24] =	ssyncadd.s32 $0xFFFFC000  }
0x1b2: {  	[spmem:s3] =	stream.indirect.scatter.add.f32 [tilespmem:s20], [sflag:$0x6], $0x80, s26, s19, $0xb8;
	[tilespmem:$0x1C600] =	vst v63  }
0x1b3: {  	_ =	swait.ge [sflag:s22], $0x4000  }
0x1b4: {  	[sflag:s22] =	ssyncset.done $0x0  }
0x1b5: {  	[sflag:s22] =	ssyncadd.s32 $0xFFFFC000  }
0x1b6: {  	[tilespmem:s20], [sflag:$0x3] =	stream.indirect.gather [hbm4b:s0+s19], $0x80, s31, s19, $0xb8;
	[tilespmem:$0x1C600] =	vst v63  }
0x1b7: {  	v1 =	vld [tilespmem:$0x380]  }
0x1b8: {  	v2 =	vld [tilespmem:$0x390]  }
0x1b9: {  	v3 =	vld [tilespmem:$0x3A0]  }
0x1ba: {  	v58 =	vld [tilespmem:$0x3B0]  }
0x1bb: {  	v59 =	vld [tilespmem:$0x3C0]  }
0x1bc: {  	[tilespmem:$0x8C00] =	vst v1;
	v1 =	vld [tilespmem:$0x3D0]  }
0x1bd: {  	[tilespmem:$0x8C10] =	vst v2;
	v2 =	vld [tilespmem:$0x3E0]  }
0x1be: {  	[tilespmem:$0x8C20] =	vst v3;
	v3 =	vld [tilespmem:$0x3F0]  }
0x1bf: {  	[tilespmem:$0x8C30] =	vst v58  }
0x1c0: {  	[tilespmem:$0x8C40] =	vst v59  }
0x1c1: {  	[tilespmem:$0x8C50] =	vst v1  }
0x1c2: {  	[tilespmem:$0x8C60] =	vst v2  }
0x1c3: {  	[tilespmem:$0x8C70] =	vst v3  }
0x1c4: {  	_ =	swait.ge [sflag:s29], $0x4000  }
0x1c5: {  	[sflag:s29] =	ssyncset.done $0x0  }
0x1c6: {  	[sflag:s29] =	ssyncadd.s32 $0xFFFFC000  }
0x1c7: {  	[spmem:s3] =	stream.indirect.scatter.add.f32 [tilespmem:s21], [sflag:$0x6], $0x80, s26, s19, $0xb8;
	[tilespmem:$0x1C600] =	vst v63  }
0x1c8: {  	_ =	swait.ge [sflag:s22], $0x4000  }
0x1c9: {  	[sflag:s22] =	ssyncset.done $0x0  }
0x1ca: {  	[sflag:s22] =	ssyncadd.s32 $0xFFFFC000  }
0x1cb: {  	[tilespmem:s21], [sflag:$0x4] =	stream.indirect.gather [hbm4b:s0+s19], $0x80, s1, s19, $0xb8;
	[tilespmem:$0x1C600] =	vst v63  }
0x1cc: {  	v1 =	vld [tilespmem:$0x480]  }
0x1cd: {  	v2 =	vld [tilespmem:$0x490]  }
0x1ce: {  	v3 =	vld [tilespmem:$0x4A0]  }
0x1cf: {  	v60 =	vld [tilespmem:$0x4B0]  }
0x1d0: {  	v61 =	vld [tilespmem:$0x4C0]  }
0x1d1: {  	[tilespmem:$0x8C00] =	vst v1;
	v1 =	vld [tilespmem:$0x4D0]  }
0x1d2: {  	[tilespmem:$0x8C10] =	vst v2;
	v2 =	vld [tilespmem:$0x4E0]  }
0x1d3: {  	[tilespmem:$0x8C20] =	vst v3;
	v3 =	vld [tilespmem:$0x4F0]  }
0x1d4: {  	[tilespmem:$0x8C30] =	vst v60  }
0x1d5: {  	[tilespmem:$0x8C40] =	vst v61  }
0x1d6: {  	[tilespmem:$0x8C50] =	vst v1  }
0x1d7: {  	[tilespmem:$0x8C60] =	vst v2  }
0x1d8: {  	[tilespmem:$0x8C70] =	vst v3  }
0x1d9: {  	_ =	swait.ge [sflag:s24], $0x4000  }
0x1da: {  	[sflag:s24] =	ssyncset.done $0x0  }
0x1db: {  	[sflag:s24] =	ssyncadd.s32 $0xFFFFC000  }
0x1dc: {  	[spmem:s3] =	stream.indirect.scatter.add.f32 [tilespmem:s20], [sflag:$0x6], $0x80, s26, s19, $0xb8;
	[tilespmem:$0x1C600] =	vst v63  }
0x1dd: {  	_ =	swait.ge [sflag:s22], $0x4000  }
0x1de: {  	[sflag:s22] =	ssyncset.done $0x0  }
0x1df: {  	s11 =	simm.s32 @!p0 $0x5;
	[sflag:s22] =	ssyncadd.s32 $0xFFFFC000  }
0x1e0: {  	_ =	swait.ge @!p0 [sflag:s11], $0x100  }
0x1e1: {  	s12 =	simm.s32 @!p0 $0x8C80;
	[sflag:s11] =	ssyncset.done @!p0 $0x0  }
0x1e2: {  	s13 =	simm.s32 @!p0 $0xC00;
	[sflag:s11] =	ssyncadd.s32 @!p0 $0xFFFFFF00;
	s11 =	simm.s32 @!p0 $0x80  }
0x1e3: {  	[tilespmem:s13], [sflag:$0x3] =	stream.indirect.gather @!p0 [hbm4b:s0+s11], $0x80, s12, s11, $0xb8;
	[tilespmem:$0x1C600] =	vst v63  }
0x1e4: {  	v1 =	vld [tilespmem:$0x580]  }
0x1e5: {  	v2 =	vld [tilespmem:$0x590]  }
0x1e6: {  	v3 =	vld [tilespmem:$0x5A0]  }
0x1e7: {  	v62 =	vld [tilespmem:$0x5B0]  }
0x1e8: {  	v63 =	vld [tilespmem:$0x5C0]  }
0x1e9: {  	[tilespmem:$0x8C00] =	vst v1;
	v1 =	vld [tilespmem:$0x5D0]  }
0x1ea: {  	[tilespmem:$0x8C10] =	vst v2;
	v2 =	vld [tilespmem:$0x5E0]  }
0x1eb: {  	[tilespmem:$0x8C20] =	vst v3;
	v3 =	vld [tilespmem:$0x5F0]  }
0x1ec: {  	[tilespmem:$0x8C30] =	vst v62  }
0x1ed: {  	[tilespmem:$0x8C40] =	vst v63  }
0x1ee: {  	[tilespmem:$0x8C50] =	vst v1  }
0x1ef: {  	[tilespmem:$0x8C60] =	vst v2  }
0x1f0: {  	[tilespmem:$0x8C70] =	vst v3  }
0x1f1: {  	_ =	swait.ge [sflag:s29], $0x4000  }
0x1f2: {  	[sflag:s29] =	ssyncset.done $0x0  }
.Ltmp4:
0x1f3: {  	[sflag:s29] =	ssyncadd.s32 $0xFFFFC000;
	(pc) =	sbr.rel @!p0 .LBB2_6-.Ltmp4, $4  }
0x1f4: {  	[spmem:s3] =	stream.indirect.scatter.add.f32 [tilespmem:s21], [sflag:$0x6], $0x80, s26, s19, $0xb8;
	[tilespmem:$0x1C600] =	vst v63  }
0x1f5: {  	_ =	swait.ge [sflag:s22], $0x4000  }
0x1f6: {  	[sflag:s22] =	ssyncset.done $0x0  }
0x1f7: {  	[sflag:s22] =	ssyncadd.s32 $0xFFFFC000  }
.Ltmp5:
0x1f8: {  	(pc) =	sbr.rel @p1 .LBB2_9-.Ltmp5, $4  }
.Ltmp6:
0x1f9: {  	(pc) =	sbr.rel @!p1 .LBB2_8-.Ltmp6, $4  }
0x1fa: {  	_ = 	snop  }
0x1fb: {  	[bflag:$0x0] =	sbarrier.arrive $0xFFFF  }
0x1fc: {  	_ = 	snop  }
0x1fd: {  	_ = 	snop  }
.LBB2_10:
0x1fe: {  	_ =	sfence.sel $0x180000  }
0x1ff: {  	[bflag:$0x0] =	sbarrier.arrive $0xFFFF  }
0x200: {  	_ =	strace $0x90000047  }
0x201: {  	s0 =	stileid.u32;
	[bflag:$0x2] =	sbarrier.arrive $0xFFFF  }
0x202: {  	p0 =	sne.s32 s0, $0x0;
	s0 =	rddreg [dreg:$0x4]  }
0x203: {  	s0 =	sadd.s32 @!p0 $0x100000, s0  }
0x204: {  	[sflag:s0] =	ssyncadd.tile.s32 @!p0 $0x1;
	_ =	shalt  }
.Lfunc_end2:
_tile_overlayer_lowered:
.L_overlay_start_2:
0x205: {  	(tag) =	ssettag $0x2  }
0x206: {  	s0 =	rddreg [dreg:$0x0];
	s2 =	stileid.u32  }
0x207: {  	s1 =	rddreg [dreg:$0x1];
	p0 =	sne.s32 s2, $0x0  }
0x208: {  	s3 =	rddreg [dreg:$0x2];
	[bflag:$0x3] =	sbarrier.arrive $0xFFFF;
	s2 =	simm.s32 @!p0 $0x1C06  }
0x209: {  	[timem:s3], [sflag:s2] =	dma.local @!p0 [hbm:s0], s1  }
0x20a: {  	s0 =	simm.s32 @!p0 $0x6  }
0x20b: {  	_ =	swait.ge @!p0 [sflag:s0], s1  }
0x20c: {  	s1 =	ssub.s32 @!p0 $0x0, s1;
	[sflag:s0] =	ssyncset.done @!p0 $0x0  }
0x20d: {  	[sflag:s0] =	ssyncadd.s32 @!p0 s1  }
0x20e: {  	[bflag:$0x3] =	sbarrier.arrive $0xFFFF  }
0x20f: {  	_ =	shalt  }

</sc_bundles>
